<compile_context>
chip_gen: v7x
topology: tpu7x:2x2x1
jax: 0.10.2.dev20260603
libtpu: 0.0.44.dev20260713+nightly
codegen_flags: <defaults>
</compile_context>

<pallas_src>
import functools

import jax
import jax.numpy as jnp
from jax import lax
from jax.experimental import pallas as pl
from jax.experimental.pallas import tpu as pltpu
from jax.experimental.pallas import tpu_sc as plsc

NC = 2
NS = 16
NW = NC * NS


def _vmesh():
  return plsc.VectorSubcoreMesh(
      core_axis_name="c", subcore_axis_name="s", num_cores=NC, num_subcores=NS)


def _make_prep(n, e):
  ept = e // NW

  @functools.partial(
      pl.kernel,
      out_type=(
          jax.ShapeDtypeStruct((NW, n), jnp.float32),
          jax.ShapeDtypeStruct((e,), jnp.int32),
      ),
      mesh=_vmesh(),
      compiler_params=pltpu.CompilerParams(needs_layout_passes=False),
      scratch_types=[
          pltpu.VMEM((ept,), jnp.int32),
          pltpu.VMEM((ept,), jnp.int32),
          pltpu.VMEM((ept,), jnp.int32),
          pltpu.VMEM((n,), jnp.float32),
          pltpu.SemaphoreType.DMA,
      ],
  )
  def prep(src_hbm, dst_hbm, deg_out, pk_out, src_v, dst_v, pk_v, deg_v, sem):
    wid = lax.axis_index("s") * NC + lax.axis_index("c")
    base = wid * ept
    pltpu.make_async_copy(src_hbm.at[pl.ds(base, ept)], src_v, sem).start()
    pltpu.make_async_copy(dst_hbm.at[pl.ds(base, ept)], dst_v, sem).start()

    zeros = jnp.zeros((16,), jnp.float32)

    @plsc.parallel_loop(0, n, 16, unroll=5)
    def _(i):
      deg_v[pl.ds(i, 16)] = zeros

    pltpu.make_async_copy(src_hbm.at[pl.ds(base, ept)], src_v, sem).wait()
    pltpu.make_async_copy(dst_hbm.at[pl.ds(base, ept)], dst_v, sem).wait()

    ones = jnp.ones((16,), jnp.float32)

    @plsc.parallel_loop(0, ept, 16, unroll=5)
    def _(i):
      sv = src_v[pl.ds(i, 16)]
      dv = dst_v[pl.ds(i, 16)]
      pk_v[pl.ds(i, 16)] = jnp.bitwise_or(sv, lax.shift_left(dv, 16))
      plsc.addupdate_scatter(deg_v, [dv], ones)

    pltpu.sync_copy(deg_v, deg_out.at[wid])
    pltpu.sync_copy(pk_v, pk_out.at[pl.ds(base, ept)])

  return prep


def _make_agg(n, e, h, ch=3200, unroll=8, ncols=4, nsplit=2):
  ept = e // nsplit
  nch = ept // ch
  assert nch * ch == ept and nch % 2 == 0 and ch % 16 == 0
  assert ncols * (NW // nsplit) == h and NW % nsplit == 0

  @functools.partial(
      pl.kernel,
      out_type=jax.ShapeDtypeStruct((nsplit, h, n), jnp.float32),
      mesh=_vmesh(),
      compiler_params=pltpu.CompilerParams(needs_layout_passes=False),
      scratch_types=[
          [pltpu.VMEM((n,), jnp.float32) for _ in range(ncols)],
          [pltpu.VMEM((n,), jnp.float32) for _ in range(ncols)],
          pltpu.VMEM((ch,), jnp.int32),
          pltpu.VMEM((ch,), jnp.int32),
          pltpu.SemaphoreType.DMA,
          pltpu.SemaphoreType.DMA,
          pltpu.SemaphoreType.DMA,
      ],
  )
  def agg(g_hbm, pk_hbm, acc_out, cols, accs, pkb0, pkb1, sem0, sem1, semc):
    wid = lax.axis_index("s") * NC + lax.axis_index("c")
    cg = wid // nsplit
    es = wid % nsplit
    r0 = cg * ncols
    ebase = es * ept
    for j in range(ncols):
      pltpu.make_async_copy(g_hbm.at[r0 + j], cols[j], semc).start()
    pltpu.make_async_copy(pk_hbm.at[pl.ds(ebase, ch)], pkb0, sem0).start()
    pltpu.make_async_copy(pk_hbm.at[pl.ds(ebase + ch, ch)], pkb1, sem1).start()

    zeros = jnp.zeros((16,), jnp.float32)

    @plsc.parallel_loop(0, n, 16, unroll=5)
    def _(i):
      for j in range(ncols):
        accs[j][pl.ds(i, 16)] = zeros

    for j in range(ncols):
      pltpu.make_async_copy(g_hbm.at[r0 + j], cols[j], semc).wait()

    mask16 = jnp.int32(0xFFFF)

    def process(buf):
      @plsc.parallel_loop(0, ch, 16, unroll=unroll)
      def _(i):
        pk = buf[pl.ds(i, 16)]
        sv = jnp.bitwise_and(pk, mask16)
        dv = lax.shift_right_logical(pk, 16)
        for j in range(ncols):
          plsc.addupdate_scatter(accs[j], [dv], plsc.load_gather(cols[j], [sv]))

    def chunk_pair(k, carry):
      pltpu.make_async_copy(pk_hbm.at[pl.ds(ebase, ch)], pkb0, sem0).wait()
      process(pkb0)

      @pl.when(k < nch // 2 - 1)
      def _():
        pltpu.make_async_copy(
            pk_hbm.at[pl.ds(ebase + (2 * k + 2) * ch, ch)], pkb0, sem0).start()

      pltpu.make_async_copy(pk_hbm.at[pl.ds(ebase, ch)], pkb1, sem1).wait()
      process(pkb1)

      @pl.when(k < nch // 2 - 1)
      def _():
        pltpu.make_async_copy(
            pk_hbm.at[pl.ds(ebase + (2 * k + 3) * ch, ch)], pkb1, sem1).start()

      return carry

    lax.fori_loop(0, nch // 2, chunk_pair, 0)

    for j in range(ncols):
      pltpu.sync_copy(accs[j], acc_out.at[es, r0 + j])

  return agg


def _tc_first(deg_ref, x_ref, w_ref, dis_ref, g_ref):
  deg = jnp.sum(deg_ref[...], axis=0, keepdims=True) + 1.0
  dis = lax.rsqrt(deg)
  dis_ref[...] = dis
  hw = lax.dot_general(w_ref[...], x_ref[...], (((0,), (1,)), ((), ())),
                       preferred_element_type=jnp.float32, precision=lax.Precision.HIGHEST)
  g_ref[...] = hw * dis


def _tc_mid(acc_ref, g_ref, dis_ref, b_ref, w_ref, gn_ref):
  dis = dis_ref[...]
  acc = jnp.sum(acc_ref[...], axis=0)
  hidden = jnp.maximum(dis * (acc + g_ref[...]) + b_ref[...], 0.0)
  hw = lax.dot_general(w_ref[...], hidden, (((0,), (0,)), ((), ())),
                       preferred_element_type=jnp.float32, precision=lax.Precision.HIGHEST)
  gn_ref[...] = hw * dis


def _make_tc_final(g_seg):
  def tc_final(acc_ref, g_ref, dis_ref, b_ref, batch_ref, wc_ref, bc_ref,
               out_ref):
    dis = dis_ref[...]
    acc = jnp.sum(acc_ref[...], axis=0)
    hidden = jnp.maximum(dis * (acc + g_ref[...]) + b_ref[...], 0.0)
    n = hidden.shape[1]
    gid = lax.broadcasted_iota(jnp.int32, (g_seg, n), 0).astype(jnp.float32)
    member = (gid == batch_ref[...]).astype(jnp.float32)
    sums = lax.dot_general(hidden, member, (((1,), (1,)), ((), ())),
                           preferred_element_type=jnp.float32, precision=lax.Precision.HIGHEST)
    cnts = jnp.sum(member, axis=1, keepdims=True)
    num = lax.dot_general(sums, wc_ref[...], (((0,), (0,)), ((), ())),
                          preferred_element_type=jnp.float32, precision=lax.Precision.HIGHEST)
    out_ref[...] = num / jnp.maximum(cnts, 1.0) + bc_ref[...]

  return tc_final


def kernel(x, edge_index, batch, W1, b1, W2, b2, W3, b3, Wc, bc):
  n, d = x.shape
  h = W1.shape[1]
  c = Wc.shape[1]
  e = edge_index.shape[1]
  g_seg = 64

  src = edge_index[0].astype(jnp.int32)
  dst = edge_index[1].astype(jnp.int32)
  batch_f = batch.astype(jnp.float32).reshape(1, n)
  b1r = b1.reshape(h, 1)
  b2r = b2.reshape(h, 1)
  b3r = b3.reshape(h, 1)
  bcr = bc.reshape(1, c)

  deg_parts, packed = _make_prep(n, e)(src, dst)

  dis, g1 = pl.pallas_call(
      _tc_first,
      out_shape=(jax.ShapeDtypeStruct((1, n), jnp.float32),
                 jax.ShapeDtypeStruct((h, n), jnp.float32)),
  )(deg_parts, x, W1)

  agg = _make_agg(n, e, h)

  acc1 = agg(g1, packed)
  g2 = pl.pallas_call(
      _tc_mid, out_shape=jax.ShapeDtypeStruct((h, n), jnp.float32),
  )(acc1, g1, dis, b1r, W2)

  acc2 = agg(g2, packed)
  g3 = pl.pallas_call(
      _tc_mid, out_shape=jax.ShapeDtypeStruct((h, n), jnp.float32),
  )(acc2, g2, dis, b2r, W3)

  acc3 = agg(g3, packed)
  out = pl.pallas_call(
      _make_tc_final(g_seg),
      out_shape=jax.ShapeDtypeStruct((g_seg, c), jnp.float32),
  )(acc3, g3, dis, b3r, batch_f, Wc, bcr)

  return out

# --- scband reference (transcript-rebuilt; emitter-appended) ---
"""Pipeline reference for scband-graph-neural-network-54966991454554 (READ-ONLY COPY).

The authoritative reference and input builder live on the scoring server;
editing this copy changes nothing except your own understanding.
"""

import jax, jax.numpy as jnp
import numpy as np

N = 10000
E = 320000
D = 128
H = 64
C = 2
G = 64


def setup_inputs(seed: int = 0) -> dict:
    key = jax.random.key(seed)
    ks = jax.random.split(key, 12)
    x = jax.random.normal(ks[0], (N, D), dtype=jnp.float32)
    edge_index = jax.random.randint(ks[1], (2, E), 0, N).astype(jnp.int64)
    batch = jnp.sort(jax.random.randint(ks[2], (N,), 0, G)).astype(jnp.int64)
    s1 = 1.0 / np.sqrt(D)
    sh = 1.0 / np.sqrt(H)
    W1 = jax.random.uniform(ks[3], (D, H), jnp.float32, -s1, s1)
    b1 = jnp.zeros((H,), jnp.float32)
    W2 = jax.random.uniform(ks[4], (H, H), jnp.float32, -sh, sh)
    b2 = jnp.zeros((H,), jnp.float32)
    W3 = jax.random.uniform(ks[5], (H, H), jnp.float32, -sh, sh)
    b3 = jnp.zeros((H,), jnp.float32)
    Wc = jax.random.uniform(ks[6], (H, C), jnp.float32, -sh, sh)
    bc = jnp.zeros((C,), jnp.float32)
    return {"x": x, "edge_index": edge_index, "batch": batch,
            "W1": W1, "b1": b1, "W2": W2, "b2": b2,
            "W3": W3, "b3": b3, "Wc": Wc, "bc": bc}


def _gcn_conv(x, edge_index, W, b):
    # GCNConv: D^{-1/2} (A + I) D^{-1/2} X W + b  (with self-loops)
    n = x.shape[0]
    loop = jnp.arange(n, dtype=edge_index.dtype)
    src = jnp.concatenate([edge_index[0], loop])
    dst = jnp.concatenate([edge_index[1], loop])
    deg = jnp.zeros((n,), x.dtype).at[dst].add(1.0)
    dis = jax.lax.rsqrt(jnp.maximum(deg, 1.0))
    norm = dis[src] * dis[dst]
    h = x @ W
    msg = h[src] * norm[:, None]
    out = jnp.zeros((n, W.shape[1]), x.dtype).at[dst].add(msg)
    return out + b


def reference(x, edge_index, batch, W1, b1, W2, b2, W3, b3, Wc, bc):
    h = jax.nn.relu(_gcn_conv(x, edge_index, W1, b1))
    # dropout is identity in eval mode
    h = jax.nn.relu(_gcn_conv(h, edge_index, W2, b2))
    h = jax.nn.relu(_gcn_conv(h, edge_index, W3, b3))
    sums = jax.ops.segment_sum(h, batch, num_segments=G)
    cnts = jax.ops.segment_sum(jnp.ones((N, 1), h.dtype), batch, num_segments=G)
    pooled = sums / jnp.maximum(cnts, 1.0)
    return pooled @ Wc + bc

if __name__ == "__main__":
    import jax
    _d = setup_inputs()
    print(jax.jit(kernel)(*tuple(_d.values())))

</pallas_src>

<mosaic_0001>
#map = affine_map<(d0, d1) -> (0, 0)>
#map1 = affine_map<(d0, d1) -> (0)>
#map2 = affine_map<(d0, d1) -> (0, 0, 0)>
module attributes {stable_mosaic.version = 14 : i64} {
  func.func @agg(%arg0: i32, %arg1: i32, %arg2: memref<64x10000xf32, #tpu.memory_space<hbm>>, %arg3: memref<320000xi32, #tpu.memory_space<hbm>>, %arg4: memref<2x64x10000xf32, #tpu.memory_space<hbm>>, %arg5: memref<10000xf32, #tpu.memory_space<vmem>>, %arg6: memref<10000xf32, #tpu.memory_space<vmem>>, %arg7: memref<10000xf32, #tpu.memory_space<vmem>>, %arg8: memref<10000xf32, #tpu.memory_space<vmem>>, %arg9: memref<10000xf32, #tpu.memory_space<vmem>>, %arg10: memref<10000xf32, #tpu.memory_space<vmem>>, %arg11: memref<10000xf32, #tpu.memory_space<vmem>>, %arg12: memref<10000xf32, #tpu.memory_space<vmem>>, %arg13: memref<3200xi32, #tpu.memory_space<vmem>>, %arg14: memref<3200xi32, #tpu.memory_space<vmem>>, %arg15: memref<!tpu.dma_semaphore, #tpu.memory_space<semaphore_mem>>, %arg16: memref<!tpu.dma_semaphore, #tpu.memory_space<semaphore_mem>>, %arg17: memref<!tpu.dma_semaphore, #tpu.memory_space<semaphore_mem>>) attributes {dimension_semantics = [#tpu.dimension_semantics<core_parallel>, #tpu.dimension_semantics<subcore_parallel>], iteration_bounds = array<i64: 2, 16>, scalar_prefetch = 0 : i64, scratch_operands = 13 : i64, tpu.core_type = #tpu.core_type<sc_vector_subcore>, window_params = [{transform_indices = #map}, {transform_indices = #map1}, {transform_indices = #map2}]} {
    %mul3A = arith.constant 2 : i32
    %mul3A_0 = arith.muli %arg1, %mul3A : i32
    %add3A = arith.addi %mul3A_0, %arg0 : i32
    %jit3A = arith.constant 2 : i32
    %div3A = arith.divsi %add3A, %jit3A : i32
    %sign3A = arith.constant 0 : i32
    %sign3A_1 = arith.cmpi sgt, %add3A, %sign3A : i32
    %sign3A_2 = arith.extui %sign3A_1 : i1 to i32
    %sign3A_3 = arith.constant 0 : i32
    %sign3A_4 = arith.cmpi slt, %add3A, %sign3A_3 : i32
    %sign3A_5 = arith.extui %sign3A_4 : i1 to i32
    %sign3A_6 = arith.subi %sign3A_2, %sign3A_5 : i32
    %sign3A_7 = arith.constant 0 : i32
    %sign3A_8 = arith.cmpi sgt, %jit3A, %sign3A_7 : i32
    %sign3A_9 = arith.extui %sign3A_8 : i1 to i32
    %sign3A_10 = arith.constant 0 : i32
    %sign3A_11 = arith.cmpi slt, %jit3A, %sign3A_10 : i32
    %sign3A_12 = arith.extui %sign3A_11 : i1 to i32
    %sign3A_13 = arith.subi %sign3A_9, %sign3A_12 : i32
    %ne3A = arith.cmpi ne, %sign3A_6, %sign3A_13 : i32
    %rem3A = arith.remsi %add3A, %jit3A : i32
    %ne3A_14 = arith.constant 0 : i32
    %ne3A_15 = arith.cmpi ne, %rem3A, %ne3A_14 : i32
    %and3A = arith.andi %ne3A, %ne3A_15 : i1
    %sub3A = arith.constant 1 : i32
    %sub3A_16 = arith.subi %div3A, %sub3A : i32
    %select_n3A = arith.select %and3A, %sub3A_16, %div3A : i32
    %jit3A_17 = arith.constant 2 : i32
    %eq3A = arith.constant 0 : i32
    %eq3A_18 = arith.cmpi eq, %jit3A_17, %eq3A : i32
    %jit3A_19 = arith.constant 1 : i32
    %select_n3A_20 = arith.select %eq3A_18, %jit3A_19, %jit3A_17 : i32
    %rem3A_21 = arith.remsi %add3A, %select_n3A_20 : i32
    %ne3A_22 = arith.constant 0 : i32
    %ne3A_23 = arith.cmpi ne, %rem3A_21, %ne3A_22 : i32
    %lt3A = arith.constant 0 : i32
    %lt3A_24 = arith.cmpi slt, %rem3A_21, %lt3A : i32
    %lt3A_25 = arith.constant 0 : i32
    %lt3A_26 = arith.cmpi slt, %select_n3A_20, %lt3A_25 : i32
    %ne3A_27 = arith.xori %lt3A_24, %lt3A_26 : i1
    %and3A_28 = arith.andi %ne3A_27, %ne3A_23 : i1
    %add3A_29 = arith.addi %rem3A_21, %select_n3A_20 : i32
    %select_n3A_30 = arith.select %and3A_28, %add3A_29, %rem3A_21 : i32
    %mul3A_31 = arith.constant 4 : i32
    %mul3A_32 = arith.muli %select_n3A, %mul3A_31 : i32
    %mul3A_33 = arith.constant 160000 : i32
    %mul3A_34 = arith.muli %select_n3A_30, %mul3A_33 : i32
    %add3A_35 = arith.constant 0 : i32
    %add3A_36 = arith.addi %mul3A_32, %add3A_35 : i32
    %dma_start3A = arith.constant 0 : i32
    %dma_start3A_37 = tpu.memref_slice %arg2[%add3A_36, %dma_start3A] : memref<64x10000xf32, #tpu.memory_space<hbm>> -> memref<1x10000xf32, #tpu.memory_space<hbm>>
    %dma_start3A_38 = tpu.memref_squeeze %dma_start3A_37 : memref<1x10000xf32, #tpu.memory_space<hbm>> -> memref<10000xf32, #tpu.memory_space<hbm>>
    %dma_start3A_39 = arith.constant 0 : i32
    %dma_start3A_40 = tpu.memref_slice %arg2[%add3A_36, %dma_start3A_39] : memref<64x10000xf32, #tpu.memory_space<hbm>> -> memref<1x10000xf32, #tpu.memory_space<hbm>>
    %dma_start3A_41 = tpu.memref_squeeze %dma_start3A_40 : memref<1x10000xf32, #tpu.memory_space<hbm>> -> memref<10000xf32, #tpu.memory_space<hbm>>
    tpu.enqueue_dma source(%dma_start3A_41 : memref<10000xf32, #tpu.memory_space<hbm>>) target(%arg5 : memref<10000xf32, #tpu.memory_space<vmem>>) target_semaphore(%arg17 : memref<!tpu.dma_semaphore, #tpu.memory_space<semaphore_mem>>)
    %add3A_42 = arith.constant 1 : i32
    %add3A_43 = arith.addi %mul3A_32, %add3A_42 : i32
    %dma_start3A_44 = arith.constant 0 : i32
    %dma_start3A_45 = tpu.memref_slice %arg2[%add3A_43, %dma_start3A_44] : memref<64x10000xf32, #tpu.memory_space<hbm>> -> memref<1x10000xf32, #tpu.memory_space<hbm>>
    %dma_start3A_46 = tpu.memref_squeeze %dma_start3A_45 : memref<1x10000xf32, #tpu.memory_space<hbm>> -> memref<10000xf32, #tpu.memory_space<hbm>>
    %dma_start3A_47 = arith.constant 0 : i32
    %dma_start3A_48 = tpu.memref_slice %arg2[%add3A_43, %dma_start3A_47] : memref<64x10000xf32, #tpu.memory_space<hbm>> -> memref<1x10000xf32, #tpu.memory_space<hbm>>
    %dma_start3A_49 = tpu.memref_squeeze %dma_start3A_48 : memref<1x10000xf32, #tpu.memory_space<hbm>> -> memref<10000xf32, #tpu.memory_space<hbm>>
    tpu.enqueue_dma source(%dma_start3A_49 : memref<10000xf32, #tpu.memory_space<hbm>>) target(%arg6 : memref<10000xf32, #tpu.memory_space<vmem>>) target_semaphore(%arg17 : memref<!tpu.dma_semaphore, #tpu.memory_space<semaphore_mem>>)
    %add3A_50 = arith.constant 2 : i32
    %add3A_51 = arith.addi %mul3A_32, %add3A_50 : i32
    %dma_start3A_52 = arith.constant 0 : i32
    %dma_start3A_53 = tpu.memref_slice %arg2[%add3A_51, %dma_start3A_52] : memref<64x10000xf32, #tpu.memory_space<hbm>> -> memref<1x10000xf32, #tpu.memory_space<hbm>>
    %dma_start3A_54 = tpu.memref_squeeze %dma_start3A_53 : memref<1x10000xf32, #tpu.memory_space<hbm>> -> memref<10000xf32, #tpu.memory_space<hbm>>
    %dma_start3A_55 = arith.constant 0 : i32
    %dma_start3A_56 = tpu.memref_slice %arg2[%add3A_51, %dma_start3A_55] : memref<64x10000xf32, #tpu.memory_space<hbm>> -> memref<1x10000xf32, #tpu.memory_space<hbm>>
    %dma_start3A_57 = tpu.memref_squeeze %dma_start3A_56 : memref<1x10000xf32, #tpu.memory_space<hbm>> -> memref<10000xf32, #tpu.memory_space<hbm>>
    tpu.enqueue_dma source(%dma_start3A_57 : memref<10000xf32, #tpu.memory_space<hbm>>) target(%arg7 : memref<10000xf32, #tpu.memory_space<vmem>>) target_semaphore(%arg17 : memref<!tpu.dma_semaphore, #tpu.memory_space<semaphore_mem>>)
    %add3A_58 = arith.constant 3 : i32
    %add3A_59 = arith.addi %mul3A_32, %add3A_58 : i32
    %dma_start3A_60 = arith.constant 0 : i32
    %dma_start3A_61 = tpu.memref_slice %arg2[%add3A_59, %dma_start3A_60] : memref<64x10000xf32, #tpu.memory_space<hbm>> -> memref<1x10000xf32, #tpu.memory_space<hbm>>
    %dma_start3A_62 = tpu.memref_squeeze %dma_start3A_61 : memref<1x10000xf32, #tpu.memory_space<hbm>> -> memref<10000xf32, #tpu.memory_space<hbm>>
    %dma_start3A_63 = arith.constant 0 : i32
    %dma_start3A_64 = tpu.memref_slice %arg2[%add3A_59, %dma_start3A_63] : memref<64x10000xf32, #tpu.memory_space<hbm>> -> memref<1x10000xf32, #tpu.memory_space<hbm>>
    %dma_start3A_65 = tpu.memref_squeeze %dma_start3A_64 : memref<1x10000xf32, #tpu.memory_space<hbm>> -> memref<10000xf32, #tpu.memory_space<hbm>>
    tpu.enqueue_dma source(%dma_start3A_65 : memref<10000xf32, #tpu.memory_space<hbm>>) target(%arg8 : memref<10000xf32, #tpu.memory_space<vmem>>) target_semaphore(%arg17 : memref<!tpu.dma_semaphore, #tpu.memory_space<semaphore_mem>>)
    %dma_start3A_66 = tpu.memref_slice %arg3[%mul3A_34] : memref<320000xi32, #tpu.memory_space<hbm>> -> memref<3200xi32, #tpu.memory_space<hbm>>
    %dma_start3A_67 = tpu.memref_slice %arg3[%mul3A_34] : memref<320000xi32, #tpu.memory_space<hbm>> -> memref<3200xi32, #tpu.memory_space<hbm>>
    tpu.enqueue_dma source(%dma_start3A_67 : memref<3200xi32, #tpu.memory_space<hbm>>) target(%arg13 : memref<3200xi32, #tpu.memory_space<vmem>>) target_semaphore(%arg15 : memref<!tpu.dma_semaphore, #tpu.memory_space<semaphore_mem>>)
    %add3A_68 = arith.constant 3200 : i32
    %add3A_69 = arith.addi %mul3A_34, %add3A_68 : i32
    %dma_start3A_70 = tpu.memref_slice %arg3[%add3A_69] : memref<320000xi32, #tpu.memory_space<hbm>> -> memref<3200xi32, #tpu.memory_space<hbm>>
    %dma_start3A_71 = tpu.memref_slice %arg3[%add3A_69] : memref<320000xi32, #tpu.memory_space<hbm>> -> memref<3200xi32, #tpu.memory_space<hbm>>
    tpu.enqueue_dma source(%dma_start3A_71 : memref<3200xi32, #tpu.memory_space<hbm>>) target(%arg14 : memref<3200xi32, #tpu.memory_space<vmem>>) target_semaphore(%arg16 : memref<!tpu.dma_semaphore, #tpu.memory_space<semaphore_mem>>)
    %broadcast_in_dim3A = arith.constant 0.000000e+00 : f32
    %broadcast_in_dim3A_72 = vector.broadcast %broadcast_in_dim3A : f32 to vector<16xf32>
    %parallel_loop3A = arith.constant 0 : i32
    %parallel_loop3A_73 = arith.constant 10000 : i32
    %parallel_loop3A_74 = arith.constant 16 : i32
    scf.for %parallel_loop3A_120 = %parallel_loop3A to %parallel_loop3A_73 step %parallel_loop3A_74  : i32 {
      %parallel_loop3A_121 = arith.index_cast %parallel_loop3A_120 : i32 to index
      %parallel_loop3A_122 = tpu.vector_load %arg9[%parallel_loop3A_121] {strides = array<i32>} : memref<10000xf32, #tpu.memory_space<vmem>>, vector<16xf32>,
      tpu.vector_store %arg9[%parallel_loop3A_121], %broadcast_in_dim3A_72 {strides = array<i32>} : memref<10000xf32, #tpu.memory_space<vmem>>, vector<16xf32>,
      %parallel_loop3A_123 = arith.index_cast %parallel_loop3A_120 : i32 to index
      %parallel_loop3A_124 = tpu.vector_load %arg10[%parallel_loop3A_123] {strides = array<i32>} : memref<10000xf32, #tpu.memory_space<vmem>>, vector<16xf32>,
      tpu.vector_store %arg10[%parallel_loop3A_123], %broadcast_in_dim3A_72 {strides = array<i32>} : memref<10000xf32, #tpu.memory_space<vmem>>, vector<16xf32>,
      %parallel_loop3A_125 = arith.index_cast %parallel_loop3A_120 : i32 to index
      %parallel_loop3A_126 = tpu.vector_load %arg11[%parallel_loop3A_125] {strides = array<i32>} : memref<10000xf32, #tpu.memory_space<vmem>>, vector<16xf32>,
      tpu.vector_store %arg11[%parallel_loop3A_125], %broadcast_in_dim3A_72 {strides = array<i32>} : memref<10000xf32, #tpu.memory_space<vmem>>, vector<16xf32>,
      %parallel_loop3A_127 = arith.index_cast %parallel_loop3A_120 : i32 to index
      %parallel_loop3A_128 = tpu.vector_load %arg12[%parallel_loop3A_127] {strides = array<i32>} : memref<10000xf32, #tpu.memory_space<vmem>>, vector<16xf32>,
      tpu.vector_store %arg12[%parallel_loop3A_127], %broadcast_in_dim3A_72 {strides = array<i32>} : memref<10000xf32, #tpu.memory_space<vmem>>, vector<16xf32>,
    } {sc.loop_unroll_factor = 5 : i64, sc.parallel_access}
    %add3A_75 = arith.constant 0 : i32
    %add3A_76 = arith.addi %mul3A_32, %add3A_75 : i32
    %dma_wait3A = arith.constant 0 : i32
    %dma_wait3A_77 = tpu.memref_slice %arg2[%add3A_76, %dma_wait3A] : memref<64x10000xf32, #tpu.memory_space<hbm>> -> memref<1x10000xf32, #tpu.memory_space<hbm>>
    %dma_wait3A_78 = tpu.memref_squeeze %dma_wait3A_77 : memref<1x10000xf32, #tpu.memory_space<hbm>> -> memref<10000xf32, #tpu.memory_space<hbm>>
    %dma_wait3A_79 = arith.constant 0 : i32
    %dma_wait3A_80 = tpu.memref_slice %arg2[%add3A_76, %dma_wait3A_79] : memref<64x10000xf32, #tpu.memory_space<hbm>> -> memref<1x10000xf32, #tpu.memory_space<hbm>>
    %dma_wait3A_81 = tpu.memref_squeeze %dma_wait3A_80 : memref<1x10000xf32, #tpu.memory_space<hbm>> -> memref<10000xf32, #tpu.memory_space<hbm>>
    tpu.wait_dma2 semaphore(%arg17 : memref<!tpu.dma_semaphore, #tpu.memory_space<semaphore_mem>>) src(%dma_wait3A_81 : memref<10000xf32, #tpu.memory_space<hbm>>) dst(%arg5 : memref<10000xf32, #tpu.memory_space<vmem>>)
    %add3A_82 = arith.constant 1 : i32
    %add3A_83 = arith.addi %mul3A_32, %add3A_82 : i32
    %dma_wait3A_84 = arith.constant 0 : i32
    %dma_wait3A_85 = tpu.memref_slice %arg2[%add3A_83, %dma_wait3A_84] : memref<64x10000xf32, #tpu.memory_space<hbm>> -> memref<1x10000xf32, #tpu.memory_space<hbm>>
    %dma_wait3A_86 = tpu.memref_squeeze %dma_wait3A_85 : memref<1x10000xf32, #tpu.memory_space<hbm>> -> memref<10000xf32, #tpu.memory_space<hbm>>
    %dma_wait3A_87 = arith.constant 0 : i32
    %dma_wait3A_88 = tpu.memref_slice %arg2[%add3A_83, %dma_wait3A_87] : memref<64x10000xf32, #tpu.memory_space<hbm>> -> memref<1x10000xf32, #tpu.memory_space<hbm>>
    %dma_wait3A_89 = tpu.memref_squeeze %dma_wait3A_88 : memref<1x10000xf32, #tpu.memory_space<hbm>> -> memref<10000xf32, #tpu.memory_space<hbm>>
    tpu.wait_dma2 semaphore(%arg17 : memref<!tpu.dma_semaphore, #tpu.memory_space<semaphore_mem>>) src(%dma_wait3A_89 : memref<10000xf32, #tpu.memory_space<hbm>>) dst(%arg6 : memref<10000xf32, #tpu.memory_space<vmem>>)
    %add3A_90 = arith.constant 2 : i32
    %add3A_91 = arith.addi %mul3A_32, %add3A_90 : i32
    %dma_wait3A_92 = arith.constant 0 : i32
    %dma_wait3A_93 = tpu.memref_slice %arg2[%add3A_91, %dma_wait3A_92] : memref<64x10000xf32, #tpu.memory_space<hbm>> -> memref<1x10000xf32, #tpu.memory_space<hbm>>
    %dma_wait3A_94 = tpu.memref_squeeze %dma_wait3A_93 : memref<1x10000xf32, #tpu.memory_space<hbm>> -> memref<10000xf32, #tpu.memory_space<hbm>>
    %dma_wait3A_95 = arith.constant 0 : i32
    %dma_wait3A_96 = tpu.memref_slice %arg2[%add3A_91, %dma_wait3A_95] : memref<64x10000xf32, #tpu.memory_space<hbm>> -> memref<1x10000xf32, #tpu.memory_space<hbm>>
    %dma_wait3A_97 = tpu.memref_squeeze %dma_wait3A_96 : memref<1x10000xf32, #tpu.memory_space<hbm>> -> memref<10000xf32, #tpu.memory_space<hbm>>
    tpu.wait_dma2 semaphore(%arg17 : memref<!tpu.dma_semaphore, #tpu.memory_space<semaphore_mem>>) src(%dma_wait3A_97 : memref<10000xf32, #tpu.memory_space<hbm>>) dst(%arg7 : memref<10000xf32, #tpu.memory_space<vmem>>)
    %add3A_98 = arith.constant 3 : i32
    %add3A_99 = arith.addi %mul3A_32, %add3A_98 : i32
    %dma_wait3A_100 = arith.constant 0 : i32
    %dma_wait3A_101 = tpu.memref_slice %arg2[%add3A_99, %dma_wait3A_100] : memref<64x10000xf32, #tpu.memory_space<hbm>> -> memref<1x10000xf32, #tpu.memory_space<hbm>>
    %dma_wait3A_102 = tpu.memref_squeeze %dma_wait3A_101 : memref<1x10000xf32, #tpu.memory_space<hbm>> -> memref<10000xf32, #tpu.memory_space<hbm>>
    %dma_wait3A_103 = arith.constant 0 : i32
    %dma_wait3A_104 = tpu.memref_slice %arg2[%add3A_99, %dma_wait3A_103] : memref<64x10000xf32, #tpu.memory_space<hbm>> -> memref<1x10000xf32, #tpu.memory_space<hbm>>
    %dma_wait3A_105 = tpu.memref_squeeze %dma_wait3A_104 : memref<1x10000xf32, #tpu.memory_space<hbm>> -> memref<10000xf32, #tpu.memory_space<hbm>>
    tpu.wait_dma2 semaphore(%arg17 : memref<!tpu.dma_semaphore, #tpu.memory_space<semaphore_mem>>) src(%dma_wait3A_105 : memref<10000xf32, #tpu.memory_space<hbm>>) dst(%arg8 : memref<10000xf32, #tpu.memory_space<vmem>>)
    %scan3A = arith.constant 0 : i32
    %scan3A_106 = arith.constant 65535 : i32
    %scan3A_107 = arith.constant 0 : i32
    %scan3A_108 = arith.constant 25 : i32
    %scan3A_109 = arith.addi %scan3A_107, %scan3A_108 : i32
    %scan3A_110 = arith.constant 1 : i32
    scf.for %scan3A_120 = %scan3A_107 to %scan3A_109 step %scan3A_110  : i32 {
      %dma_wait3A_121 = tpu.memref_slice %arg3[%mul3A_34] : memref<320000xi32, #tpu.memory_space<hbm>> -> memref<3200xi32, #tpu.memory_space<hbm>>
      %dma_wait3A_122 = tpu.memref_slice %arg3[%mul3A_34] : memref<320000xi32, #tpu.memory_space<hbm>> -> memref<3200xi32, #tpu.memory_space<hbm>>
      tpu.wait_dma2 semaphore(%arg15 : memref<!tpu.dma_semaphore, #tpu.memory_space<semaphore_mem>>) src(%dma_wait3A_122 : memref<3200xi32, #tpu.memory_space<hbm>>) dst(%arg13 : memref<3200xi32, #tpu.memory_space<vmem>>)
      %parallel_loop3A_123 = arith.constant 0 : i32
      %parallel_loop3A_124 = arith.constant 3200 : i32
      %parallel_loop3A_125 = arith.constant 16 : i32
      scf.for %parallel_loop3A_139 = %parallel_loop3A_123 to %parallel_loop3A_124 step %parallel_loop3A_125  : i32 {
        %parallel_loop3A_140 = arith.index_cast %parallel_loop3A_139 : i32 to index
        %parallel_loop3A_141 = tpu.vector_load %arg13[%parallel_loop3A_140] {strides = array<i32>} : memref<3200xi32, #tpu.memory_space<vmem>>, vector<16xi32>,
        %parallel_loop3A_142 = vector.broadcast %scan3A_106 : i32 to vector<16xi32>
        %parallel_loop3A_143 = arith.andi %parallel_loop3A_141, %parallel_loop3A_142 : vector<16xi32>
        %parallel_loop3A_144 = arith.constant 16 : i32
        %parallel_loop3A_145 = vector.broadcast %parallel_loop3A_144 : i32 to vector<16xi32>
        %parallel_loop3A_146 = arith.shrui %parallel_loop3A_141, %parallel_loop3A_145 : vector<16xi32>
        %parallel_loop3A_147 = tpu.vector_load_idx %arg5[%parallel_loop3A_143] : memref<10000xf32, #tpu.memory_space<vmem>>[vector<16xi32>], vector<16xf32>,
        tpu.vector_store_idx %arg9[%parallel_loop3A_146], %parallel_loop3A_147 {add = true} : memref<10000xf32, #tpu.memory_space<vmem>>[vector<16xi32>], vector<16xf32>,
        %parallel_loop3A_148 = tpu.vector_load_idx %arg6[%parallel_loop3A_143] : memref<10000xf32, #tpu.memory_space<vmem>>[vector<16xi32>], vector<16xf32>,
        tpu.vector_store_idx %arg10[%parallel_loop3A_146], %parallel_loop3A_148 {add = true} : memref<10000xf32, #tpu.memory_space<vmem>>[vector<16xi32>], vector<16xf32>,
        %parallel_loop3A_149 = tpu.vector_load_idx %arg7[%parallel_loop3A_143] : memref<10000xf32, #tpu.memory_space<vmem>>[vector<16xi32>], vector<16xf32>,
        tpu.vector_store_idx %arg11[%parallel_loop3A_146], %parallel_loop3A_149 {add = true} : memref<10000xf32, #tpu.memory_space<vmem>>[vector<16xi32>], vector<16xf32>,
        %parallel_loop3A_150 = tpu.vector_load_idx %arg8[%parallel_loop3A_143] : memref<10000xf32, #tpu.memory_space<vmem>>[vector<16xi32>], vector<16xf32>,
        tpu.vector_store_idx %arg12[%parallel_loop3A_146], %parallel_loop3A_150 {add = true} : memref<10000xf32, #tpu.memory_space<vmem>>[vector<16xi32>], vector<16xf32>,
      } {sc.loop_unroll_factor = 8 : i64, sc.parallel_access}
      %lt3A_126 = arith.constant 24 : i32
      %lt3A_127 = arith.cmpi slt, %scan3A_120, %lt3A_126 : i32
      %convert_element_type3A = arith.extui %lt3A_127 : i1 to i32
      %cond3A = arith.constant 0 : i32
      %cond3A_128 = arith.cmpi ne, %convert_element_type3A, %cond3A : i32
      scf.if %cond3A_128 {
        %mul3A_139 = arith.constant 2 : i32
        %mul3A_140 = arith.muli %mul3A_139, %scan3A_120 : i32
        %add3A_141 = arith.constant 2 : i32
        %add3A_142 = arith.addi %mul3A_140, %add3A_141 : i32
        %mul3A_143 = arith.constant 3200 : i32
        %mul3A_144 = arith.muli %add3A_142, %mul3A_143 : i32
        %add3A_145 = arith.addi %mul3A_34, %mul3A_144 : i32
        %dma_start3A_146 = tpu.memref_slice %arg3[%add3A_145] : memref<320000xi32, #tpu.memory_space<hbm>> -> memref<3200xi32, #tpu.memory_space<hbm>>
        %dma_start3A_147 = tpu.memref_slice %arg3[%add3A_145] : memref<320000xi32, #tpu.memory_space<hbm>> -> memref<3200xi32, #tpu.memory_space<hbm>>
        tpu.enqueue_dma source(%dma_start3A_147 : memref<3200xi32, #tpu.memory_space<hbm>>) target(%arg13 : memref<3200xi32, #tpu.memory_space<vmem>>) target_semaphore(%arg15 : memref<!tpu.dma_semaphore, #tpu.memory_space<semaphore_mem>>)
      } else {
      }
      %dma_wait3A_129 = tpu.memref_slice %arg3[%mul3A_34] : memref<320000xi32, #tpu.memory_space<hbm>> -> memref<3200xi32, #tpu.memory_space<hbm>>
      %dma_wait3A_130 = tpu.memref_slice %arg3[%mul3A_34] : memref<320000xi32, #tpu.memory_space<hbm>> -> memref<3200xi32, #tpu.memory_space<hbm>>
      tpu.wait_dma2 semaphore(%arg16 : memref<!tpu.dma_semaphore, #tpu.memory_space<semaphore_mem>>) src(%dma_wait3A_130 : memref<3200xi32, #tpu.memory_space<hbm>>) dst(%arg14 : memref<3200xi32, #tpu.memory_space<vmem>>)
      %parallel_loop3A_131 = arith.constant 0 : i32
      %parallel_loop3A_132 = arith.constant 3200 : i32
      %parallel_loop3A_133 = arith.constant 16 : i32
      scf.for %parallel_loop3A_139 = %parallel_loop3A_131 to %parallel_loop3A_132 step %parallel_loop3A_133  : i32 {
        %parallel_loop3A_140 = arith.index_cast %parallel_loop3A_139 : i32 to index
        %parallel_loop3A_141 = tpu.vector_load %arg14[%parallel_loop3A_140] {strides = array<i32>} : memref<3200xi32, #tpu.memory_space<vmem>>, vector<16xi32>,
        %parallel_loop3A_142 = vector.broadcast %scan3A_106 : i32 to vector<16xi32>
        %parallel_loop3A_143 = arith.andi %parallel_loop3A_141, %parallel_loop3A_142 : vector<16xi32>
        %parallel_loop3A_144 = arith.constant 16 : i32
        %parallel_loop3A_145 = vector.broadcast %parallel_loop3A_144 : i32 to vector<16xi32>
        %parallel_loop3A_146 = arith.shrui %parallel_loop3A_141, %parallel_loop3A_145 : vector<16xi32>
        %parallel_loop3A_147 = tpu.vector_load_idx %arg5[%parallel_loop3A_143] : memref<10000xf32, #tpu.memory_space<vmem>>[vector<16xi32>], vector<16xf32>,
        tpu.vector_store_idx %arg9[%parallel_loop3A_146], %parallel_loop3A_147 {add = true} : memref<10000xf32, #tpu.memory_space<vmem>>[vector<16xi32>], vector<16xf32>,
        %parallel_loop3A_148 = tpu.vector_load_idx %arg6[%parallel_loop3A_143] : memref<10000xf32, #tpu.memory_space<vmem>>[vector<16xi32>], vector<16xf32>,
        tpu.vector_store_idx %arg10[%parallel_loop3A_146], %parallel_loop3A_148 {add = true} : memref<10000xf32, #tpu.memory_space<vmem>>[vector<16xi32>], vector<16xf32>,
        %parallel_loop3A_149 = tpu.vector_load_idx %arg7[%parallel_loop3A_143] : memref<10000xf32, #tpu.memory_space<vmem>>[vector<16xi32>], vector<16xf32>,
        tpu.vector_store_idx %arg11[%parallel_loop3A_146], %parallel_loop3A_149 {add = true} : memref<10000xf32, #tpu.memory_space<vmem>>[vector<16xi32>], vector<16xf32>,
        %parallel_loop3A_150 = tpu.vector_load_idx %arg8[%parallel_loop3A_143] : memref<10000xf32, #tpu.memory_space<vmem>>[vector<16xi32>], vector<16xf32>,
        tpu.vector_store_idx %arg12[%parallel_loop3A_146], %parallel_loop3A_150 {add = true} : memref<10000xf32, #tpu.memory_space<vmem>>[vector<16xi32>], vector<16xf32>,
      } {sc.loop_unroll_factor = 8 : i64, sc.parallel_access}
      %lt3A_134 = arith.constant 24 : i32
      %lt3A_135 = arith.cmpi slt, %scan3A_120, %lt3A_134 : i32
      %convert_element_type3A_136 = arith.extui %lt3A_135 : i1 to i32
      %cond3A_137 = arith.constant 0 : i32
      %cond3A_138 = arith.cmpi ne, %convert_element_type3A_136, %cond3A_137 : i32
      scf.if %cond3A_138 {
        %mul3A_139 = arith.constant 2 : i32
        %mul3A_140 = arith.muli %mul3A_139, %scan3A_120 : i32
        %add3A_141 = arith.constant 3 : i32
        %add3A_142 = arith.addi %mul3A_140, %add3A_141 : i32
        %mul3A_143 = arith.constant 3200 : i32
        %mul3A_144 = arith.muli %add3A_142, %mul3A_143 : i32
        %add3A_145 = arith.addi %mul3A_34, %mul3A_144 : i32
        %dma_start3A_146 = tpu.memref_slice %arg3[%add3A_145] : memref<320000xi32, #tpu.memory_space<hbm>> -> memref<3200xi32, #tpu.memory_space<hbm>>
        %dma_start3A_147 = tpu.memref_slice %arg3[%add3A_145] : memref<320000xi32, #tpu.memory_space<hbm>> -> memref<3200xi32, #tpu.memory_space<hbm>>
        tpu.enqueue_dma source(%dma_start3A_147 : memref<3200xi32, #tpu.memory_space<hbm>>) target(%arg14 : memref<3200xi32, #tpu.memory_space<vmem>>) target_semaphore(%arg16 : memref<!tpu.dma_semaphore, #tpu.memory_space<semaphore_mem>>)
      } else {
      }
    }
    %scan3A_111 = arith.constant 25 : i32
    %add3A_112 = arith.constant 0 : i32
    %add3A_113 = arith.addi %mul3A_32, %add3A_112 : i32
    "tpu.region"() ({
      %run_scoped3A = tpu.sem_alloc : memref<!tpu.dma_semaphore, #tpu.memory_space<semaphore_mem>>
      %dma_start3A_120 = arith.constant 0 : i32
      %dma_start3A_121 = tpu.memref_slice %arg4[%select_n3A_30, %add3A_113, %dma_start3A_120] : memref<2x64x10000xf32, #tpu.memory_space<hbm>> -> memref<1x1x10000xf32, #tpu.memory_space<hbm>>
      %dma_start3A_122 = tpu.memref_squeeze %dma_start3A_121 : memref<1x1x10000xf32, #tpu.memory_space<hbm>> -> memref<10000xf32, #tpu.memory_space<hbm>>
      %dma_start3A_123 = arith.constant 0 : i32
      %dma_start3A_124 = tpu.memref_slice %arg4[%select_n3A_30, %add3A_113, %dma_start3A_123] : memref<2x64x10000xf32, #tpu.memory_space<hbm>> -> memref<1x1x10000xf32, #tpu.memory_space<hbm>>
      %dma_start3A_125 = tpu.memref_squeeze %dma_start3A_124 : memref<1x1x10000xf32, #tpu.memory_space<hbm>> -> memref<10000xf32, #tpu.memory_space<hbm>>
      tpu.enqueue_dma source(%arg9 : memref<10000xf32, #tpu.memory_space<vmem>>) target(%dma_start3A_125 : memref<10000xf32, #tpu.memory_space<hbm>>) target_semaphore(%run_scoped3A : memref<!tpu.dma_semaphore, #tpu.memory_space<semaphore_mem>>)
      %dma_wait3A_126 = arith.constant 0 : i32
      %dma_wait3A_127 = tpu.memref_slice %arg4[%select_n3A_30, %add3A_113, %dma_wait3A_126] : memref<2x64x10000xf32, #tpu.memory_space<hbm>> -> memref<1x1x10000xf32, #tpu.memory_space<hbm>>
      %dma_wait3A_128 = tpu.memref_squeeze %dma_wait3A_127 : memref<1x1x10000xf32, #tpu.memory_space<hbm>> -> memref<10000xf32, #tpu.memory_space<hbm>>
      %dma_wait3A_129 = arith.constant 0 : i32
      %dma_wait3A_130 = tpu.memref_slice %arg4[%select_n3A_30, %add3A_113, %dma_wait3A_129] : memref<2x64x10000xf32, #tpu.memory_space<hbm>> -> memref<1x1x10000xf32, #tpu.memory_space<hbm>>
      %dma_wait3A_131 = tpu.memref_squeeze %dma_wait3A_130 : memref<1x1x10000xf32, #tpu.memory_space<hbm>> -> memref<10000xf32, #tpu.memory_space<hbm>>
      tpu.wait_dma2 semaphore(%run_scoped3A : memref<!tpu.dma_semaphore, #tpu.memory_space<semaphore_mem>>) src(%arg9 : memref<10000xf32, #tpu.memory_space<vmem>>) dst(%dma_wait3A_131 : memref<10000xf32, #tpu.memory_space<hbm>>)
      tpu.yield
    }) : () -> ()
    %add3A_114 = arith.constant 1 : i32
    %add3A_115 = arith.addi %mul3A_32, %add3A_114 : i32
    "tpu.region"() ({
      %run_scoped3A = tpu.sem_alloc : memref<!tpu.dma_semaphore, #tpu.memory_space<semaphore_mem>>
      %dma_start3A_120 = arith.constant 0 : i32
      %dma_start3A_121 = tpu.memref_slice %arg4[%select_n3A_30, %add3A_115, %dma_start3A_120] : memref<2x64x10000xf32, #tpu.memory_space<hbm>> -> memref<1x1x10000xf32, #tpu.memory_space<hbm>>
      %dma_start3A_122 = tpu.memref_squeeze %dma_start3A_121 : memref<1x1x10000xf32, #tpu.memory_space<hbm>> -> memref<10000xf32, #tpu.memory_space<hbm>>
      %dma_start3A_123 = arith.constant 0 : i32
      %dma_start3A_124 = tpu.memref_slice %arg4[%select_n3A_30, %add3A_115, %dma_start3A_123] : memref<2x64x10000xf32, #tpu.memory_space<hbm>> -> memref<1x1x10000xf32, #tpu.memory_space<hbm>>
      %dma_start3A_125 = tpu.memref_squeeze %dma_start3A_124 : memref<1x1x10000xf32, #tpu.memory_space<hbm>> -> memref<10000xf32, #tpu.memory_space<hbm>>
      tpu.enqueue_dma source(%arg10 : memref<10000xf32, #tpu.memory_space<vmem>>) target(%dma_start3A_125 : memref<10000xf32, #tpu.memory_space<hbm>>) target_semaphore(%run_scoped3A : memref<!tpu.dma_semaphore, #tpu.memory_space<semaphore_mem>>)
      %dma_wait3A_126 = arith.constant 0 : i32
      %dma_wait3A_127 = tpu.memref_slice %arg4[%select_n3A_30, %add3A_115, %dma_wait3A_126] : memref<2x64x10000xf32, #tpu.memory_space<hbm>> -> memref<1x1x10000xf32, #tpu.memory_space<hbm>>
      %dma_wait3A_128 = tpu.memref_squeeze %dma_wait3A_127 : memref<1x1x10000xf32, #tpu.memory_space<hbm>> -> memref<10000xf32, #tpu.memory_space<hbm>>
      %dma_wait3A_129 = arith.constant 0 : i32
      %dma_wait3A_130 = tpu.memref_slice %arg4[%select_n3A_30, %add3A_115, %dma_wait3A_129] : memref<2x64x10000xf32, #tpu.memory_space<hbm>> -> memref<1x1x10000xf32, #tpu.memory_space<hbm>>
      %dma_wait3A_131 = tpu.memref_squeeze %dma_wait3A_130 : memref<1x1x10000xf32, #tpu.memory_space<hbm>> -> memref<10000xf32, #tpu.memory_space<hbm>>
      tpu.wait_dma2 semaphore(%run_scoped3A : memref<!tpu.dma_semaphore, #tpu.memory_space<semaphore_mem>>) src(%arg10 : memref<10000xf32, #tpu.memory_space<vmem>>) dst(%dma_wait3A_131 : memref<10000xf32, #tpu.memory_space<hbm>>)
      tpu.yield
    }) : () -> ()
    %add3A_116 = arith.constant 2 : i32
    %add3A_117 = arith.addi %mul3A_32, %add3A_116 : i32
    "tpu.region"() ({
      %run_scoped3A = tpu.sem_alloc : memref<!tpu.dma_semaphore, #tpu.memory_space<semaphore_mem>>
      %dma_start3A_120 = arith.constant 0 : i32
      %dma_start3A_121 = tpu.memref_slice %arg4[%select_n3A_30, %add3A_117, %dma_start3A_120] : memref<2x64x10000xf32, #tpu.memory_space<hbm>> -> memref<1x1x10000xf32, #tpu.memory_space<hbm>>
      %dma_start3A_122 = tpu.memref_squeeze %dma_start3A_121 : memref<1x1x10000xf32, #tpu.memory_space<hbm>> -> memref<10000xf32, #tpu.memory_space<hbm>>
      %dma_start3A_123 = arith.constant 0 : i32
      %dma_start3A_124 = tpu.memref_slice %arg4[%select_n3A_30, %add3A_117, %dma_start3A_123] : memref<2x64x10000xf32, #tpu.memory_space<hbm>> -> memref<1x1x10000xf32, #tpu.memory_space<hbm>>
      %dma_start3A_125 = tpu.memref_squeeze %dma_start3A_124 : memref<1x1x10000xf32, #tpu.memory_space<hbm>> -> memref<10000xf32, #tpu.memory_space<hbm>>
      tpu.enqueue_dma source(%arg11 : memref<10000xf32, #tpu.memory_space<vmem>>) target(%dma_start3A_125 : memref<10000xf32, #tpu.memory_space<hbm>>) target_semaphore(%run_scoped3A : memref<!tpu.dma_semaphore, #tpu.memory_space<semaphore_mem>>)
      %dma_wait3A_126 = arith.constant 0 : i32
      %dma_wait3A_127 = tpu.memref_slice %arg4[%select_n3A_30, %add3A_117, %dma_wait3A_126] : memref<2x64x10000xf32, #tpu.memory_space<hbm>> -> memref<1x1x10000xf32, #tpu.memory_space<hbm>>
      %dma_wait3A_128 = tpu.memref_squeeze %dma_wait3A_127 : memref<1x1x10000xf32, #tpu.memory_space<hbm>> -> memref<10000xf32, #tpu.memory_space<hbm>>
      %dma_wait3A_129 = arith.constant 0 : i32
      %dma_wait3A_130 = tpu.memref_slice %arg4[%select_n3A_30, %add3A_117, %dma_wait3A_129] : memref<2x64x10000xf32, #tpu.memory_space<hbm>> -> memref<1x1x10000xf32, #tpu.memory_space<hbm>>
      %dma_wait3A_131 = tpu.memref_squeeze %dma_wait3A_130 : memref<1x1x10000xf32, #tpu.memory_space<hbm>> -> memref<10000xf32, #tpu.memory_space<hbm>>
      tpu.wait_dma2 semaphore(%run_scoped3A : memref<!tpu.dma_semaphore, #tpu.memory_space<semaphore_mem>>) src(%arg11 : memref<10000xf32, #tpu.memory_space<vmem>>) dst(%dma_wait3A_131 : memref<10000xf32, #tpu.memory_space<hbm>>)
      tpu.yield
    }) : () -> ()
    %add3A_118 = arith.constant 3 : i32
    %add3A_119 = arith.addi %mul3A_32, %add3A_118 : i32
    "tpu.region"() ({
      %run_scoped3A = tpu.sem_alloc : memref<!tpu.dma_semaphore, #tpu.memory_space<semaphore_mem>>
      %dma_start3A_120 = arith.constant 0 : i32
      %dma_start3A_121 = tpu.memref_slice %arg4[%select_n3A_30, %add3A_119, %dma_start3A_120] : memref<2x64x10000xf32, #tpu.memory_space<hbm>> -> memref<1x1x10000xf32, #tpu.memory_space<hbm>>
      %dma_start3A_122 = tpu.memref_squeeze %dma_start3A_121 : memref<1x1x10000xf32, #tpu.memory_space<hbm>> -> memref<10000xf32, #tpu.memory_space<hbm>>
      %dma_start3A_123 = arith.constant 0 : i32
      %dma_start3A_124 = tpu.memref_slice %arg4[%select_n3A_30, %add3A_119, %dma_start3A_123] : memref<2x64x10000xf32, #tpu.memory_space<hbm>> -> memref<1x1x10000xf32, #tpu.memory_space<hbm>>
      %dma_start3A_125 = tpu.memref_squeeze %dma_start3A_124 : memref<1x1x10000xf32, #tpu.memory_space<hbm>> -> memref<10000xf32, #tpu.memory_space<hbm>>
      tpu.enqueue_dma source(%arg12 : memref<10000xf32, #tpu.memory_space<vmem>>) target(%dma_start3A_125 : memref<10000xf32, #tpu.memory_space<hbm>>) target_semaphore(%run_scoped3A : memref<!tpu.dma_semaphore, #tpu.memory_space<semaphore_mem>>)
      %dma_wait3A_126 = arith.constant 0 : i32
      %dma_wait3A_127 = tpu.memref_slice %arg4[%select_n3A_30, %add3A_119, %dma_wait3A_126] : memref<2x64x10000xf32, #tpu.memory_space<hbm>> -> memref<1x1x10000xf32, #tpu.memory_space<hbm>>
      %dma_wait3A_128 = tpu.memref_squeeze %dma_wait3A_127 : memref<1x1x10000xf32, #tpu.memory_space<hbm>> -> memref<10000xf32, #tpu.memory_space<hbm>>
      %dma_wait3A_129 = arith.constant 0 : i32
      %dma_wait3A_130 = tpu.memref_slice %arg4[%select_n3A_30, %add3A_119, %dma_wait3A_129] : memref<2x64x10000xf32, #tpu.memory_space<hbm>> -> memref<1x1x10000xf32, #tpu.memory_space<hbm>>
      %dma_wait3A_131 = tpu.memref_squeeze %dma_wait3A_130 : memref<1x1x10000xf32, #tpu.memory_space<hbm>> -> memref<10000xf32, #tpu.memory_space<hbm>>
      tpu.wait_dma2 semaphore(%run_scoped3A : memref<!tpu.dma_semaphore, #tpu.memory_space<semaphore_mem>>) src(%arg12 : memref<10000xf32, #tpu.memory_space<vmem>>) dst(%dma_wait3A_131 : memref<10000xf32, #tpu.memory_space<hbm>>)
      tpu.yield
    }) : () -> ()
    return
  }
}

#map = affine_map<(d0, d1) -> (0, 0)>
#map1 = affine_map<(d0, d1) -> (0)>
#map2 = affine_map<(d0, d1) -> (0, 0, 0)>
module attributes {stable_mosaic.version = 14 : i64} {
  func.func @agg(%arg0: i32, %arg1: i32, %arg2: memref<64x10000xf32, #tpu.memory_space<hbm>>, %arg3: memref<320000xi32, #tpu.memory_space<hbm>>, %arg4: memref<2x64x10000xf32, #tpu.memory_space<hbm>>, %arg5: memref<10000xf32, #tpu.memory_space<vmem>>, %arg6: memref<10000xf32, #tpu.memory_space<vmem>>, %arg7: memref<10000xf32, #tpu.memory_space<vmem>>, %arg8: memref<10000xf32, #tpu.memory_space<vmem>>, %arg9: memref<10000xf32, #tpu.memory_space<vmem>>, %arg10: memref<10000xf32, #tpu.memory_space<vmem>>, %arg11: memref<10000xf32, #tpu.memory_space<vmem>>, %arg12: memref<10000xf32, #tpu.memory_space<vmem>>, %arg13: memref<3200xi32, #tpu.memory_space<vmem>>, %arg14: memref<3200xi32, #tpu.memory_space<vmem>>, %arg15: memref<!tpu.dma_semaphore, #tpu.memory_space<semaphore_mem>>, %arg16: memref<!tpu.dma_semaphore, #tpu.memory_space<semaphore_mem>>, %arg17: memref<!tpu.dma_semaphore, #tpu.memory_space<semaphore_mem>>) attributes {dimension_semantics = [#tpu.dimension_semantics<core_parallel>, #tpu.dimension_semantics<subcore_parallel>], iteration_bounds = array<i64: 2, 16>, scalar_prefetch = 0 : i64, scratch_operands = 13 : i64, tpu.core_type = #tpu.core_type<sc_vector_subcore>, window_params = [{transform_indices = #map}, {transform_indices = #map1}, {transform_indices = #map2}]} {
    %mul3A = arith.constant 2 : i32
    %mul3A_0 = arith.muli %arg1, %mul3A : i32
    %add3A = arith.addi %mul3A_0, %arg0 : i32
    %jit3A = arith.constant 2 : i32
    %div3A = arith.divsi %add3A, %jit3A : i32
    %sign3A = arith.constant 0 : i32
    %sign3A_1 = arith.cmpi sgt, %add3A, %sign3A : i32
    %sign3A_2 = arith.extui %sign3A_1 : i1 to i32
    %sign3A_3 = arith.constant 0 : i32
    %sign3A_4 = arith.cmpi slt, %add3A, %sign3A_3 : i32
    %sign3A_5 = arith.extui %sign3A_4 : i1 to i32
    %sign3A_6 = arith.subi %sign3A_2, %sign3A_5 : i32
    %sign3A_7 = arith.constant 0 : i32
    %sign3A_8 = arith.cmpi sgt, %jit3A, %sign3A_7 : i32
    %sign3A_9 = arith.extui %sign3A_8 : i1 to i32
    %sign3A_10 = arith.constant 0 : i32
    %sign3A_11 = arith.cmpi slt, %jit3A, %sign3A_10 : i32
    %sign3A_12 = arith.extui %sign3A_11 : i1 to i32
    %sign3A_13 = arith.subi %sign3A_9, %sign3A_12 : i32
    %ne3A = arith.cmpi ne, %sign3A_6, %sign3A_13 : i32
    %rem3A = arith.remsi %add3A, %jit3A : i32
    %ne3A_14 = arith.constant 0 : i32
    %ne3A_15 = arith.cmpi ne, %rem3A, %ne3A_14 : i32
    %and3A = arith.andi %ne3A, %ne3A_15 : i1
    %sub3A = arith.constant 1 : i32
    %sub3A_16 = arith.subi %div3A, %sub3A : i32
    %select_n3A = arith.select %and3A, %sub3A_16, %div3A : i32
    %jit3A_17 = arith.constant 2 : i32
    %eq3A = arith.constant 0 : i32
    %eq3A_18 = arith.cmpi eq, %jit3A_17, %eq3A : i32
    %jit3A_19 = arith.constant 1 : i32
    %select_n3A_20 = arith.select %eq3A_18, %jit3A_19, %jit3A_17 : i32
    %rem3A_21 = arith.remsi %add3A, %select_n3A_20 : i32
    %ne3A_22 = arith.constant 0 : i32
    %ne3A_23 = arith.cmpi ne, %rem3A_21, %ne3A_22 : i32
    %lt3A = arith.constant 0 : i32
    %lt3A_24 = arith.cmpi slt, %rem3A_21, %lt3A : i32
    %lt3A_25 = arith.constant 0 : i32
    %lt3A_26 = arith.cmpi slt, %select_n3A_20, %lt3A_25 : i32
    %ne3A_27 = arith.xori %lt3A_24, %lt3A_26 : i1
    %and3A_28 = arith.andi %ne3A_27, %ne3A_23 : i1
    %add3A_29 = arith.addi %rem3A_21, %select_n3A_20 : i32
    %select_n3A_30 = arith.select %and3A_28, %add3A_29, %rem3A_21 : i32
    %mul3A_31 = arith.constant 4 : i32
    %mul3A_32 = arith.muli %select_n3A, %mul3A_31 : i32
    %mul3A_33 = arith.constant 160000 : i32
    %mul3A_34 = arith.muli %select_n3A_30, %mul3A_33 : i32
    %add3A_35 = arith.constant 0 : i32
    %add3A_36 = arith.addi %mul3A_32, %add3A_35 : i32
    %dma_start3A = arith.constant 0 : i32
    %dma_start3A_37 = tpu.memref_slice %arg2[%add3A_36, %dma_start3A] : memref<64x10000xf32, #tpu.memory_space<hbm>> -> memref<1x10000xf32, #tpu.memory_space<hbm>>
    %dma_start3A_38 = tpu.memref_squeeze %dma_start3A_37 : memref<1x10000xf32, #tpu.memory_space<hbm>> -> memref<10000xf32, #tpu.memory_space<hbm>>
    %dma_start3A_39 = arith.constant 0 : i32
    %dma_start3A_40 = tpu.memref_slice %arg2[%add3A_36, %dma_start3A_39] : memref<64x10000xf32, #tpu.memory_space<hbm>> -> memref<1x10000xf32, #tpu.memory_space<hbm>>
    %dma_start3A_41 = tpu.memref_squeeze %dma_start3A_40 : memref<1x10000xf32, #tpu.memory_space<hbm>> -> memref<10000xf32, #tpu.memory_space<hbm>>
    tpu.enqueue_dma source(%dma_start3A_41 : memref<10000xf32, #tpu.memory_space<hbm>>) target(%arg5 : memref<10000xf32, #tpu.memory_space<vmem>>) target_semaphore(%arg17 : memref<!tpu.dma_semaphore, #tpu.memory_space<semaphore_mem>>)
    %add3A_42 = arith.constant 1 : i32
    %add3A_43 = arith.addi %mul3A_32, %add3A_42 : i32
    %dma_start3A_44 = arith.constant 0 : i32
    %dma_start3A_45 = tpu.memref_slice %arg2[%add3A_43, %dma_start3A_44] : memref<64x10000xf32, #tpu.memory_space<hbm>> -> memref<1x10000xf32, #tpu.memory_space<hbm>>
    %dma_start3A_46 = tpu.memref_squeeze %dma_start3A_45 : memref<1x10000xf32, #tpu.memory_space<hbm>> -> memref<10000xf32, #tpu.memory_space<hbm>>
    %dma_start3A_47 = arith.constant 0 : i32
    %dma_start3A_48 = tpu.memref_slice %arg2[%add3A_43, %dma_start3A_47] : memref<64x10000xf32, #tpu.memory_space<hbm>> -> memref<1x10000xf32, #tpu.memory_space<hbm>>
    %dma_start3A_49 = tpu.memref_squeeze %dma_start3A_48 : memref<1x10000xf32, #tpu.memory_space<hbm>> -> memref<10000xf32, #tpu.memory_space<hbm>>
    tpu.enqueue_dma source(%dma_start3A_49 : memref<10000xf32, #tpu.memory_space<hbm>>) target(%arg6 : memref<10000xf32, #tpu.memory_space<vmem>>) target_semaphore(%arg17 : memref<!tpu.dma_semaphore, #tpu.memory_space<semaphore_mem>>)
    %add3A_50 = arith.constant 2 : i32
    %add3A_51 = arith.addi %mul3A_32, %add3A_50 : i32
    %dma_start3A_52 = arith.constant 0 : i32
    %dma_start3A_53 = tpu.memref_slice %arg2[%add3A_51, %dma_start3A_52] : memref<64x10000xf32, #tpu.memory_space<hbm>> -> memref<1x10000xf32, #tpu.memory_space<hbm>>
    %dma_start3A_54 = tpu.memref_squeeze %dma_start3A_53 : memref<1x10000xf32, #tpu.memory_space<hbm>> -> memref<10000xf32, #tpu.memory_space<hbm>>
    %dma_start3A_55 = arith.constant 0 : i32
    %dma_start3A_56 = tpu.memref_slice %arg2[%add3A_51, %dma_start3A_55] : memref<64x10000xf32, #tpu.memory_space<hbm>> -> memref<1x10000xf32, #tpu.memory_space<hbm>>
    %dma_start3A_57 = tpu.memref_squeeze %dma_start3A_56 : memref<1x10000xf32, #tpu.memory_space<hbm>> -> memref<10000xf32, #tpu.memory_space<hbm>>
    tpu.enqueue_dma source(%dma_start3A_57 : memref<10000xf32, #tpu.memory_space<hbm>>) target(%arg7 : memref<10000xf32, #tpu.memory_space<vmem>>) target_semaphore(%arg17 : memref<!tpu.dma_semaphore, #tpu.memory_space<semaphore_mem>>)
    %add3A_58 = arith.constant 3 : i32
    %add3A_59 = arith.addi %mul3A_32, %add3A_58 : i32
    %dma_start3A_60 = arith.constant 0 : i32
    %dma_start3A_61 = tpu.memref_slice %arg2[%add3A_59, %dma_start3A_60] : memref<64x10000xf32, #tpu.memory_space<hbm>> -> memref<1x10000xf32, #tpu.memory_space<hbm>>
    %dma_start3A_62 = tpu.memref_squeeze %dma_start3A_61 : memref<1x10000xf32, #tpu.memory_space<hbm>> -> memref<10000xf32, #tpu.memory_space<hbm>>
    %dma_start3A_63 = arith.constant 0 : i32
    %dma_start3A_64 = tpu.memref_slice %arg2[%add3A_59, %dma_start3A_63] : memref<64x10000xf32, #tpu.memory_space<hbm>> -> memref<1x10000xf32, #tpu.memory_space<hbm>>
    %dma_start3A_65 = tpu.memref_squeeze %dma_start3A_64 : memref<1x10000xf32, #tpu.memory_space<hbm>> -> memref<10000xf32, #tpu.memory_space<hbm>>
    tpu.enqueue_dma source(%dma_start3A_65 : memref<10000xf32, #tpu.memory_space<hbm>>) target(%arg8 : memref<10000xf32, #tpu.memory_space<vmem>>) target_semaphore(%arg17 : memref<!tpu.dma_semaphore, #tpu.memory_space<semaphore_mem>>)
    %dma_start3A_66 = tpu.memref_slice %arg3[%mul3A_34] : memref<320000xi32, #tpu.memory_space<hbm>> -> memref<3200xi32, #tpu.memory_space<hbm>>
    %dma_start3A_67 = tpu.memref_slice %arg3[%mul3A_34] : memref<320000xi32, #tpu.memory_space<hbm>> -> memref<3200xi32, #tpu.memory_space<hbm>>
    tpu.enqueue_dma source(%dma_start3A_67 : memref<3200xi32, #tpu.memory_space<hbm>>) target(%arg13 : memref<3200xi32, #tpu.memory_space<vmem>>) target_semaphore(%arg15 : memref<!tpu.dma_semaphore, #tpu.memory_space<semaphore_mem>>)
    %add3A_68 = arith.constant 3200 : i32
    %add3A_69 = arith.addi %mul3A_34, %add3A_68 : i32
    %dma_start3A_70 = tpu.memref_slice %arg3[%add3A_69] : memref<320000xi32, #tpu.memory_space<hbm>> -> memref<3200xi32, #tpu.memory_space<hbm>>
    %dma_start3A_71 = tpu.memref_slice %arg3[%add3A_69] : memref<320000xi32, #tpu.memory_space<hbm>> -> memref<3200xi32, #tpu.memory_space<hbm>>
    tpu.enqueue_dma source(%dma_start3A_71 : memref<3200xi32, #tpu.memory_space<hbm>>) target(%arg14 : memref<3200xi32, #tpu.memory_space<vmem>>) target_semaphore(%arg16 : memref<!tpu.dma_semaphore, #tpu.memory_space<semaphore_mem>>)
    %broadcast_in_dim3A = arith.constant 0.000000e+00 : f32
    %broadcast_in_dim3A_72 = vector.broadcast %broadcast_in_dim3A : f32 to vector<16xf32>
    %parallel_loop3A = arith.constant 0 : i32
    %parallel_loop3A_73 = arith.constant 10000 : i32
    %parallel_loop3A_74 = arith.constant 16 : i32
    scf.for %parallel_loop3A_120 = %parallel_loop3A to %parallel_loop3A_73 step %parallel_loop3A_74  : i32 {
      %parallel_loop3A_121 = arith.index_cast %parallel_loop3A_120 : i32 to index
      %parallel_loop3A_122 = tpu.vector_load %arg9[%parallel_loop3A_121] {strides = array<i32>} : memref<10000xf32, #tpu.memory_space<vmem>>, vector<16xf32>,
      tpu.vector_store %arg9[%parallel_loop3A_121], %broadcast_in_dim3A_72 {strides = array<i32>} : memref<10000xf32, #tpu.memory_space<vmem>>, vector<16xf32>,
      %parallel_loop3A_123 = arith.index_cast %parallel_loop3A_120 : i32 to index
      %parallel_loop3A_124 = tpu.vector_load %arg10[%parallel_loop3A_123] {strides = array<i32>} : memref<10000xf32, #tpu.memory_space<vmem>>, vector<16xf32>,
      tpu.vector_store %arg10[%parallel_loop3A_123], %broadcast_in_dim3A_72 {strides = array<i32>} : memref<10000xf32, #tpu.memory_space<vmem>>, vector<16xf32>,
      %parallel_loop3A_125 = arith.index_cast %parallel_loop3A_120 : i32 to index
      %parallel_loop3A_126 = tpu.vector_load %arg11[%parallel_loop3A_125] {strides = array<i32>} : memref<10000xf32, #tpu.memory_space<vmem>>, vector<16xf32>,
      tpu.vector_store %arg11[%parallel_loop3A_125], %broadcast_in_dim3A_72 {strides = array<i32>} : memref<10000xf32, #tpu.memory_space<vmem>>, vector<16xf32>,
      %parallel_loop3A_127 = arith.index_cast %parallel_loop3A_120 : i32 to index
      %parallel_loop3A_128 = tpu.vector_load %arg12[%parallel_loop3A_127] {strides = array<i32>} : memref<10000xf32, #tpu.memory_space<vmem>>, vector<16xf32>,
      tpu.vector_store %arg12[%parallel_loop3A_127], %broadcast_in_dim3A_72 {strides = array<i32>} : memref<10000xf32, #tpu.memory_space<vmem>>, vector<16xf32>,
    } {sc.loop_unroll_factor = 5 : i64, sc.parallel_access}
    %add3A_75 = arith.constant 0 : i32
    %add3A_76 = arith.addi %mul3A_32, %add3A_75 : i32
    %dma_wait3A = arith.constant 0 : i32
    %dma_wait3A_77 = tpu.memref_slice %arg2[%add3A_76, %dma_wait3A] : memref<64x10000xf32, #tpu.memory_space<hbm>> -> memref<1x10000xf32, #tpu.memory_space<hbm>>
    %dma_wait3A_78 = tpu.memref_squeeze %dma_wait3A_77 : memref<1x10000xf32, #tpu.memory_space<hbm>> -> memref<10000xf32, #tpu.memory_space<hbm>>
    %dma_wait3A_79 = arith.constant 0 : i32
    %dma_wait3A_80 = tpu.memref_slice %arg2[%add3A_76, %dma_wait3A_79] : memref<64x10000xf32, #tpu.memory_space<hbm>> -> memref<1x10000xf32, #tpu.memory_space<hbm>>
    %dma_wait3A_81 = tpu.memref_squeeze %dma_wait3A_80 : memref<1x10000xf32, #tpu.memory_space<hbm>> -> memref<10000xf32, #tpu.memory_space<hbm>>
    tpu.wait_dma2 semaphore(%arg17 : memref<!tpu.dma_semaphore, #tpu.memory_space<semaphore_mem>>) src(%dma_wait3A_81 : memref<10000xf32, #tpu.memory_space<hbm>>) dst(%arg5 : memref<10000xf32, #tpu.memory_space<vmem>>)
    %add3A_82 = arith.constant 1 : i32
    %add3A_83 = arith.addi %mul3A_32, %add3A_82 : i32
    %dma_wait3A_84 = arith.constant 0 : i32
    %dma_wait3A_85 = tpu.memref_slice %arg2[%add3A_83, %dma_wait3A_84] : memref<64x10000xf32, #tpu.memory_space<hbm>> -> memref<1x10000xf32, #tpu.memory_space<hbm>>
    %dma_wait3A_86 = tpu.memref_squeeze %dma_wait3A_85 : memref<1x10000xf32, #tpu.memory_space<hbm>> -> memref<10000xf32, #tpu.memory_space<hbm>>
    %dma_wait3A_87 = arith.constant 0 : i32
    %dma_wait3A_88 = tpu.memref_slice %arg2[%add3A_83, %dma_wait3A_87] : memref<64x10000xf32, #tpu.memory_space<hbm>> -> memref<1x10000xf32, #tpu.memory_space<hbm>>
    %dma_wait3A_89 = tpu.memref_squeeze %dma_wait3A_88 : memref<1x10000xf32, #tpu.memory_space<hbm>> -> memref<10000xf32, #tpu.memory_space<hbm>>
    tpu.wait_dma2 semaphore(%arg17 : memref<!tpu.dma_semaphore, #tpu.memory_space<semaphore_mem>>) src(%dma_wait3A_89 : memref<10000xf32, #tpu.memory_space<hbm>>) dst(%arg6 : memref<10000xf32, #tpu.memory_space<vmem>>)
    %add3A_90 = arith.constant 2 : i32
    %add3A_91 = arith.addi %mul3A_32, %add3A_90 : i32
    %dma_wait3A_92 = arith.constant 0 : i32
    %dma_wait3A_93 = tpu.memref_slice %arg2[%add3A_91, %dma_wait3A_92] : memref<64x10000xf32, #tpu.memory_space<hbm>> -> memref<1x10000xf32, #tpu.memory_space<hbm>>
    %dma_wait3A_94 = tpu.memref_squeeze %dma_wait3A_93 : memref<1x10000xf32, #tpu.memory_space<hbm>> -> memref<10000xf32, #tpu.memory_space<hbm>>
    %dma_wait3A_95 = arith.constant 0 : i32
    %dma_wait3A_96 = tpu.memref_slice %arg2[%add3A_91, %dma_wait3A_95] : memref<64x10000xf32, #tpu.memory_space<hbm>> -> memref<1x10000xf32, #tpu.memory_space<hbm>>
    %dma_wait3A_97 = tpu.memref_squeeze %dma_wait3A_96 : memref<1x10000xf32, #tpu.memory_space<hbm>> -> memref<10000xf32, #tpu.memory_space<hbm>>
    tpu.wait_dma2 semaphore(%arg17 : memref<!tpu.dma_semaphore, #tpu.memory_space<semaphore_mem>>) src(%dma_wait3A_97 : memref<10000xf32, #tpu.memory_space<hbm>>) dst(%arg7 : memref<10000xf32, #tpu.memory_space<vmem>>)
    %add3A_98 = arith.constant 3 : i32
    %add3A_99 = arith.addi %mul3A_32, %add3A_98 : i32
    %dma_wait3A_100 = arith.constant 0 : i32
    %dma_wait3A_101 = tpu.memref_slice %arg2[%add3A_99, %dma_wait3A_100] : memref<64x10000xf32, #tpu.memory_space<hbm>> -> memref<1x10000xf32, #tpu.memory_space<hbm>>
    %dma_wait3A_102 = tpu.memref_squeeze %dma_wait3A_101 : memref<1x10000xf32, #tpu.memory_space<hbm>> -> memref<10000xf32, #tpu.memory_space<hbm>>
    %dma_wait3A_103 = arith.constant 0 : i32
    %dma_wait3A_104 = tpu.memref_slice %arg2[%add3A_99, %dma_wait3A_103] : memref<64x10000xf32, #tpu.memory_space<hbm>> -> memref<1x10000xf32, #tpu.memory_space<hbm>>
    %dma_wait3A_105 = tpu.memref_squeeze %dma_wait3A_104 : memref<1x10000xf32, #tpu.memory_space<hbm>> -> memref<10000xf32, #tpu.memory_space<hbm>>
    tpu.wait_dma2 semaphore(%arg17 : memref<!tpu.dma_semaphore, #tpu.memory_space<semaphore_mem>>) src(%dma_wait3A_105 : memref<10000xf32, #tpu.memory_space<hbm>>) dst(%arg8 : memref<10000xf32, #tpu.memory_space<vmem>>)
    %scan3A = arith.constant 0 : i32
    %scan3A_106 = arith.constant 65535 : i32
    %scan3A_107 = arith.constant 0 : i32
    %scan3A_108 = arith.constant 25 : i32
    %scan3A_109 = arith.addi %scan3A_107, %scan3A_108 : i32
    %scan3A_110 = arith.constant 1 : i32
    scf.for %scan3A_120 = %scan3A_107 to %scan3A_109 step %scan3A_110  : i32 {
      %dma_wait3A_121 = tpu.memref_slice %arg3[%mul3A_34] : memref<320000xi32, #tpu.memory_space<hbm>> -> memref<3200xi32, #tpu.memory_space<hbm>>
      %dma_wait3A_122 = tpu.memref_slice %arg3[%mul3A_34] : memref<320000xi32, #tpu.memory_space<hbm>> -> memref<3200xi32, #tpu.memory_space<hbm>>
      tpu.wait_dma2 semaphore(%arg15 : memref<!tpu.dma_semaphore, #tpu.memory_space<semaphore_mem>>) src(%dma_wait3A_122 : memref<3200xi32, #tpu.memory_space<hbm>>) dst(%arg13 : memref<3200xi32, #tpu.memory_space<vmem>>)
      %parallel_loop3A_123 = arith.constant 0 : i32
      %parallel_loop3A_124 = arith.constant 3200 : i32
      %parallel_loop3A_125 = arith.constant 16 : i32
      scf.for %parallel_loop3A_139 = %parallel_loop3A_123 to %parallel_loop3A_124 step %parallel_loop3A_125  : i32 {
        %parallel_loop3A_140 = arith.index_cast %parallel_loop3A_139 : i32 to index
        %parallel_loop3A_141 = tpu.vector_load %arg13[%parallel_loop3A_140] {strides = array<i32>} : memref<3200xi32, #tpu.memory_space<vmem>>, vector<16xi32>,
        %parallel_loop3A_142 = vector.broadcast %scan3A_106 : i32 to vector<16xi32>
        %parallel_loop3A_143 = arith.andi %parallel_loop3A_141, %parallel_loop3A_142 : vector<16xi32>
        %parallel_loop3A_144 = arith.constant 16 : i32
        %parallel_loop3A_145 = vector.broadcast %parallel_loop3A_144 : i32 to vector<16xi32>
        %parallel_loop3A_146 = arith.shrui %parallel_loop3A_141, %parallel_loop3A_145 : vector<16xi32>
        %parallel_loop3A_147 = tpu.vector_load_idx %arg5[%parallel_loop3A_143] : memref<10000xf32, #tpu.memory_space<vmem>>[vector<16xi32>], vector<16xf32>,
        tpu.vector_store_idx %arg9[%parallel_loop3A_146], %parallel_loop3A_147 {add = true} : memref<10000xf32, #tpu.memory_space<vmem>>[vector<16xi32>], vector<16xf32>,
        %parallel_loop3A_148 = tpu.vector_load_idx %arg6[%parallel_loop3A_143] : memref<10000xf32, #tpu.memory_space<vmem>>[vector<16xi32>], vector<16xf32>,
        tpu.vector_store_idx %arg10[%parallel_loop3A_146], %parallel_loop3A_148 {add = true} : memref<10000xf32, #tpu.memory_space<vmem>>[vector<16xi32>], vector<16xf32>,
        %parallel_loop3A_149 = tpu.vector_load_idx %arg7[%parallel_loop3A_143] : memref<10000xf32, #tpu.memory_space<vmem>>[vector<16xi32>], vector<16xf32>,
        tpu.vector_store_idx %arg11[%parallel_loop3A_146], %parallel_loop3A_149 {add = true} : memref<10000xf32, #tpu.memory_space<vmem>>[vector<16xi32>], vector<16xf32>,
        %parallel_loop3A_150 = tpu.vector_load_idx %arg8[%parallel_loop3A_143] : memref<10000xf32, #tpu.memory_space<vmem>>[vector<16xi32>], vector<16xf32>,
        tpu.vector_store_idx %arg12[%parallel_loop3A_146], %parallel_loop3A_150 {add = true} : memref<10000xf32, #tpu.memory_space<vmem>>[vector<16xi32>], vector<16xf32>,
      } {sc.loop_unroll_factor = 8 : i64, sc.parallel_access}
      %lt3A_126 = arith.constant 24 : i32
      %lt3A_127 = arith.cmpi slt, %scan3A_120, %lt3A_126 : i32
      %convert_element_type3A = arith.extui %lt3A_127 : i1 to i32
      %cond3A = arith.constant 0 : i32
      %cond3A_128 = arith.cmpi ne, %convert_element_type3A, %cond3A : i32
      scf.if %cond3A_128 {
        %mul3A_139 = arith.constant 2 : i32
        %mul3A_140 = arith.muli %mul3A_139, %scan3A_120 : i32
        %add3A_141 = arith.constant 2 : i32
        %add3A_142 = arith.addi %mul3A_140, %add3A_141 : i32
        %mul3A_143 = arith.constant 3200 : i32
        %mul3A_144 = arith.muli %add3A_142, %mul3A_143 : i32
        %add3A_145 = arith.addi %mul3A_34, %mul3A_144 : i32
        %dma_start3A_146 = tpu.memref_slice %arg3[%add3A_145] : memref<320000xi32, #tpu.memory_space<hbm>> -> memref<3200xi32, #tpu.memory_space<hbm>>
        %dma_start3A_147 = tpu.memref_slice %arg3[%add3A_145] : memref<320000xi32, #tpu.memory_space<hbm>> -> memref<3200xi32, #tpu.memory_space<hbm>>
        tpu.enqueue_dma source(%dma_start3A_147 : memref<3200xi32, #tpu.memory_space<hbm>>) target(%arg13 : memref<3200xi32, #tpu.memory_space<vmem>>) target_semaphore(%arg15 : memref<!tpu.dma_semaphore, #tpu.memory_space<semaphore_mem>>)
      } else {
      }
      %dma_wait3A_129 = tpu.memref_slice %arg3[%mul3A_34] : memref<320000xi32, #tpu.memory_space<hbm>> -> memref<3200xi32, #tpu.memory_space<hbm>>
      %dma_wait3A_130 = tpu.memref_slice %arg3[%mul3A_34] : memref<320000xi32, #tpu.memory_space<hbm>> -> memref<3200xi32, #tpu.memory_space<hbm>>
      tpu.wait_dma2 semaphore(%arg16 : memref<!tpu.dma_semaphore, #tpu.memory_space<semaphore_mem>>) src(%dma_wait3A_130 : memref<3200xi32, #tpu.memory_space<hbm>>) dst(%arg14 : memref<3200xi32, #tpu.memory_space<vmem>>)
      %parallel_loop3A_131 = arith.constant 0 : i32
      %parallel_loop3A_132 = arith.constant 3200 : i32
      %parallel_loop3A_133 = arith.constant 16 : i32
      scf.for %parallel_loop3A_139 = %parallel_loop3A_131 to %parallel_loop3A_132 step %parallel_loop3A_133  : i32 {
        %parallel_loop3A_140 = arith.index_cast %parallel_loop3A_139 : i32 to index
        %parallel_loop3A_141 = tpu.vector_load %arg14[%parallel_loop3A_140] {strides = array<i32>} : memref<3200xi32, #tpu.memory_space<vmem>>, vector<16xi32>,
        %parallel_loop3A_142 = vector.broadcast %scan3A_106 : i32 to vector<16xi32>
        %parallel_loop3A_143 = arith.andi %parallel_loop3A_141, %parallel_loop3A_142 : vector<16xi32>
        %parallel_loop3A_144 = arith.constant 16 : i32
        %parallel_loop3A_145 = vector.broadcast %parallel_loop3A_144 : i32 to vector<16xi32>
        %parallel_loop3A_146 = arith.shrui %parallel_loop3A_141, %parallel_loop3A_145 : vector<16xi32>
        %parallel_loop3A_147 = tpu.vector_load_idx %arg5[%parallel_loop3A_143] : memref<10000xf32, #tpu.memory_space<vmem>>[vector<16xi32>], vector<16xf32>,
        tpu.vector_store_idx %arg9[%parallel_loop3A_146], %parallel_loop3A_147 {add = true} : memref<10000xf32, #tpu.memory_space<vmem>>[vector<16xi32>], vector<16xf32>,
        %parallel_loop3A_148 = tpu.vector_load_idx %arg6[%parallel_loop3A_143] : memref<10000xf32, #tpu.memory_space<vmem>>[vector<16xi32>], vector<16xf32>,
        tpu.vector_store_idx %arg10[%parallel_loop3A_146], %parallel_loop3A_148 {add = true} : memref<10000xf32, #tpu.memory_space<vmem>>[vector<16xi32>], vector<16xf32>,
        %parallel_loop3A_149 = tpu.vector_load_idx %arg7[%parallel_loop3A_143] : memref<10000xf32, #tpu.memory_space<vmem>>[vector<16xi32>], vector<16xf32>,
        tpu.vector_store_idx %arg11[%parallel_loop3A_146], %parallel_loop3A_149 {add = true} : memref<10000xf32, #tpu.memory_space<vmem>>[vector<16xi32>], vector<16xf32>,
        %parallel_loop3A_150 = tpu.vector_load_idx %arg8[%parallel_loop3A_143] : memref<10000xf32, #tpu.memory_space<vmem>>[vector<16xi32>], vector<16xf32>,
        tpu.vector_store_idx %arg12[%parallel_loop3A_146], %parallel_loop3A_150 {add = true} : memref<10000xf32, #tpu.memory_space<vmem>>[vector<16xi32>], vector<16xf32>,
      } {sc.loop_unroll_factor = 8 : i64, sc.parallel_access}
      %lt3A_134 = arith.constant 24 : i32
      %lt3A_135 = arith.cmpi slt, %scan3A_120, %lt3A_134 : i32
      %convert_element_type3A_136 = arith.extui %lt3A_135 : i1 to i32
      %cond3A_137 = arith.constant 0 : i32
      %cond3A_138 = arith.cmpi ne, %convert_element_type3A_136, %cond3A_137 : i32
      scf.if %cond3A_138 {
        %mul3A_139 = arith.constant 2 : i32
        %mul3A_140 = arith.muli %mul3A_139, %scan3A_120 : i32
        %add3A_141 = arith.constant 3 : i32
        %add3A_142 = arith.addi %mul3A_140, %add3A_141 : i32
        %mul3A_143 = arith.constant 3200 : i32
        %mul3A_144 = arith.muli %add3A_142, %mul3A_143 : i32
        %add3A_145 = arith.addi %mul3A_34, %mul3A_144 : i32
        %dma_start3A_146 = tpu.memref_slice %arg3[%add3A_145] : memref<320000xi32, #tpu.memory_space<hbm>> -> memref<3200xi32, #tpu.memory_space<hbm>>
        %dma_start3A_147 = tpu.memref_slice %arg3[%add3A_145] : memref<320000xi32, #tpu.memory_space<hbm>> -> memref<3200xi32, #tpu.memory_space<hbm>>
        tpu.enqueue_dma source(%dma_start3A_147 : memref<3200xi32, #tpu.memory_space<hbm>>) target(%arg14 : memref<3200xi32, #tpu.memory_space<vmem>>) target_semaphore(%arg16 : memref<!tpu.dma_semaphore, #tpu.memory_space<semaphore_mem>>)
      } else {
      }
    }
    %scan3A_111 = arith.constant 25 : i32
    %add3A_112 = arith.constant 0 : i32
    %add3A_113 = arith.addi %mul3A_32, %add3A_112 : i32
    "tpu.region"() ({
      %run_scoped3A = tpu.sem_alloc : memref<!tpu.dma_semaphore, #tpu.memory_space<semaphore_mem>>
      %dma_start3A_120 = arith.constant 0 : i32
      %dma_start3A_121 = tpu.memref_slice %arg4[%select_n3A_30, %add3A_113, %dma_start3A_120] : memref<2x64x10000xf32, #tpu.memory_space<hbm>> -> memref<1x1x10000xf32, #tpu.memory_space<hbm>>
      %dma_start3A_122 = tpu.memref_squeeze %dma_start3A_121 : memref<1x1x10000xf32, #tpu.memory_space<hbm>> -> memref<10000xf32, #tpu.memory_space<hbm>>
      %dma_start3A_123 = arith.constant 0 : i32
      %dma_start3A_124 = tpu.memref_slice %arg4[%select_n3A_30, %add3A_113, %dma_start3A_123] : memref<2x64x10000xf32, #tpu.memory_space<hbm>> -> memref<1x1x10000xf32, #tpu.memory_space<hbm>>
      %dma_start3A_125 = tpu.memref_squeeze %dma_start3A_124 : memref<1x1x10000xf32, #tpu.memory_space<hbm>> -> memref<10000xf32, #tpu.memory_space<hbm>>
      tpu.enqueue_dma source(%arg9 : memref<10000xf32, #tpu.memory_space<vmem>>) target(%dma_start3A_125 : memref<10000xf32, #tpu.memory_space<hbm>>) target_semaphore(%run_scoped3A : memref<!tpu.dma_semaphore, #tpu.memory_space<semaphore_mem>>)
      %dma_wait3A_126 = arith.constant 0 : i32
      %dma_wait3A_127 = tpu.memref_slice %arg4[%select_n3A_30, %add3A_113, %dma_wait3A_126] : memref<2x64x10000xf32, #tpu.memory_space<hbm>> -> memref<1x1x10000xf32, #tpu.memory_space<hbm>>
      %dma_wait3A_128 = tpu.memref_squeeze %dma_wait3A_127 : memref<1x1x10000xf32, #tpu.memory_space<hbm>> -> memref<10000xf32, #tpu.memory_space<hbm>>
      %dma_wait3A_129 = arith.constant 0 : i32
      %dma_wait3A_130 = tpu.memref_slice %arg4[%select_n3A_30, %add3A_113, %dma_wait3A_129] : memref<2x64x10000xf32, #tpu.memory_space<hbm>> -> memref<1x1x10000xf32, #tpu.memory_space<hbm>>
      %dma_wait3A_131 = tpu.memref_squeeze %dma_wait3A_130 : memref<1x1x10000xf32, #tpu.memory_space<hbm>> -> memref<10000xf32, #tpu.memory_space<hbm>>
      tpu.wait_dma2 semaphore(%run_scoped3A : memref<!tpu.dma_semaphore, #tpu.memory_space<semaphore_mem>>) src(%arg9 : memref<10000xf32, #tpu.memory_space<vmem>>) dst(%dma_wait3A_131 : memref<10000xf32, #tpu.memory_space<hbm>>)
      tpu.yield
    }) : () -> ()
    %add3A_114 = arith.constant 1 : i32
    %add3A_115 = arith.addi %mul3A_32, %add3A_114 : i32
    "tpu.region"() ({
      %run_scoped3A = tpu.sem_alloc : memref<!tpu.dma_semaphore, #tpu.memory_space<semaphore_mem>>
      %dma_start3A_120 = arith.constant 0 : i32
      %dma_start3A_121 = tpu.memref_slice %arg4[%select_n3A_30, %add3A_115, %dma_start3A_120] : memref<2x64x10000xf32, #tpu.memory_space<hbm>> -> memref<1x1x10000xf32, #tpu.memory_space<hbm>>
      %dma_start3A_122 = tpu.memref_squeeze %dma_start3A_121 : memref<1x1x10000xf32, #tpu.memory_space<hbm>> -> memref<10000xf32, #tpu.memory_space<hbm>>
      %dma_start3A_123 = arith.constant 0 : i32
      %dma_start3A_124 = tpu.memref_slice %arg4[%select_n3A_30, %add3A_115, %dma_start3A_123] : memref<2x64x10000xf32, #tpu.memory_space<hbm>> -> memref<1x1x10000xf32, #tpu.memory_space<hbm>>
      %dma_start3A_125 = tpu.memref_squeeze %dma_start3A_124 : memref<1x1x10000xf32, #tpu.memory_space<hbm>> -> memref<10000xf32, #tpu.memory_space<hbm>>
      tpu.enqueue_dma source(%arg10 : memref<10000xf32, #tpu.memory_space<vmem>>) target(%dma_start3A_125 : memref<10000xf32, #tpu.memory_space<hbm>>) target_semaphore(%run_scoped3A : memref<!tpu.dma_semaphore, #tpu.memory_space<semaphore_mem>>)
      %dma_wait3A_126 = arith.constant 0 : i32
      %dma_wait3A_127 = tpu.memref_slice %arg4[%select_n3A_30, %add3A_115, %dma_wait3A_126] : memref<2x64x10000xf32, #tpu.memory_space<hbm>> -> memref<1x1x10000xf32, #tpu.memory_space<hbm>>
      %dma_wait3A_128 = tpu.memref_squeeze %dma_wait3A_127 : memref<1x1x10000xf32, #tpu.memory_space<hbm>> -> memref<10000xf32, #tpu.memory_space<hbm>>
      %dma_wait3A_129 = arith.constant 0 : i32
      %dma_wait3A_130 = tpu.memref_slice %arg4[%select_n3A_30, %add3A_115, %dma_wait3A_129] : memref<2x64x10000xf32, #tpu.memory_space<hbm>> -> memref<1x1x10000xf32, #tpu.memory_space<hbm>>
      %dma_wait3A_131 = tpu.memref_squeeze %dma_wait3A_130 : memref<1x1x10000xf32, #tpu.memory_space<hbm>> -> memref<10000xf32, #tpu.memory_space<hbm>>
      tpu.wait_dma2 semaphore(%run_scoped3A : memref<!tpu.dma_semaphore, #tpu.memory_space<semaphore_mem>>) src(%arg10 : memref<10000xf32, #tpu.memory_space<vmem>>) dst(%dma_wait3A_131 : memref<10000xf32, #tpu.memory_space<hbm>>)
      tpu.yield
    }) : () -> ()
    %add3A_116 = arith.constant 2 : i32
    %add3A_117 = arith.addi %mul3A_32, %add3A_116 : i32
    "tpu.region"() ({
      %run_scoped3A = tpu.sem_alloc : memref<!tpu.dma_semaphore, #tpu.memory_space<semaphore_mem>>
      %dma_start3A_120 = arith.constant 0 : i32
      %dma_start3A_121 = tpu.memref_slice %arg4[%select_n3A_30, %add3A_117, %dma_start3A_120] : memref<2x64x10000xf32, #tpu.memory_space<hbm>> -> memref<1x1x10000xf32, #tpu.memory_space<hbm>>
      %dma_start3A_122 = tpu.memref_squeeze %dma_start3A_121 : memref<1x1x10000xf32, #tpu.memory_space<hbm>> -> memref<10000xf32, #tpu.memory_space<hbm>>
      %dma_start3A_123 = arith.constant 0 : i32
      %dma_start3A_124 = tpu.memref_slice %arg4[%select_n3A_30, %add3A_117, %dma_start3A_123] : memref<2x64x10000xf32, #tpu.memory_space<hbm>> -> memref<1x1x10000xf32, #tpu.memory_space<hbm>>
      %dma_start3A_125 = tpu.memref_squeeze %dma_start3A_124 : memref<1x1x10000xf32, #tpu.memory_space<hbm>> -> memref<10000xf32, #tpu.memory_space<hbm>>
      tpu.enqueue_dma source(%arg11 : memref<10000xf32, #tpu.memory_space<vmem>>) target(%dma_start3A_125 : memref<10000xf32, #tpu.memory_space<hbm>>) target_semaphore(%run_scoped3A : memref<!tpu.dma_semaphore, #tpu.memory_space<semaphore_mem>>)
      %dma_wait3A_126 = arith.constant 0 : i32
      %dma_wait3A_127 = tpu.memref_slice %arg4[%select_n3A_30, %add3A_117, %dma_wait3A_126] : memref<2x64x10000xf32, #tpu.memory_space<hbm>> -> memref<1x1x10000xf32, #tpu.memory_space<hbm>>
      %dma_wait3A_128 = tpu.memref_squeeze %dma_wait3A_127 : memref<1x1x10000xf32, #tpu.memory_space<hbm>> -> memref<10000xf32, #tpu.memory_space<hbm>>
      %dma_wait3A_129 = arith.constant 0 : i32
      %dma_wait3A_130 = tpu.memref_slice %arg4[%select_n3A_30, %add3A_117, %dma_wait3A_129] : memref<2x64x10000xf32, #tpu.memory_space<hbm>> -> memref<1x1x10000xf32, #tpu.memory_space<hbm>>
      %dma_wait3A_131 = tpu.memref_squeeze %dma_wait3A_130 : memref<1x1x10000xf32, #tpu.memory_space<hbm>> -> memref<10000xf32, #tpu.memory_space<hbm>>
      tpu.wait_dma2 semaphore(%run_scoped3A : memref<!tpu.dma_semaphore, #tpu.memory_space<semaphore_mem>>) src(%arg11 : memref<10000xf32, #tpu.memory_space<vmem>>) dst(%dma_wait3A_131 : memref<10000xf32, #tpu.memory_space<hbm>>)
      tpu.yield
    }) : () -> ()
    %add3A_118 = arith.constant 3 : i32
    %add3A_119 = arith.addi %mul3A_32, %add3A_118 : i32
    "tpu.region"() ({
      %run_scoped3A = tpu.sem_alloc : memref<!tpu.dma_semaphore, #tpu.memory_space<semaphore_mem>>
      %dma_start3A_120 = arith.constant 0 : i32
      %dma_start3A_121 = tpu.memref_slice %arg4[%select_n3A_30, %add3A_119, %dma_start3A_120] : memref<2x64x10000xf32, #tpu.memory_space<hbm>> -> memref<1x1x10000xf32, #tpu.memory_space<hbm>>
      %dma_start3A_122 = tpu.memref_squeeze %dma_start3A_121 : memref<1x1x10000xf32, #tpu.memory_space<hbm>> -> memref<10000xf32, #tpu.memory_space<hbm>>
      %dma_start3A_123 = arith.constant 0 : i32
      %dma_start3A_124 = tpu.memref_slice %arg4[%select_n3A_30, %add3A_119, %dma_start3A_123] : memref<2x64x10000xf32, #tpu.memory_space<hbm>> -> memref<1x1x10000xf32, #tpu.memory_space<hbm>>
      %dma_start3A_125 = tpu.memref_squeeze %dma_start3A_124 : memref<1x1x10000xf32, #tpu.memory_space<hbm>> -> memref<10000xf32, #tpu.memory_space<hbm>>
      tpu.enqueue_dma source(%arg12 : memref<10000xf32, #tpu.memory_space<vmem>>) target(%dma_start3A_125 : memref<10000xf32, #tpu.memory_space<hbm>>) target_semaphore(%run_scoped3A : memref<!tpu.dma_semaphore, #tpu.memory_space<semaphore_mem>>)
      %dma_wait3A_126 = arith.constant 0 : i32
      %dma_wait3A_127 = tpu.memref_slice %arg4[%select_n3A_30, %add3A_119, %dma_wait3A_126] : memref<2x64x10000xf32, #tpu.memory_space<hbm>> -> memref<1x1x10000xf32, #tpu.memory_space<hbm>>
      %dma_wait3A_128 = tpu.memref_squeeze %dma_wait3A_127 : memref<1x1x10000xf32, #tpu.memory_space<hbm>> -> memref<10000xf32, #tpu.memory_space<hbm>>
      %dma_wait3A_129 = arith.constant 0 : i32
      %dma_wait3A_130 = tpu.memref_slice %arg4[%select_n3A_30, %add3A_119, %dma_wait3A_129] : memref<2x64x10000xf32, #tpu.memory_space<hbm>> -> memref<1x1x10000xf32, #tpu.memory_space<hbm>>
      %dma_wait3A_131 = tpu.memref_squeeze %dma_wait3A_130 : memref<1x1x10000xf32, #tpu.memory_space<hbm>> -> memref<10000xf32, #tpu.memory_space<hbm>>
      tpu.wait_dma2 semaphore(%run_scoped3A : memref<!tpu.dma_semaphore, #tpu.memory_space<semaphore_mem>>) src(%arg12 : memref<10000xf32, #tpu.memory_space<vmem>>) dst(%dma_wait3A_131 : memref<10000xf32, #tpu.memory_space<hbm>>)
      tpu.yield
    }) : () -> ()
    return
  }
}

#map = affine_map<(d0, d1) -> (0)>
#map1 = affine_map<(d0, d1) -> (0, 0)>
module attributes {stable_mosaic.version = 14 : i64} {
  func.func @prep(%arg0: i32, %arg1: i32, %arg2: memref<320000xi32, #tpu.memory_space<hbm>>, %arg3: memref<320000xi32, #tpu.memory_space<hbm>>, %arg4: memref<32x10000xf32, #tpu.memory_space<hbm>>, %arg5: memref<320000xi32, #tpu.memory_space<hbm>>, %arg6: memref<10000xi32, #tpu.memory_space<vmem>>, %arg7: memref<10000xi32, #tpu.memory_space<vmem>>, %arg8: memref<10000xi32, #tpu.memory_space<vmem>>, %arg9: memref<10000xf32, #tpu.memory_space<vmem>>, %arg10: memref<!tpu.dma_semaphore, #tpu.memory_space<semaphore_mem>>) attributes {dimension_semantics = [#tpu.dimension_semantics<core_parallel>, #tpu.dimension_semantics<subcore_parallel>], iteration_bounds = array<i64: 2, 16>, scalar_prefetch = 0 : i64, scratch_operands = 5 : i64, tpu.core_type = #tpu.core_type<sc_vector_subcore>, window_params = [{transform_indices = #map}, {transform_indices = #map}, {transform_indices = #map1}, {transform_indices = #map}]} {
    %mul3A = arith.constant 2 : i32
    %mul3A_0 = arith.muli %arg1, %mul3A : i32
    %add3A = arith.addi %mul3A_0, %arg0 : i32
    %mul3A_1 = arith.constant 10000 : i32
    %mul3A_2 = arith.muli %add3A, %mul3A_1 : i32
    %dma_start3A = tpu.memref_slice %arg2[%mul3A_2] : memref<320000xi32, #tpu.memory_space<hbm>> -> memref<10000xi32, #tpu.memory_space<hbm>>
    %dma_start3A_3 = tpu.memref_slice %arg2[%mul3A_2] : memref<320000xi32, #tpu.memory_space<hbm>> -> memref<10000xi32, #tpu.memory_space<hbm>>
    tpu.enqueue_dma source(%dma_start3A_3 : memref<10000xi32, #tpu.memory_space<hbm>>) target(%arg6 : memref<10000xi32, #tpu.memory_space<vmem>>) target_semaphore(%arg10 : memref<!tpu.dma_semaphore, #tpu.memory_space<semaphore_mem>>)
    %dma_start3A_4 = tpu.memref_slice %arg3[%mul3A_2] : memref<320000xi32, #tpu.memory_space<hbm>> -> memref<10000xi32, #tpu.memory_space<hbm>>
    %dma_start3A_5 = tpu.memref_slice %arg3[%mul3A_2] : memref<320000xi32, #tpu.memory_space<hbm>> -> memref<10000xi32, #tpu.memory_space<hbm>>
    tpu.enqueue_dma source(%dma_start3A_5 : memref<10000xi32, #tpu.memory_space<hbm>>) target(%arg7 : memref<10000xi32, #tpu.memory_space<vmem>>) target_semaphore(%arg10 : memref<!tpu.dma_semaphore, #tpu.memory_space<semaphore_mem>>)
    %broadcast_in_dim3A = arith.constant 0.000000e+00 : f32
    %broadcast_in_dim3A_6 = vector.broadcast %broadcast_in_dim3A : f32 to vector<16xf32>
    %parallel_loop3A = arith.constant 0 : i32
    %parallel_loop3A_7 = arith.constant 10000 : i32
    %parallel_loop3A_8 = arith.constant 16 : i32
    scf.for %parallel_loop3A_17 = %parallel_loop3A to %parallel_loop3A_7 step %parallel_loop3A_8  : i32 {
      %parallel_loop3A_18 = arith.index_cast %parallel_loop3A_17 : i32 to index
      %parallel_loop3A_19 = tpu.vector_load %arg9[%parallel_loop3A_18] {strides = array<i32>} : memref<10000xf32, #tpu.memory_space<vmem>>, vector<16xf32>,
      tpu.vector_store %arg9[%parallel_loop3A_18], %broadcast_in_dim3A_6 {strides = array<i32>} : memref<10000xf32, #tpu.memory_space<vmem>>, vector<16xf32>,
    } {sc.loop_unroll_factor = 5 : i64, sc.parallel_access}
    %dma_wait3A = tpu.memref_slice %arg2[%mul3A_2] : memref<320000xi32, #tpu.memory_space<hbm>> -> memref<10000xi32, #tpu.memory_space<hbm>>
    %dma_wait3A_9 = tpu.memref_slice %arg2[%mul3A_2] : memref<320000xi32, #tpu.memory_space<hbm>> -> memref<10000xi32, #tpu.memory_space<hbm>>
    tpu.wait_dma2 semaphore(%arg10 : memref<!tpu.dma_semaphore, #tpu.memory_space<semaphore_mem>>) src(%dma_wait3A_9 : memref<10000xi32, #tpu.memory_space<hbm>>) dst(%arg6 : memref<10000xi32, #tpu.memory_space<vmem>>)
    %dma_wait3A_10 = tpu.memref_slice %arg3[%mul3A_2] : memref<320000xi32, #tpu.memory_space<hbm>> -> memref<10000xi32, #tpu.memory_space<hbm>>
    %dma_wait3A_11 = tpu.memref_slice %arg3[%mul3A_2] : memref<320000xi32, #tpu.memory_space<hbm>> -> memref<10000xi32, #tpu.memory_space<hbm>>
    tpu.wait_dma2 semaphore(%arg10 : memref<!tpu.dma_semaphore, #tpu.memory_space<semaphore_mem>>) src(%dma_wait3A_11 : memref<10000xi32, #tpu.memory_space<hbm>>) dst(%arg7 : memref<10000xi32, #tpu.memory_space<vmem>>)
    %broadcast_in_dim3A_12 = arith.constant 1.000000e+00 : f32
    %broadcast_in_dim3A_13 = vector.broadcast %broadcast_in_dim3A_12 : f32 to vector<16xf32>
    %parallel_loop3A_14 = arith.constant 0 : i32
    %parallel_loop3A_15 = arith.constant 10000 : i32
    %parallel_loop3A_16 = arith.constant 16 : i32
    scf.for %parallel_loop3A_17 = %parallel_loop3A_14 to %parallel_loop3A_15 step %parallel_loop3A_16  : i32 {
      %parallel_loop3A_18 = arith.index_cast %parallel_loop3A_17 : i32 to index
      %parallel_loop3A_19 = tpu.vector_load %arg6[%parallel_loop3A_18] {strides = array<i32>} : memref<10000xi32, #tpu.memory_space<vmem>>, vector<16xi32>,
      %parallel_loop3A_20 = arith.index_cast %parallel_loop3A_17 : i32 to index
      %parallel_loop3A_21 = tpu.vector_load %arg7[%parallel_loop3A_20] {strides = array<i32>} : memref<10000xi32, #tpu.memory_space<vmem>>, vector<16xi32>,
      %parallel_loop3A_22 = arith.constant 16 : i32
      %parallel_loop3A_23 = vector.broadcast %parallel_loop3A_22 : i32 to vector<16xi32>
      %parallel_loop3A_24 = arith.shli %parallel_loop3A_21, %parallel_loop3A_23 : vector<16xi32>
      %parallel_loop3A_25 = arith.ori %parallel_loop3A_19, %parallel_loop3A_24 : vector<16xi32>
      %parallel_loop3A_26 = arith.index_cast %parallel_loop3A_17 : i32 to index
      %parallel_loop3A_27 = tpu.vector_load %arg8[%parallel_loop3A_26] {strides = array<i32>} : memref<10000xi32, #tpu.memory_space<vmem>>, vector<16xi32>,
      tpu.vector_store %arg8[%parallel_loop3A_26], %parallel_loop3A_25 {strides = array<i32>} : memref<10000xi32, #tpu.memory_space<vmem>>, vector<16xi32>,
      tpu.vector_store_idx %arg9[%parallel_loop3A_21], %broadcast_in_dim3A_13 {add = true} : memref<10000xf32, #tpu.memory_space<vmem>>[vector<16xi32>], vector<16xf32>,
    } {sc.loop_unroll_factor = 5 : i64, sc.parallel_access}
    "tpu.region"() ({
      %run_scoped3A = tpu.sem_alloc : memref<!tpu.dma_semaphore, #tpu.memory_space<semaphore_mem>>
      %dma_start3A_17 = arith.constant 0 : i32
      %dma_start3A_18 = tpu.memref_slice %arg4[%add3A, %dma_start3A_17] : memref<32x10000xf32, #tpu.memory_space<hbm>> -> memref<1x10000xf32, #tpu.memory_space<hbm>>
      %dma_start3A_19 = tpu.memref_squeeze %dma_start3A_18 : memref<1x10000xf32, #tpu.memory_space<hbm>> -> memref<10000xf32, #tpu.memory_space<hbm>>
      %dma_start3A_20 = arith.constant 0 : i32
      %dma_start3A_21 = tpu.memref_slice %arg4[%add3A, %dma_start3A_20] : memref<32x10000xf32, #tpu.memory_space<hbm>> -> memref<1x10000xf32, #tpu.memory_space<hbm>>
      %dma_start3A_22 = tpu.memref_squeeze %dma_start3A_21 : memref<1x10000xf32, #tpu.memory_space<hbm>> -> memref<10000xf32, #tpu.memory_space<hbm>>
      tpu.enqueue_dma source(%arg9 : memref<10000xf32, #tpu.memory_space<vmem>>) target(%dma_start3A_22 : memref<10000xf32, #tpu.memory_space<hbm>>) target_semaphore(%run_scoped3A : memref<!tpu.dma_semaphore, #tpu.memory_space<semaphore_mem>>)
      %dma_wait3A_23 = arith.constant 0 : i32
      %dma_wait3A_24 = tpu.memref_slice %arg4[%add3A, %dma_wait3A_23] : memref<32x10000xf32, #tpu.memory_space<hbm>> -> memref<1x10000xf32, #tpu.memory_space<hbm>>
      %dma_wait3A_25 = tpu.memref_squeeze %dma_wait3A_24 : memref<1x10000xf32, #tpu.memory_space<hbm>> -> memref<10000xf32, #tpu.memory_space<hbm>>
      %dma_wait3A_26 = arith.constant 0 : i32
      %dma_wait3A_27 = tpu.memref_slice %arg4[%add3A, %dma_wait3A_26] : memref<32x10000xf32, #tpu.memory_space<hbm>> -> memref<1x10000xf32, #tpu.memory_space<hbm>>
      %dma_wait3A_28 = tpu.memref_squeeze %dma_wait3A_27 : memref<1x10000xf32, #tpu.memory_space<hbm>> -> memref<10000xf32, #tpu.memory_space<hbm>>
      tpu.wait_dma2 semaphore(%run_scoped3A : memref<!tpu.dma_semaphore, #tpu.memory_space<semaphore_mem>>) src(%arg9 : memref<10000xf32, #tpu.memory_space<vmem>>) dst(%dma_wait3A_28 : memref<10000xf32, #tpu.memory_space<hbm>>)
      tpu.yield
    }) : () -> ()
    "tpu.region"() ({
      %run_scoped3A = tpu.sem_alloc : memref<!tpu.dma_semaphore, #tpu.memory_space<semaphore_mem>>
      %dma_start3A_17 = tpu.memref_slice %arg5[%mul3A_2] : memref<320000xi32, #tpu.memory_space<hbm>> -> memref<10000xi32, #tpu.memory_space<hbm>>
      %dma_start3A_18 = tpu.memref_slice %arg5[%mul3A_2] : memref<320000xi32, #tpu.memory_space<hbm>> -> memref<10000xi32, #tpu.memory_space<hbm>>
      tpu.enqueue_dma source(%arg8 : memref<10000xi32, #tpu.memory_space<vmem>>) target(%dma_start3A_18 : memref<10000xi32, #tpu.memory_space<hbm>>) target_semaphore(%run_scoped3A : memref<!tpu.dma_semaphore, #tpu.memory_space<semaphore_mem>>)
      %dma_wait3A_19 = tpu.memref_slice %arg5[%mul3A_2] : memref<320000xi32, #tpu.memory_space<hbm>> -> memref<10000xi32, #tpu.memory_space<hbm>>
      %dma_wait3A_20 = tpu.memref_slice %arg5[%mul3A_2] : memref<320000xi32, #tpu.memory_space<hbm>> -> memref<10000xi32, #tpu.memory_space<hbm>>
      tpu.wait_dma2 semaphore(%run_scoped3A : memref<!tpu.dma_semaphore, #tpu.memory_space<semaphore_mem>>) src(%arg8 : memref<10000xi32, #tpu.memory_space<vmem>>) dst(%dma_wait3A_20 : memref<10000xi32, #tpu.memory_space<hbm>>)
      tpu.yield
    }) : () -> ()
    return
  }
}

#map = affine_map<(d0, d1) -> (0, 0)>
#map1 = affine_map<(d0, d1) -> (0)>
#map2 = affine_map<(d0, d1) -> (0, 0, 0)>
module attributes {stable_mosaic.version = 14 : i64} {
  func.func @agg(%arg0: i32, %arg1: i32, %arg2: memref<64x10000xf32, #tpu.memory_space<hbm>>, %arg3: memref<320000xi32, #tpu.memory_space<hbm>>, %arg4: memref<2x64x10000xf32, #tpu.memory_space<hbm>>, %arg5: memref<10000xf32, #tpu.memory_space<vmem>>, %arg6: memref<10000xf32, #tpu.memory_space<vmem>>, %arg7: memref<10000xf32, #tpu.memory_space<vmem>>, %arg8: memref<10000xf32, #tpu.memory_space<vmem>>, %arg9: memref<10000xf32, #tpu.memory_space<vmem>>, %arg10: memref<10000xf32, #tpu.memory_space<vmem>>, %arg11: memref<10000xf32, #tpu.memory_space<vmem>>, %arg12: memref<10000xf32, #tpu.memory_space<vmem>>, %arg13: memref<3200xi32, #tpu.memory_space<vmem>>, %arg14: memref<3200xi32, #tpu.memory_space<vmem>>, %arg15: memref<!tpu.dma_semaphore, #tpu.memory_space<semaphore_mem>>, %arg16: memref<!tpu.dma_semaphore, #tpu.memory_space<semaphore_mem>>, %arg17: memref<!tpu.dma_semaphore, #tpu.memory_space<semaphore_mem>>) attributes {dimension_semantics = [#tpu.dimension_semantics<core_parallel>, #tpu.dimension_semantics<subcore_parallel>], iteration_bounds = array<i64: 2, 16>, scalar_prefetch = 0 : i64, scratch_operands = 13 : i64, tpu.core_type = #tpu.core_type<sc_vector_subcore>, window_params = [{transform_indices = #map}, {transform_indices = #map1}, {transform_indices = #map2}]} {
    %mul3A = arith.constant 2 : i32
    %mul3A_0 = arith.muli %arg1, %mul3A : i32
    %add3A = arith.addi %mul3A_0, %arg0 : i32
    %jit3A = arith.constant 2 : i32
    %div3A = arith.divsi %add3A, %jit3A : i32
    %sign3A = arith.constant 0 : i32
    %sign3A_1 = arith.cmpi sgt, %add3A, %sign3A : i32
    %sign3A_2 = arith.extui %sign3A_1 : i1 to i32
    %sign3A_3 = arith.constant 0 : i32
    %sign3A_4 = arith.cmpi slt, %add3A, %sign3A_3 : i32
    %sign3A_5 = arith.extui %sign3A_4 : i1 to i32
    %sign3A_6 = arith.subi %sign3A_2, %sign3A_5 : i32
    %sign3A_7 = arith.constant 0 : i32
    %sign3A_8 = arith.cmpi sgt, %jit3A, %sign3A_7 : i32
    %sign3A_9 = arith.extui %sign3A_8 : i1 to i32
    %sign3A_10 = arith.constant 0 : i32
    %sign3A_11 = arith.cmpi slt, %jit3A, %sign3A_10 : i32
    %sign3A_12 = arith.extui %sign3A_11 : i1 to i32
    %sign3A_13 = arith.subi %sign3A_9, %sign3A_12 : i32
    %ne3A = arith.cmpi ne, %sign3A_6, %sign3A_13 : i32
    %rem3A = arith.remsi %add3A, %jit3A : i32
    %ne3A_14 = arith.constant 0 : i32
    %ne3A_15 = arith.cmpi ne, %rem3A, %ne3A_14 : i32
    %and3A = arith.andi %ne3A, %ne3A_15 : i1
    %sub3A = arith.constant 1 : i32
    %sub3A_16 = arith.subi %div3A, %sub3A : i32
    %select_n3A = arith.select %and3A, %sub3A_16, %div3A : i32
    %jit3A_17 = arith.constant 2 : i32
    %eq3A = arith.constant 0 : i32
    %eq3A_18 = arith.cmpi eq, %jit3A_17, %eq3A : i32
    %jit3A_19 = arith.constant 1 : i32
    %select_n3A_20 = arith.select %eq3A_18, %jit3A_19, %jit3A_17 : i32
    %rem3A_21 = arith.remsi %add3A, %select_n3A_20 : i32
    %ne3A_22 = arith.constant 0 : i32
    %ne3A_23 = arith.cmpi ne, %rem3A_21, %ne3A_22 : i32
    %lt3A = arith.constant 0 : i32
    %lt3A_24 = arith.cmpi slt, %rem3A_21, %lt3A : i32
    %lt3A_25 = arith.constant 0 : i32
    %lt3A_26 = arith.cmpi slt, %select_n3A_20, %lt3A_25 : i32
    %ne3A_27 = arith.xori %lt3A_24, %lt3A_26 : i1
    %and3A_28 = arith.andi %ne3A_27, %ne3A_23 : i1
    %add3A_29 = arith.addi %rem3A_21, %select_n3A_20 : i32
    %select_n3A_30 = arith.select %and3A_28, %add3A_29, %rem3A_21 : i32
    %mul3A_31 = arith.constant 4 : i32
    %mul3A_32 = arith.muli %select_n3A, %mul3A_31 : i32
    %mul3A_33 = arith.constant 160000 : i32
    %mul3A_34 = arith.muli %select_n3A_30, %mul3A_33 : i32
    %add3A_35 = arith.constant 0 : i32
    %add3A_36 = arith.addi %mul3A_32, %add3A_35 : i32
    %dma_start3A = arith.constant 0 : i32
    %dma_start3A_37 = tpu.memref_slice %arg2[%add3A_36, %dma_start3A] : memref<64x10000xf32, #tpu.memory_space<hbm>> -> memref<1x10000xf32, #tpu.memory_space<hbm>>
    %dma_start3A_38 = tpu.memref_squeeze %dma_start3A_37 : memref<1x10000xf32, #tpu.memory_space<hbm>> -> memref<10000xf32, #tpu.memory_space<hbm>>
    %dma_start3A_39 = arith.constant 0 : i32
    %dma_start3A_40 = tpu.memref_slice %arg2[%add3A_36, %dma_start3A_39] : memref<64x10000xf32, #tpu.memory_space<hbm>> -> memref<1x10000xf32, #tpu.memory_space<hbm>>
    %dma_start3A_41 = tpu.memref_squeeze %dma_start3A_40 : memref<1x10000xf32, #tpu.memory_space<hbm>> -> memref<10000xf32, #tpu.memory_space<hbm>>
    tpu.enqueue_dma source(%dma_start3A_41 : memref<10000xf32, #tpu.memory_space<hbm>>) target(%arg5 : memref<10000xf32, #tpu.memory_space<vmem>>) target_semaphore(%arg17 : memref<!tpu.dma_semaphore, #tpu.memory_space<semaphore_mem>>)
    %add3A_42 = arith.constant 1 : i32
    %add3A_43 = arith.addi %mul3A_32, %add3A_42 : i32
    %dma_start3A_44 = arith.constant 0 : i32
    %dma_start3A_45 = tpu.memref_slice %arg2[%add3A_43, %dma_start3A_44] : memref<64x10000xf32, #tpu.memory_space<hbm>> -> memref<1x10000xf32, #tpu.memory_space<hbm>>
    %dma_start3A_46 = tpu.memref_squeeze %dma_start3A_45 : memref<1x10000xf32, #tpu.memory_space<hbm>> -> memref<10000xf32, #tpu.memory_space<hbm>>
    %dma_start3A_47 = arith.constant 0 : i32
    %dma_start3A_48 = tpu.memref_slice %arg2[%add3A_43, %dma_start3A_47] : memref<64x10000xf32, #tpu.memory_space<hbm>> -> memref<1x10000xf32, #tpu.memory_space<hbm>>
    %dma_start3A_49 = tpu.memref_squeeze %dma_start3A_48 : memref<1x10000xf32, #tpu.memory_space<hbm>> -> memref<10000xf32, #tpu.memory_space<hbm>>
    tpu.enqueue_dma source(%dma_start3A_49 : memref<10000xf32, #tpu.memory_space<hbm>>) target(%arg6 : memref<10000xf32, #tpu.memory_space<vmem>>) target_semaphore(%arg17 : memref<!tpu.dma_semaphore, #tpu.memory_space<semaphore_mem>>)
    %add3A_50 = arith.constant 2 : i32
    %add3A_51 = arith.addi %mul3A_32, %add3A_50 : i32
    %dma_start3A_52 = arith.constant 0 : i32
    %dma_start3A_53 = tpu.memref_slice %arg2[%add3A_51, %dma_start3A_52] : memref<64x10000xf32, #tpu.memory_space<hbm>> -> memref<1x10000xf32, #tpu.memory_space<hbm>>
    %dma_start3A_54 = tpu.memref_squeeze %dma_start3A_53 : memref<1x10000xf32, #tpu.memory_space<hbm>> -> memref<10000xf32, #tpu.memory_space<hbm>>
    %dma_start3A_55 = arith.constant 0 : i32
    %dma_start3A_56 = tpu.memref_slice %arg2[%add3A_51, %dma_start3A_55] : memref<64x10000xf32, #tpu.memory_space<hbm>> -> memref<1x10000xf32, #tpu.memory_space<hbm>>
    %dma_start3A_57 = tpu.memref_squeeze %dma_start3A_56 : memref<1x10000xf32, #tpu.memory_space<hbm>> -> memref<10000xf32, #tpu.memory_space<hbm>>
    tpu.enqueue_dma source(%dma_start3A_57 : memref<10000xf32, #tpu.memory_space<hbm>>) target(%arg7 : memref<10000xf32, #tpu.memory_space<vmem>>) target_semaphore(%arg17 : memref<!tpu.dma_semaphore, #tpu.memory_space<semaphore_mem>>)
    %add3A_58 = arith.constant 3 : i32
    %add3A_59 = arith.addi %mul3A_32, %add3A_58 : i32
    %dma_start3A_60 = arith.constant 0 : i32
    %dma_start3A_61 = tpu.memref_slice %arg2[%add3A_59, %dma_start3A_60] : memref<64x10000xf32, #tpu.memory_space<hbm>> -> memref<1x10000xf32, #tpu.memory_space<hbm>>
    %dma_start3A_62 = tpu.memref_squeeze %dma_start3A_61 : memref<1x10000xf32, #tpu.memory_space<hbm>> -> memref<10000xf32, #tpu.memory_space<hbm>>
    %dma_start3A_63 = arith.constant 0 : i32
    %dma_start3A_64 = tpu.memref_slice %arg2[%add3A_59, %dma_start3A_63] : memref<64x10000xf32, #tpu.memory_space<hbm>> -> memref<1x10000xf32, #tpu.memory_space<hbm>>
    %dma_start3A_65 = tpu.memref_squeeze %dma_start3A_64 : memref<1x10000xf32, #tpu.memory_space<hbm>> -> memref<10000xf32, #tpu.memory_space<hbm>>
    tpu.enqueue_dma source(%dma_start3A_65 : memref<10000xf32, #tpu.memory_space<hbm>>) target(%arg8 : memref<10000xf32, #tpu.memory_space<vmem>>) target_semaphore(%arg17 : memref<!tpu.dma_semaphore, #tpu.memory_space<semaphore_mem>>)
    %dma_start3A_66 = tpu.memref_slice %arg3[%mul3A_34] : memref<320000xi32, #tpu.memory_space<hbm>> -> memref<3200xi32, #tpu.memory_space<hbm>>
    %dma_start3A_67 = tpu.memref_slice %arg3[%mul3A_34] : memref<320000xi32, #tpu.memory_space<hbm>> -> memref<3200xi32, #tpu.memory_space<hbm>>
    tpu.enqueue_dma source(%dma_start3A_67 : memref<3200xi32, #tpu.memory_space<hbm>>) target(%arg13 : memref<3200xi32, #tpu.memory_space<vmem>>) target_semaphore(%arg15 : memref<!tpu.dma_semaphore, #tpu.memory_space<semaphore_mem>>)
    %add3A_68 = arith.constant 3200 : i32
    %add3A_69 = arith.addi %mul3A_34, %add3A_68 : i32
    %dma_start3A_70 = tpu.memref_slice %arg3[%add3A_69] : memref<320000xi32, #tpu.memory_space<hbm>> -> memref<3200xi32, #tpu.memory_space<hbm>>
    %dma_start3A_71 = tpu.memref_slice %arg3[%add3A_69] : memref<320000xi32, #tpu.memory_space<hbm>> -> memref<3200xi32, #tpu.memory_space<hbm>>
    tpu.enqueue_dma source(%dma_start3A_71 : memref<3200xi32, #tpu.memory_space<hbm>>) target(%arg14 : memref<3200xi32, #tpu.memory_space<vmem>>) target_semaphore(%arg16 : memref<!tpu.dma_semaphore, #tpu.memory_space<semaphore_mem>>)
    %broadcast_in_dim3A = arith.constant 0.000000e+00 : f32
    %broadcast_in_dim3A_72 = vector.broadcast %broadcast_in_dim3A : f32 to vector<16xf32>
    %parallel_loop3A = arith.constant 0 : i32
    %parallel_loop3A_73 = arith.constant 10000 : i32
    %parallel_loop3A_74 = arith.constant 16 : i32
    scf.for %parallel_loop3A_120 = %parallel_loop3A to %parallel_loop3A_73 step %parallel_loop3A_74  : i32 {
      %parallel_loop3A_121 = arith.index_cast %parallel_loop3A_120 : i32 to index
      %parallel_loop3A_122 = tpu.vector_load %arg9[%parallel_loop3A_121] {strides = array<i32>} : memref<10000xf32, #tpu.memory_space<vmem>>, vector<16xf32>,
      tpu.vector_store %arg9[%parallel_loop3A_121], %broadcast_in_dim3A_72 {strides = array<i32>} : memref<10000xf32, #tpu.memory_space<vmem>>, vector<16xf32>,
      %parallel_loop3A_123 = arith.index_cast %parallel_loop3A_120 : i32 to index
      %parallel_loop3A_124 = tpu.vector_load %arg10[%parallel_loop3A_123] {strides = array<i32>} : memref<10000xf32, #tpu.memory_space<vmem>>, vector<16xf32>,
      tpu.vector_store %arg10[%parallel_loop3A_123], %broadcast_in_dim3A_72 {strides = array<i32>} : memref<10000xf32, #tpu.memory_space<vmem>>, vector<16xf32>,
      %parallel_loop3A_125 = arith.index_cast %parallel_loop3A_120 : i32 to index
      %parallel_loop3A_126 = tpu.vector_load %arg11[%parallel_loop3A_125] {strides = array<i32>} : memref<10000xf32, #tpu.memory_space<vmem>>, vector<16xf32>,
      tpu.vector_store %arg11[%parallel_loop3A_125], %broadcast_in_dim3A_72 {strides = array<i32>} : memref<10000xf32, #tpu.memory_space<vmem>>, vector<16xf32>,
      %parallel_loop3A_127 = arith.index_cast %parallel_loop3A_120 : i32 to index
      %parallel_loop3A_128 = tpu.vector_load %arg12[%parallel_loop3A_127] {strides = array<i32>} : memref<10000xf32, #tpu.memory_space<vmem>>, vector<16xf32>,
      tpu.vector_store %arg12[%parallel_loop3A_127], %broadcast_in_dim3A_72 {strides = array<i32>} : memref<10000xf32, #tpu.memory_space<vmem>>, vector<16xf32>,
    } {sc.loop_unroll_factor = 5 : i64, sc.parallel_access}
    %add3A_75 = arith.constant 0 : i32
    %add3A_76 = arith.addi %mul3A_32, %add3A_75 : i32
    %dma_wait3A = arith.constant 0 : i32
    %dma_wait3A_77 = tpu.memref_slice %arg2[%add3A_76, %dma_wait3A] : memref<64x10000xf32, #tpu.memory_space<hbm>> -> memref<1x10000xf32, #tpu.memory_space<hbm>>
    %dma_wait3A_78 = tpu.memref_squeeze %dma_wait3A_77 : memref<1x10000xf32, #tpu.memory_space<hbm>> -> memref<10000xf32, #tpu.memory_space<hbm>>
    %dma_wait3A_79 = arith.constant 0 : i32
    %dma_wait3A_80 = tpu.memref_slice %arg2[%add3A_76, %dma_wait3A_79] : memref<64x10000xf32, #tpu.memory_space<hbm>> -> memref<1x10000xf32, #tpu.memory_space<hbm>>
    %dma_wait3A_81 = tpu.memref_squeeze %dma_wait3A_80 : memref<1x10000xf32, #tpu.memory_space<hbm>> -> memref<10000xf32, #tpu.memory_space<hbm>>
    tpu.wait_dma2 semaphore(%arg17 : memref<!tpu.dma_semaphore, #tpu.memory_space<semaphore_mem>>) src(%dma_wait3A_81 : memref<10000xf32, #tpu.memory_space<hbm>>) dst(%arg5 : memref<10000xf32, #tpu.memory_space<vmem>>)
    %add3A_82 = arith.constant 1 : i32
    %add3A_83 = arith.addi %mul3A_32, %add3A_82 : i32
    %dma_wait3A_84 = arith.constant 0 : i32
    %dma_wait3A_85 = tpu.memref_slice %arg2[%add3A_83, %dma_wait3A_84] : memref<64x10000xf32, #tpu.memory_space<hbm>> -> memref<1x10000xf32, #tpu.memory_space<hbm>>
    %dma_wait3A_86 = tpu.memref_squeeze %dma_wait3A_85 : memref<1x10000xf32, #tpu.memory_space<hbm>> -> memref<10000xf32, #tpu.memory_space<hbm>>
    %dma_wait3A_87 = arith.constant 0 : i32
    %dma_wait3A_88 = tpu.memref_slice %arg2[%add3A_83, %dma_wait3A_87] : memref<64x10000xf32, #tpu.memory_space<hbm>> -> memref<1x10000xf32, #tpu.memory_space<hbm>>
    %dma_wait3A_89 = tpu.memref_squeeze %dma_wait3A_88 : memref<1x10000xf32, #tpu.memory_space<hbm>> -> memref<10000xf32, #tpu.memory_space<hbm>>
    tpu.wait_dma2 semaphore(%arg17 : memref<!tpu.dma_semaphore, #tpu.memory_space<semaphore_mem>>) src(%dma_wait3A_89 : memref<10000xf32, #tpu.memory_space<hbm>>) dst(%arg6 : memref<10000xf32, #tpu.memory_space<vmem>>)
    %add3A_90 = arith.constant 2 : i32
    %add3A_91 = arith.addi %mul3A_32, %add3A_90 : i32
    %dma_wait3A_92 = arith.constant 0 : i32
    %dma_wait3A_93 = tpu.memref_slice %arg2[%add3A_91, %dma_wait3A_92] : memref<64x10000xf32, #tpu.memory_space<hbm>> -> memref<1x10000xf32, #tpu.memory_space<hbm>>
    %dma_wait3A_94 = tpu.memref_squeeze %dma_wait3A_93 : memref<1x10000xf32, #tpu.memory_space<hbm>> -> memref<10000xf32, #tpu.memory_space<hbm>>
    %dma_wait3A_95 = arith.constant 0 : i32
    %dma_wait3A_96 = tpu.memref_slice %arg2[%add3A_91, %dma_wait3A_95] : memref<64x10000xf32, #tpu.memory_space<hbm>> -> memref<1x10000xf32, #tpu.memory_space<hbm>>
    %dma_wait3A_97 = tpu.memref_squeeze %dma_wait3A_96 : memref<1x10000xf32, #tpu.memory_space<hbm>> -> memref<10000xf32, #tpu.memory_space<hbm>>
    tpu.wait_dma2 semaphore(%arg17 : memref<!tpu.dma_semaphore, #tpu.memory_space<semaphore_mem>>) src(%dma_wait3A_97 : memref<10000xf32, #tpu.memory_space<hbm>>) dst(%arg7 : memref<10000xf32, #tpu.memory_space<vmem>>)
    %add3A_98 = arith.constant 3 : i32
    %add3A_99 = arith.addi %mul3A_32, %add3A_98 : i32
    %dma_wait3A_100 = arith.constant 0 : i32
    %dma_wait3A_101 = tpu.memref_slice %arg2[%add3A_99, %dma_wait3A_100] : memref<64x10000xf32, #tpu.memory_space<hbm>> -> memref<1x10000xf32, #tpu.memory_space<hbm>>
    %dma_wait3A_102 = tpu.memref_squeeze %dma_wait3A_101 : memref<1x10000xf32, #tpu.memory_space<hbm>> -> memref<10000xf32, #tpu.memory_space<hbm>>
    %dma_wait3A_103 = arith.constant 0 : i32
    %dma_wait3A_104 = tpu.memref_slice %arg2[%add3A_99, %dma_wait3A_103] : memref<64x10000xf32, #tpu.memory_space<hbm>> -> memref<1x10000xf32, #tpu.memory_space<hbm>>
    %dma_wait3A_105 = tpu.memref_squeeze %dma_wait3A_104 : memref<1x10000xf32, #tpu.memory_space<hbm>> -> memref<10000xf32, #tpu.memory_space<hbm>>
    tpu.wait_dma2 semaphore(%arg17 : memref<!tpu.dma_semaphore, #tpu.memory_space<semaphore_mem>>) src(%dma_wait3A_105 : memref<10000xf32, #tpu.memory_space<hbm>>) dst(%arg8 : memref<10000xf32, #tpu.memory_space<vmem>>)
    %scan3A = arith.constant 0 : i32
    %scan3A_106 = arith.constant 65535 : i32
    %scan3A_107 = arith.constant 0 : i32
    %scan3A_108 = arith.constant 25 : i32
    %scan3A_109 = arith.addi %scan3A_107, %scan3A_108 : i32
    %scan3A_110 = arith.constant 1 : i32
    scf.for %scan3A_120 = %scan3A_107 to %scan3A_109 step %scan3A_110  : i32 {
      %dma_wait3A_121 = tpu.memref_slice %arg3[%mul3A_34] : memref<320000xi32, #tpu.memory_space<hbm>> -> memref<3200xi32, #tpu.memory_space<hbm>>
      %dma_wait3A_122 = tpu.memref_slice %arg3[%mul3A_34] : memref<320000xi32, #tpu.memory_space<hbm>> -> memref<3200xi32, #tpu.memory_space<hbm>>
      tpu.wait_dma2 semaphore(%arg15 : memref<!tpu.dma_semaphore, #tpu.memory_space<semaphore_mem>>) src(%dma_wait3A_122 : memref<3200xi32, #tpu.memory_space<hbm>>) dst(%arg13 : memref<3200xi32, #tpu.memory_space<vmem>>)
      %parallel_loop3A_123 = arith.constant 0 : i32
      %parallel_loop3A_124 = arith.constant 3200 : i32
      %parallel_loop3A_125 = arith.constant 16 : i32
      scf.for %parallel_loop3A_139 = %parallel_loop3A_123 to %parallel_loop3A_124 step %parallel_loop3A_125  : i32 {
        %parallel_loop3A_140 = arith.index_cast %parallel_loop3A_139 : i32 to index
        %parallel_loop3A_141 = tpu.vector_load %arg13[%parallel_loop3A_140] {strides = array<i32>} : memref<3200xi32, #tpu.memory_space<vmem>>, vector<16xi32>,
        %parallel_loop3A_142 = vector.broadcast %scan3A_106 : i32 to vector<16xi32>
        %parallel_loop3A_143 = arith.andi %parallel_loop3A_141, %parallel_loop3A_142 : vector<16xi32>
        %parallel_loop3A_144 = arith.constant 16 : i32
        %parallel_loop3A_145 = vector.broadcast %parallel_loop3A_144 : i32 to vector<16xi32>
        %parallel_loop3A_146 = arith.shrui %parallel_loop3A_141, %parallel_loop3A_145 : vector<16xi32>
        %parallel_loop3A_147 = tpu.vector_load_idx %arg5[%parallel_loop3A_143] : memref<10000xf32, #tpu.memory_space<vmem>>[vector<16xi32>], vector<16xf32>,
        tpu.vector_store_idx %arg9[%parallel_loop3A_146], %parallel_loop3A_147 {add = true} : memref<10000xf32, #tpu.memory_space<vmem>>[vector<16xi32>], vector<16xf32>,
        %parallel_loop3A_148 = tpu.vector_load_idx %arg6[%parallel_loop3A_143] : memref<10000xf32, #tpu.memory_space<vmem>>[vector<16xi32>], vector<16xf32>,
        tpu.vector_store_idx %arg10[%parallel_loop3A_146], %parallel_loop3A_148 {add = true} : memref<10000xf32, #tpu.memory_space<vmem>>[vector<16xi32>], vector<16xf32>,
        %parallel_loop3A_149 = tpu.vector_load_idx %arg7[%parallel_loop3A_143] : memref<10000xf32, #tpu.memory_space<vmem>>[vector<16xi32>], vector<16xf32>,
        tpu.vector_store_idx %arg11[%parallel_loop3A_146], %parallel_loop3A_149 {add = true} : memref<10000xf32, #tpu.memory_space<vmem>>[vector<16xi32>], vector<16xf32>,
        %parallel_loop3A_150 = tpu.vector_load_idx %arg8[%parallel_loop3A_143] : memref<10000xf32, #tpu.memory_space<vmem>>[vector<16xi32>], vector<16xf32>,
        tpu.vector_store_idx %arg12[%parallel_loop3A_146], %parallel_loop3A_150 {add = true} : memref<10000xf32, #tpu.memory_space<vmem>>[vector<16xi32>], vector<16xf32>,
      } {sc.loop_unroll_factor = 8 : i64, sc.parallel_access}
      %lt3A_126 = arith.constant 24 : i32
      %lt3A_127 = arith.cmpi slt, %scan3A_120, %lt3A_126 : i32
      %convert_element_type3A = arith.extui %lt3A_127 : i1 to i32
      %cond3A = arith.constant 0 : i32
      %cond3A_128 = arith.cmpi ne, %convert_element_type3A, %cond3A : i32
      scf.if %cond3A_128 {
        %mul3A_139 = arith.constant 2 : i32
        %mul3A_140 = arith.muli %mul3A_139, %scan3A_120 : i32
        %add3A_141 = arith.constant 2 : i32
        %add3A_142 = arith.addi %mul3A_140, %add3A_141 : i32
        %mul3A_143 = arith.constant 3200 : i32
        %mul3A_144 = arith.muli %add3A_142, %mul3A_143 : i32
        %add3A_145 = arith.addi %mul3A_34, %mul3A_144 : i32
        %dma_start3A_146 = tpu.memref_slice %arg3[%add3A_145] : memref<320000xi32, #tpu.memory_space<hbm>> -> memref<3200xi32, #tpu.memory_space<hbm>>
        %dma_start3A_147 = tpu.memref_slice %arg3[%add3A_145] : memref<320000xi32, #tpu.memory_space<hbm>> -> memref<3200xi32, #tpu.memory_space<hbm>>
        tpu.enqueue_dma source(%dma_start3A_147 : memref<3200xi32, #tpu.memory_space<hbm>>) target(%arg13 : memref<3200xi32, #tpu.memory_space<vmem>>) target_semaphore(%arg15 : memref<!tpu.dma_semaphore, #tpu.memory_space<semaphore_mem>>)
      } else {
      }
      %dma_wait3A_129 = tpu.memref_slice %arg3[%mul3A_34] : memref<320000xi32, #tpu.memory_space<hbm>> -> memref<3200xi32, #tpu.memory_space<hbm>>
      %dma_wait3A_130 = tpu.memref_slice %arg3[%mul3A_34] : memref<320000xi32, #tpu.memory_space<hbm>> -> memref<3200xi32, #tpu.memory_space<hbm>>
      tpu.wait_dma2 semaphore(%arg16 : memref<!tpu.dma_semaphore, #tpu.memory_space<semaphore_mem>>) src(%dma_wait3A_130 : memref<3200xi32, #tpu.memory_space<hbm>>) dst(%arg14 : memref<3200xi32, #tpu.memory_space<vmem>>)
      %parallel_loop3A_131 = arith.constant 0 : i32
      %parallel_loop3A_132 = arith.constant 3200 : i32
      %parallel_loop3A_133 = arith.constant 16 : i32
      scf.for %parallel_loop3A_139 = %parallel_loop3A_131 to %parallel_loop3A_132 step %parallel_loop3A_133  : i32 {
        %parallel_loop3A_140 = arith.index_cast %parallel_loop3A_139 : i32 to index
        %parallel_loop3A_141 = tpu.vector_load %arg14[%parallel_loop3A_140] {strides = array<i32>} : memref<3200xi32, #tpu.memory_space<vmem>>, vector<16xi32>,
        %parallel_loop3A_142 = vector.broadcast %scan3A_106 : i32 to vector<16xi32>
        %parallel_loop3A_143 = arith.andi %parallel_loop3A_141, %parallel_loop3A_142 : vector<16xi32>
        %parallel_loop3A_144 = arith.constant 16 : i32
        %parallel_loop3A_145 = vector.broadcast %parallel_loop3A_144 : i32 to vector<16xi32>
        %parallel_loop3A_146 = arith.shrui %parallel_loop3A_141, %parallel_loop3A_145 : vector<16xi32>
        %parallel_loop3A_147 = tpu.vector_load_idx %arg5[%parallel_loop3A_143] : memref<10000xf32, #tpu.memory_space<vmem>>[vector<16xi32>], vector<16xf32>,
        tpu.vector_store_idx %arg9[%parallel_loop3A_146], %parallel_loop3A_147 {add = true} : memref<10000xf32, #tpu.memory_space<vmem>>[vector<16xi32>], vector<16xf32>,
        %parallel_loop3A_148 = tpu.vector_load_idx %arg6[%parallel_loop3A_143] : memref<10000xf32, #tpu.memory_space<vmem>>[vector<16xi32>], vector<16xf32>,
        tpu.vector_store_idx %arg10[%parallel_loop3A_146], %parallel_loop3A_148 {add = true} : memref<10000xf32, #tpu.memory_space<vmem>>[vector<16xi32>], vector<16xf32>,
        %parallel_loop3A_149 = tpu.vector_load_idx %arg7[%parallel_loop3A_143] : memref<10000xf32, #tpu.memory_space<vmem>>[vector<16xi32>], vector<16xf32>,
        tpu.vector_store_idx %arg11[%parallel_loop3A_146], %parallel_loop3A_149 {add = true} : memref<10000xf32, #tpu.memory_space<vmem>>[vector<16xi32>], vector<16xf32>,
        %parallel_loop3A_150 = tpu.vector_load_idx %arg8[%parallel_loop3A_143] : memref<10000xf32, #tpu.memory_space<vmem>>[vector<16xi32>], vector<16xf32>,
        tpu.vector_store_idx %arg12[%parallel_loop3A_146], %parallel_loop3A_150 {add = true} : memref<10000xf32, #tpu.memory_space<vmem>>[vector<16xi32>], vector<16xf32>,
      } {sc.loop_unroll_factor = 8 : i64, sc.parallel_access}
      %lt3A_134 = arith.constant 24 : i32
      %lt3A_135 = arith.cmpi slt, %scan3A_120, %lt3A_134 : i32
      %convert_element_type3A_136 = arith.extui %lt3A_135 : i1 to i32
      %cond3A_137 = arith.constant 0 : i32
      %cond3A_138 = arith.cmpi ne, %convert_element_type3A_136, %cond3A_137 : i32
      scf.if %cond3A_138 {
        %mul3A_139 = arith.constant 2 : i32
        %mul3A_140 = arith.muli %mul3A_139, %scan3A_120 : i32
        %add3A_141 = arith.constant 3 : i32
        %add3A_142 = arith.addi %mul3A_140, %add3A_141 : i32
        %mul3A_143 = arith.constant 3200 : i32
        %mul3A_144 = arith.muli %add3A_142, %mul3A_143 : i32
        %add3A_145 = arith.addi %mul3A_34, %mul3A_144 : i32
        %dma_start3A_146 = tpu.memref_slice %arg3[%add3A_145] : memref<320000xi32, #tpu.memory_space<hbm>> -> memref<3200xi32, #tpu.memory_space<hbm>>
        %dma_start3A_147 = tpu.memref_slice %arg3[%add3A_145] : memref<320000xi32, #tpu.memory_space<hbm>> -> memref<3200xi32, #tpu.memory_space<hbm>>
        tpu.enqueue_dma source(%dma_start3A_147 : memref<3200xi32, #tpu.memory_space<hbm>>) target(%arg14 : memref<3200xi32, #tpu.memory_space<vmem>>) target_semaphore(%arg16 : memref<!tpu.dma_semaphore, #tpu.memory_space<semaphore_mem>>)
      } else {
      }
    }
    %scan3A_111 = arith.constant 25 : i32
    %add3A_112 = arith.constant 0 : i32
    %add3A_113 = arith.addi %mul3A_32, %add3A_112 : i32
    "tpu.region"() ({
      %run_scoped3A = tpu.sem_alloc : memref<!tpu.dma_semaphore, #tpu.memory_space<semaphore_mem>>
      %dma_start3A_120 = arith.constant 0 : i32
      %dma_start3A_121 = tpu.memref_slice %arg4[%select_n3A_30, %add3A_113, %dma_start3A_120] : memref<2x64x10000xf32, #tpu.memory_space<hbm>> -> memref<1x1x10000xf32, #tpu.memory_space<hbm>>
      %dma_start3A_122 = tpu.memref_squeeze %dma_start3A_121 : memref<1x1x10000xf32, #tpu.memory_space<hbm>> -> memref<10000xf32, #tpu.memory_space<hbm>>
      %dma_start3A_123 = arith.constant 0 : i32
      %dma_start3A_124 = tpu.memref_slice %arg4[%select_n3A_30, %add3A_113, %dma_start3A_123] : memref<2x64x10000xf32, #tpu.memory_space<hbm>> -> memref<1x1x10000xf32, #tpu.memory_space<hbm>>
      %dma_start3A_125 = tpu.memref_squeeze %dma_start3A_124 : memref<1x1x10000xf32, #tpu.memory_space<hbm>> -> memref<10000xf32, #tpu.memory_space<hbm>>
      tpu.enqueue_dma source(%arg9 : memref<10000xf32, #tpu.memory_space<vmem>>) target(%dma_start3A_125 : memref<10000xf32, #tpu.memory_space<hbm>>) target_semaphore(%run_scoped3A : memref<!tpu.dma_semaphore, #tpu.memory_space<semaphore_mem>>)
      %dma_wait3A_126 = arith.constant 0 : i32
      %dma_wait3A_127 = tpu.memref_slice %arg4[%select_n3A_30, %add3A_113, %dma_wait3A_126] : memref<2x64x10000xf32, #tpu.memory_space<hbm>> -> memref<1x1x10000xf32, #tpu.memory_space<hbm>>
      %dma_wait3A_128 = tpu.memref_squeeze %dma_wait3A_127 : memref<1x1x10000xf32, #tpu.memory_space<hbm>> -> memref<10000xf32, #tpu.memory_space<hbm>>
      %dma_wait3A_129 = arith.constant 0 : i32
      %dma_wait3A_130 = tpu.memref_slice %arg4[%select_n3A_30, %add3A_113, %dma_wait3A_129] : memref<2x64x10000xf32, #tpu.memory_space<hbm>> -> memref<1x1x10000xf32, #tpu.memory_space<hbm>>
      %dma_wait3A_131 = tpu.memref_squeeze %dma_wait3A_130 : memref<1x1x10000xf32, #tpu.memory_space<hbm>> -> memref<10000xf32, #tpu.memory_space<hbm>>
      tpu.wait_dma2 semaphore(%run_scoped3A : memref<!tpu.dma_semaphore, #tpu.memory_space<semaphore_mem>>) src(%arg9 : memref<10000xf32, #tpu.memory_space<vmem>>) dst(%dma_wait3A_131 : memref<10000xf32, #tpu.memory_space<hbm>>)
      tpu.yield
    }) : () -> ()
    %add3A_114 = arith.constant 1 : i32
    %add3A_115 = arith.addi %mul3A_32, %add3A_114 : i32
    "tpu.region"() ({
      %run_scoped3A = tpu.sem_alloc : memref<!tpu.dma_semaphore, #tpu.memory_space<semaphore_mem>>
      %dma_start3A_120 = arith.constant 0 : i32
      %dma_start3A_121 = tpu.memref_slice %arg4[%select_n3A_30, %add3A_115, %dma_start3A_120] : memref<2x64x10000xf32, #tpu.memory_space<hbm>> -> memref<1x1x10000xf32, #tpu.memory_space<hbm>>
      %dma_start3A_122 = tpu.memref_squeeze %dma_start3A_121 : memref<1x1x10000xf32, #tpu.memory_space<hbm>> -> memref<10000xf32, #tpu.memory_space<hbm>>
      %dma_start3A_123 = arith.constant 0 : i32
      %dma_start3A_124 = tpu.memref_slice %arg4[%select_n3A_30, %add3A_115, %dma_start3A_123] : memref<2x64x10000xf32, #tpu.memory_space<hbm>> -> memref<1x1x10000xf32, #tpu.memory_space<hbm>>
      %dma_start3A_125 = tpu.memref_squeeze %dma_start3A_124 : memref<1x1x10000xf32, #tpu.memory_space<hbm>> -> memref<10000xf32, #tpu.memory_space<hbm>>
      tpu.enqueue_dma source(%arg10 : memref<10000xf32, #tpu.memory_space<vmem>>) target(%dma_start3A_125 : memref<10000xf32, #tpu.memory_space<hbm>>) target_semaphore(%run_scoped3A : memref<!tpu.dma_semaphore, #tpu.memory_space<semaphore_mem>>)
      %dma_wait3A_126 = arith.constant 0 : i32
      %dma_wait3A_127 = tpu.memref_slice %arg4[%select_n3A_30, %add3A_115, %dma_wait3A_126] : memref<2x64x10000xf32, #tpu.memory_space<hbm>> -> memref<1x1x10000xf32, #tpu.memory_space<hbm>>
      %dma_wait3A_128 = tpu.memref_squeeze %dma_wait3A_127 : memref<1x1x10000xf32, #tpu.memory_space<hbm>> -> memref<10000xf32, #tpu.memory_space<hbm>>
      %dma_wait3A_129 = arith.constant 0 : i32
      %dma_wait3A_130 = tpu.memref_slice %arg4[%select_n3A_30, %add3A_115, %dma_wait3A_129] : memref<2x64x10000xf32, #tpu.memory_space<hbm>> -> memref<1x1x10000xf32, #tpu.memory_space<hbm>>
      %dma_wait3A_131 = tpu.memref_squeeze %dma_wait3A_130 : memref<1x1x10000xf32, #tpu.memory_space<hbm>> -> memref<10000xf32, #tpu.memory_space<hbm>>
      tpu.wait_dma2 semaphore(%run_scoped3A : memref<!tpu.dma_semaphore, #tpu.memory_space<semaphore_mem>>) src(%arg10 : memref<10000xf32, #tpu.memory_space<vmem>>) dst(%dma_wait3A_131 : memref<10000xf32, #tpu.memory_space<hbm>>)
      tpu.yield
    }) : () -> ()
    %add3A_116 = arith.constant 2 : i32
    %add3A_117 = arith.addi %mul3A_32, %add3A_116 : i32
    "tpu.region"() ({
      %run_scoped3A = tpu.sem_alloc : memref<!tpu.dma_semaphore, #tpu.memory_space<semaphore_mem>>
      %dma_start3A_120 = arith.constant 0 : i32
      %dma_start3A_121 = tpu.memref_slice %arg4[%select_n3A_30, %add3A_117, %dma_start3A_120] : memref<2x64x10000xf32, #tpu.memory_space<hbm>> -> memref<1x1x10000xf32, #tpu.memory_space<hbm>>
      %dma_start3A_122 = tpu.memref_squeeze %dma_start3A_121 : memref<1x1x10000xf32, #tpu.memory_space<hbm>> -> memref<10000xf32, #tpu.memory_space<hbm>>
      %dma_start3A_123 = arith.constant 0 : i32
      %dma_start3A_124 = tpu.memref_slice %arg4[%select_n3A_30, %add3A_117, %dma_start3A_123] : memref<2x64x10000xf32, #tpu.memory_space<hbm>> -> memref<1x1x10000xf32, #tpu.memory_space<hbm>>
      %dma_start3A_125 = tpu.memref_squeeze %dma_start3A_124 : memref<1x1x10000xf32, #tpu.memory_space<hbm>> -> memref<10000xf32, #tpu.memory_space<hbm>>
      tpu.enqueue_dma source(%arg11 : memref<10000xf32, #tpu.memory_space<vmem>>) target(%dma_start3A_125 : memref<10000xf32, #tpu.memory_space<hbm>>) target_semaphore(%run_scoped3A : memref<!tpu.dma_semaphore, #tpu.memory_space<semaphore_mem>>)
      %dma_wait3A_126 = arith.constant 0 : i32
      %dma_wait3A_127 = tpu.memref_slice %arg4[%select_n3A_30, %add3A_117, %dma_wait3A_126] : memref<2x64x10000xf32, #tpu.memory_space<hbm>> -> memref<1x1x10000xf32, #tpu.memory_space<hbm>>
      %dma_wait3A_128 = tpu.memref_squeeze %dma_wait3A_127 : memref<1x1x10000xf32, #tpu.memory_space<hbm>> -> memref<10000xf32, #tpu.memory_space<hbm>>
      %dma_wait3A_129 = arith.constant 0 : i32
      %dma_wait3A_130 = tpu.memref_slice %arg4[%select_n3A_30, %add3A_117, %dma_wait3A_129] : memref<2x64x10000xf32, #tpu.memory_space<hbm>> -> memref<1x1x10000xf32, #tpu.memory_space<hbm>>
      %dma_wait3A_131 = tpu.memref_squeeze %dma_wait3A_130 : memref<1x1x10000xf32, #tpu.memory_space<hbm>> -> memref<10000xf32, #tpu.memory_space<hbm>>
      tpu.wait_dma2 semaphore(%run_scoped3A : memref<!tpu.dma_semaphore, #tpu.memory_space<semaphore_mem>>) src(%arg11 : memref<10000xf32, #tpu.memory_space<vmem>>) dst(%dma_wait3A_131 : memref<10000xf32, #tpu.memory_space<hbm>>)
      tpu.yield
    }) : () -> ()
    %add3A_118 = arith.constant 3 : i32
    %add3A_119 = arith.addi %mul3A_32, %add3A_118 : i32
    "tpu.region"() ({
      %run_scoped3A = tpu.sem_alloc : memref<!tpu.dma_semaphore, #tpu.memory_space<semaphore_mem>>
      %dma_start3A_120 = arith.constant 0 : i32
      %dma_start3A_121 = tpu.memref_slice %arg4[%select_n3A_30, %add3A_119, %dma_start3A_120] : memref<2x64x10000xf32, #tpu.memory_space<hbm>> -> memref<1x1x10000xf32, #tpu.memory_space<hbm>>
      %dma_start3A_122 = tpu.memref_squeeze %dma_start3A_121 : memref<1x1x10000xf32, #tpu.memory_space<hbm>> -> memref<10000xf32, #tpu.memory_space<hbm>>
      %dma_start3A_123 = arith.constant 0 : i32
      %dma_start3A_124 = tpu.memref_slice %arg4[%select_n3A_30, %add3A_119, %dma_start3A_123] : memref<2x64x10000xf32, #tpu.memory_space<hbm>> -> memref<1x1x10000xf32, #tpu.memory_space<hbm>>
      %dma_start3A_125 = tpu.memref_squeeze %dma_start3A_124 : memref<1x1x10000xf32, #tpu.memory_space<hbm>> -> memref<10000xf32, #tpu.memory_space<hbm>>
      tpu.enqueue_dma source(%arg12 : memref<10000xf32, #tpu.memory_space<vmem>>) target(%dma_start3A_125 : memref<10000xf32, #tpu.memory_space<hbm>>) target_semaphore(%run_scoped3A : memref<!tpu.dma_semaphore, #tpu.memory_space<semaphore_mem>>)
      %dma_wait3A_126 = arith.constant 0 : i32
      %dma_wait3A_127 = tpu.memref_slice %arg4[%select_n3A_30, %add3A_119, %dma_wait3A_126] : memref<2x64x10000xf32, #tpu.memory_space<hbm>> -> memref<1x1x10000xf32, #tpu.memory_space<hbm>>
      %dma_wait3A_128 = tpu.memref_squeeze %dma_wait3A_127 : memref<1x1x10000xf32, #tpu.memory_space<hbm>> -> memref<10000xf32, #tpu.memory_space<hbm>>
      %dma_wait3A_129 = arith.constant 0 : i32
      %dma_wait3A_130 = tpu.memref_slice %arg4[%select_n3A_30, %add3A_119, %dma_wait3A_129] : memref<2x64x10000xf32, #tpu.memory_space<hbm>> -> memref<1x1x10000xf32, #tpu.memory_space<hbm>>
      %dma_wait3A_131 = tpu.memref_squeeze %dma_wait3A_130 : memref<1x1x10000xf32, #tpu.memory_space<hbm>> -> memref<10000xf32, #tpu.memory_space<hbm>>
      tpu.wait_dma2 semaphore(%run_scoped3A : memref<!tpu.dma_semaphore, #tpu.memory_space<semaphore_mem>>) src(%arg12 : memref<10000xf32, #tpu.memory_space<vmem>>) dst(%dma_wait3A_131 : memref<10000xf32, #tpu.memory_space<hbm>>)
      tpu.yield
    }) : () -> ()
    return
  }
}

module attributes {stable_mosaic.version = 14 : i64} {
  func.func @_tc_mid(%arg0: memref<2x64x10000xf32, #tpu.memory_space<vmem>>, %arg1: memref<64x10000xf32, #tpu.memory_space<vmem>>, %arg2: memref<1x10000xf32, #tpu.memory_space<vmem>>, %arg3: memref<64x1xf32, #tpu.memory_space<vmem>>, %arg4: memref<64x64xf32, #tpu.memory_space<vmem>>, %arg5: memref<64x10000xf32, #tpu.memory_space<vmem>>) attributes {dimension_semantics = [], scalar_prefetch = 0 : i64, scratch_operands = 0 : i64, tpu.core_type = #tpu.core_type<tc>} {
    %get3A = arith.constant 0 : index
    %get3A_0 = arith.constant 0 : index
    %get3A_1 = vector.load %arg2[%get3A, %get3A_0] : memref<1x10000xf32, #tpu.memory_space<vmem>>, vector<1x10000xf32>
    %get3A_2 = arith.constant 0 : index
    %get3A_3 = arith.constant 0 : index
    %get3A_4 = arith.constant 0 : index
    %get3A_5 = vector.load %arg0[%get3A_2, %get3A_3, %get3A_4] : memref<2x64x10000xf32, #tpu.memory_space<vmem>>, vector<2x64x10000xf32>
    %reduce_sum3A = arith.constant dense<0.000000e+00> : vector<64x10000xf32>
    %reduce_sum3A_6 = vector.multi_reduction <add>, %get3A_5, %reduce_sum3A [0] : vector<2x64x10000xf32> to vector<64x10000xf32>
    %get3A_7 = arith.constant 0 : index
    %get3A_8 = arith.constant 0 : index
    %get3A_9 = vector.load %arg1[%get3A_7, %get3A_8] : memref<64x10000xf32, #tpu.memory_space<vmem>>, vector<64x10000xf32>
    %add3A = arith.addf %reduce_sum3A_6, %get3A_9 : vector<64x10000xf32>
    %mul3A = vector.broadcast %get3A_1 : vector<1x10000xf32> to vector<64x10000xf32>
    %mul3A_10 = arith.mulf %mul3A, %add3A : vector<64x10000xf32>
    %get3A_11 = arith.constant 0 : index
    %get3A_12 = arith.constant 0 : index
    %get3A_13 = vector.load %arg3[%get3A_11, %get3A_12] : memref<64x1xf32, #tpu.memory_space<vmem>>, vector<64x1xf32>
    %add3A_14 = vector.broadcast %get3A_13 : vector<64x1xf32> to vector<64x10000xf32>
    %add3A_15 = arith.addf %mul3A_10, %add3A_14 : vector<64x10000xf32>
    %max3A = arith.constant 0.000000e+00 : f32
    %max3A_16 = vector.broadcast %max3A : f32 to vector<64x10000xf32>
    %max3A_17 = arith.maximumf %add3A_15, %max3A_16 : vector<64x10000xf32>
    %get3A_18 = arith.constant 0 : index
    %get3A_19 = arith.constant 0 : index
    %get3A_20 = vector.load %arg4[%get3A_18, %get3A_19] : memref<64x64xf32, #tpu.memory_space<vmem>>, vector<64x64xf32>
    %dot_general3A = arith.constant dense<0.000000e+00> : vector<64x10000xf32>
    %dot_general3A_21 = tpu.matmul %get3A_20, %max3A_17, %dot_general3A {dimension_numbers = #tpu.dot_dimension_numbers<[0], [0], [1], [1], [0, 1, 1, 1], [], []>, precision = #tpu.contract_precision<fp32>, transpose_lhs_hint = false} : vector<64x64xf32>, vector<64x10000xf32>, vector<64x10000xf32> -> vector<64x10000xf32>
    %mul3A_22 = vector.broadcast %get3A_1 : vector<1x10000xf32> to vector<64x10000xf32>
    %mul3A_23 = arith.mulf %dot_general3A_21, %mul3A_22 : vector<64x10000xf32>
    %swap3A = arith.constant 0 : index
    %swap3A_24 = arith.constant 0 : index
    %swap3A_25 = vector.load %arg5[%swap3A, %swap3A_24] : memref<64x10000xf32, #tpu.memory_space<vmem>>, vector<64x10000xf32>
    tpu.vector_store %arg5[%swap3A, %swap3A_24], %mul3A_23 {strides = array<i32>} : memref<64x10000xf32, #tpu.memory_space<vmem>>, vector<64x10000xf32>,
    return
  }
}

module attributes {stable_mosaic.version = 14 : i64} {
  func.func @_tc_first(%arg0: memref<32x10000xf32, #tpu.memory_space<vmem>>, %arg1: memref<10000x128xf32, #tpu.memory_space<vmem>>, %arg2: memref<128x64xf32, #tpu.memory_space<vmem>>, %arg3: memref<1x10000xf32, #tpu.memory_space<vmem>>, %arg4: memref<64x10000xf32, #tpu.memory_space<vmem>>) attributes {dimension_semantics = [], scalar_prefetch = 0 : i64, scratch_operands = 0 : i64, tpu.core_type = #tpu.core_type<tc>} {
    %get3A = arith.constant 0 : index
    %get3A_0 = arith.constant 0 : index
    %get3A_1 = vector.load %arg0[%get3A, %get3A_0] : memref<32x10000xf32, #tpu.memory_space<vmem>>, vector<32x10000xf32>
    %reduce_sum3A = arith.constant dense<0.000000e+00> : vector<10000xf32>
    %reduce_sum3A_2 = vector.multi_reduction <add>, %get3A_1, %reduce_sum3A [0] : vector<32x10000xf32> to vector<10000xf32>
    %broadcast_in_dim3A = vector.shape_cast %reduce_sum3A_2 : vector<10000xf32> to vector<1x10000xf32>
    %add3A = arith.constant 1.000000e+00 : f32
    %add3A_3 = vector.broadcast %add3A : f32 to vector<1x10000xf32>
    %add3A_4 = arith.addf %broadcast_in_dim3A, %add3A_3 : vector<1x10000xf32>
    %rsqrt3A = math.rsqrt %add3A_4 : vector<1x10000xf32>
    %swap3A = arith.constant 0 : index
    %swap3A_5 = arith.constant 0 : index
    %swap3A_6 = vector.load %arg3[%swap3A, %swap3A_5] : memref<1x10000xf32, #tpu.memory_space<vmem>>, vector<1x10000xf32>
    tpu.vector_store %arg3[%swap3A, %swap3A_5], %rsqrt3A {strides = array<i32>} : memref<1x10000xf32, #tpu.memory_space<vmem>>, vector<1x10000xf32>,
    %get3A_7 = arith.constant 0 : index
    %get3A_8 = arith.constant 0 : index
    %get3A_9 = vector.load %arg2[%get3A_7, %get3A_8] : memref<128x64xf32, #tpu.memory_space<vmem>>, vector<128x64xf32>
    %get3A_10 = arith.constant 0 : index
    %get3A_11 = arith.constant 0 : index
    %get3A_12 = vector.load %arg1[%get3A_10, %get3A_11] : memref<10000x128xf32, #tpu.memory_space<vmem>>, vector<10000x128xf32>
    %dot_general3A = arith.constant dense<0.000000e+00> : vector<64x10000xf32>
    %dot_general3A_13 = tpu.matmul %get3A_9, %get3A_12, %dot_general3A {dimension_numbers = #tpu.dot_dimension_numbers<[0], [1], [1], [0], [0, 1, 1, 0], [], []>, precision = #tpu.contract_precision<fp32>, transpose_lhs_hint = false} : vector<128x64xf32>, vector<10000x128xf32>, vector<64x10000xf32> -> vector<64x10000xf32>
    %mul3A = vector.broadcast %rsqrt3A : vector<1x10000xf32> to vector<64x10000xf32>
    %mul3A_14 = arith.mulf %dot_general3A_13, %mul3A : vector<64x10000xf32>
    %swap3A_15 = arith.constant 0 : index
    %swap3A_16 = arith.constant 0 : index
    %swap3A_17 = vector.load %arg4[%swap3A_15, %swap3A_16] : memref<64x10000xf32, #tpu.memory_space<vmem>>, vector<64x10000xf32>
    tpu.vector_store %arg4[%swap3A_15, %swap3A_16], %mul3A_14 {strides = array<i32>} : memref<64x10000xf32, #tpu.memory_space<vmem>>, vector<64x10000xf32>,
    return
  }
}

module attributes {stable_mosaic.version = 14 : i64} {
  func.func @tc_final(%arg0: memref<2x64x10000xf32, #tpu.memory_space<vmem>>, %arg1: memref<64x10000xf32, #tpu.memory_space<vmem>>, %arg2: memref<1x10000xf32, #tpu.memory_space<vmem>>, %arg3: memref<64x1xf32, #tpu.memory_space<vmem>>, %arg4: memref<1x10000xf32, #tpu.memory_space<vmem>>, %arg5: memref<64x2xf32, #tpu.memory_space<vmem>>, %arg6: memref<1x2xf32, #tpu.memory_space<vmem>>, %arg7: memref<64x2xf32, #tpu.memory_space<vmem>>) attributes {dimension_semantics = [], scalar_prefetch = 0 : i64, scratch_operands = 0 : i64, tpu.core_type = #tpu.core_type<tc>} {
    %get3A = arith.constant 0 : index
    %get3A_0 = arith.constant 0 : index
    %get3A_1 = vector.load %arg2[%get3A, %get3A_0] : memref<1x10000xf32, #tpu.memory_space<vmem>>, vector<1x10000xf32>
    %get3A_2 = arith.constant 0 : index
    %get3A_3 = arith.constant 0 : index
    %get3A_4 = arith.constant 0 : index
    %get3A_5 = vector.load %arg0[%get3A_2, %get3A_3, %get3A_4] : memref<2x64x10000xf32, #tpu.memory_space<vmem>>, vector<2x64x10000xf32>
    %reduce_sum3A = arith.constant dense<0.000000e+00> : vector<64x10000xf32>
    %reduce_sum3A_6 = vector.multi_reduction <add>, %get3A_5, %reduce_sum3A [0] : vector<2x64x10000xf32> to vector<64x10000xf32>
    %get3A_7 = arith.constant 0 : index
    %get3A_8 = arith.constant 0 : index
    %get3A_9 = vector.load %arg1[%get3A_7, %get3A_8] : memref<64x10000xf32, #tpu.memory_space<vmem>>, vector<64x10000xf32>
    %add3A = arith.addf %reduce_sum3A_6, %get3A_9 : vector<64x10000xf32>
    %mul3A = vector.broadcast %get3A_1 : vector<1x10000xf32> to vector<64x10000xf32>
    %mul3A_10 = arith.mulf %mul3A, %add3A : vector<64x10000xf32>
    %get3A_11 = arith.constant 0 : index
    %get3A_12 = arith.constant 0 : index
    %get3A_13 = vector.load %arg3[%get3A_11, %get3A_12] : memref<64x1xf32, #tpu.memory_space<vmem>>, vector<64x1xf32>
    %add3A_14 = vector.broadcast %get3A_13 : vector<64x1xf32> to vector<64x10000xf32>
    %add3A_15 = arith.addf %mul3A_10, %add3A_14 : vector<64x10000xf32>
    %max3A = arith.constant 0.000000e+00 : f32
    %max3A_16 = vector.broadcast %max3A : f32 to vector<64x10000xf32>
    %max3A_17 = arith.maximumf %add3A_15, %max3A_16 : vector<64x10000xf32>
    %iota3A = tpu.iota {dimensions = array<i32: 0>} : vector<64x10000xi32>
    %convert_element_type3A = arith.sitofp %iota3A : vector<64x10000xi32> to vector<64x10000xf32>
    %get3A_18 = arith.constant 0 : index
    %get3A_19 = arith.constant 0 : index
    %get3A_20 = vector.load %arg4[%get3A_18, %get3A_19] : memref<1x10000xf32, #tpu.memory_space<vmem>>, vector<1x10000xf32>
    %eq3A = vector.broadcast %get3A_20 : vector<1x10000xf32> to vector<64x10000xf32>
    %eq3A_21 = arith.cmpf oeq, %convert_element_type3A, %eq3A : vector<64x10000xf32>
    %convert_element_type3A_22 = arith.extui %eq3A_21 : vector<64x10000xi1> to vector<64x10000xi32>
    %convert_element_type3A_23 = arith.sitofp %convert_element_type3A_22 : vector<64x10000xi32> to vector<64x10000xf32>
    %dot_general3A = arith.constant dense<0.000000e+00> : vector<64x64xf32>
    %dot_general3A_24 = tpu.matmul %max3A_17, %convert_element_type3A_23, %dot_general3A {dimension_numbers = #tpu.dot_dimension_numbers<[1], [1], [0], [0], [0, 0, 1, 0], [], []>, precision = #tpu.contract_precision<fp32>, transpose_lhs_hint = false} : vector<64x10000xf32>, vector<64x10000xf32>, vector<64x64xf32> -> vector<64x64xf32>
    %reduce_sum3A_25 = arith.constant dense<0.000000e+00> : vector<64xf32>
    %reduce_sum3A_26 = vector.multi_reduction <add>, %convert_element_type3A_23, %reduce_sum3A_25 [1] : vector<64x10000xf32> to vector<64xf32>
    %broadcast_in_dim3A = vector.shape_cast %reduce_sum3A_26 : vector<64xf32> to vector<64x1xf32>
    %get3A_27 = arith.constant 0 : index
    %get3A_28 = arith.constant 0 : index
    %get3A_29 = vector.load %arg5[%get3A_27, %get3A_28] : memref<64x2xf32, #tpu.memory_space<vmem>>, vector<64x2xf32>
    %dot_general3A_30 = arith.constant dense<0.000000e+00> : vector<64x2xf32>
    %dot_general3A_31 = tpu.matmul %dot_general3A_24, %get3A_29, %dot_general3A_30 {dimension_numbers = #tpu.dot_dimension_numbers<[0], [0], [1], [1], [0, 1, 1, 1], [], []>, precision = #tpu.contract_precision<fp32>, transpose_lhs_hint = false} : vector<64x64xf32>, vector<64x2xf32>, vector<64x2xf32> -> vector<64x2xf32>
    %max3A_32 = arith.constant 1.000000e+00 : f32
    %max3A_33 = vector.broadcast %max3A_32 : f32 to vector<64x1xf32>
    %max3A_34 = arith.maximumf %broadcast_in_dim3A, %max3A_33 : vector<64x1xf32>
    %div3A = vector.broadcast %max3A_34 : vector<64x1xf32> to vector<64x2xf32>
    %div3A_35 = arith.divf %dot_general3A_31, %div3A : vector<64x2xf32>
    %get3A_36 = arith.constant 0 : index
    %get3A_37 = arith.constant 0 : index
    %get3A_38 = vector.load %arg6[%get3A_36, %get3A_37] : memref<1x2xf32, #tpu.memory_space<vmem>>, vector<1x2xf32>
    %add3A_39 = vector.broadcast %get3A_38 : vector<1x2xf32> to vector<64x2xf32>
    %add3A_40 = arith.addf %div3A_35, %add3A_39 : vector<64x2xf32>
    %swap3A = arith.constant 0 : index
    %swap3A_41 = arith.constant 0 : index
    %swap3A_42 = vector.load %arg7[%swap3A, %swap3A_41] : memref<64x2xf32, #tpu.memory_space<vmem>>, vector<64x2xf32>
    tpu.vector_store %arg7[%swap3A, %swap3A_41], %add3A_40 {strides = array<i32>} : memref<64x2xf32, #tpu.memory_space<vmem>>, vector<64x2xf32>,
    return
  }
}

</mosaic_0001>

<sc_bundles>
// kernel: kernel.10.cloned.1.call-start
scs
__scs_entry_jumppad:
0x0: {  	(pc) =	sbr.rel $0x88, $3  }
0x1: {  	(tag) =	ssettag $0x0;
	lr =	simm.s32 $0x1  }
0x2: {  	[smem:$0x3F96] =	sst lr;
	_ =	strace $0xD0000000  }
0x3: {  	_ = 	snop  }
0x4: {  	_ = 	snop  }
0x5: {  	_ = 	snop  }
0x6: {  	_ = 	snop  }
0x7: {  	_ = 	snop  }
__scs_overlays_trampoline_lowered:
0x8: {  	[smem:$0x3FA5] =	sst s0  }
0x9: {  	[smem:$0x3FA6] =	sst s1  }
0xa: {  	[smem:$0x3FA7] =	sst s2  }
0xb: {  	[smem:$0x3FA8] =	sst s3  }
0xc: {  	[smem:$0x3FA9] =	sst s4  }
0xd: {  	[smem:$0x3FAA] =	sst s5  }
0xe: {  	[smem:$0x3FAB] =	sst s6  }
0xf: {  	[smem:$0x3FAC] =	sst s7  }
0x10: {  	[smem:$0x3FAD] =	sst s8  }
0x11: {  	[smem:$0x3FAE] =	sst s9;
	s0 =	simm.s32 @!p0 $0x0  }
0x12: {  	s1 =	sld [smem:$0x3F94];
	s0 =	simm.s32 @p0 $0x1  }
0x13: {  	[smem:$0x3FAF] =	sst s0;
	s0 =	simm.s32 @!p1 $0x0  }
0x14: {  	s2 =	sld [smem:$0x3F93];
	s0 =	simm.s32 @p1 $0x1  }
0x15: {  	[smem:$0x3FB0] =	sst s0;
	s0 =	simm.s32 @!p2 $0x0  }
0x16: {  	s3 =	sld [smem:$0x3FDB];
	s0 =	simm.s32 @p2 $0x1  }
0x17: {  	s4 =	simm.s32 $0x1BF5;
	[smem:$0x3FB2] =	sst s0  }
0x18: {  	s0 =	sld [smem:$0x3F95];
	_ =	swait.ge [sflag:s4], $0x0  }
0x19: {  	s7 =	sld [smem:$0x3F96]  }
0x1a: {  	s8 =	sadd.s32 $0xFFFFE003, lr  }
0x1b: {  	s9 =	sadd.s32 $0xFFFFFEF7, lr;
	s5 =	simm.s32 $0xFFFFFFFF;
	p2 =	slt.u32 s8, $0xFFFFF086  }
0x1c: {  	p1 =	slt.u32 s9, $0xF7A;
	s5 =	simm.s32 @!p2 $0x0  }
0x1d: {  	s5 =	simm.s32 @p1 $0x1;
	p0 =	seq.s32 s7, s2  }
0x1e: {  	s7 =	smul.u32 @!p0 $0xF7A, s2;
	p2 =	seq.s32 @!p0 s5, $0x0  }
0x1f: {  	s9 =	smul.u32 $0xF7A, s1;
	s8 =	simm.s32 @!p0 $0x1BF5;
	p2 =	por !p2, p0  }
0x20: {  	[sflag:s8] =	ssyncset.s32 @!p0 $0xFFFFF086;
	s6 =	sadd.s32 @!p0 s3, s7;
	s7 =	simm.s32 @!p0 $0x108  }
0x21: {  	s3 =	sadd.s32 s3, s9;
	s6 =	sadd.s32 @!p0 $0x88, s6;
	s7 =	simm.s32 @p2 $0x1082  }
0x22: {  	[simem:s7], [sflag:s8] =	dma.local @!p0 [hbm:s6], $0xF7A  }
0x23: {  	s9 =	sor.u32 $0xD0000000, s2;
	s6 =	simm.s32 $0x108;
	_ =	swait.ge @!p0 [sflag:s8], $0x0  }
0x24: {  	s3 =	sadd.s32 $0x88, s3;
	s6 =	simm.s32 @!p1 $0x1082;
	[sflag:s4] =	ssyncset.s32 $0xFFFFF086  }
0x25: {  	[simem:s6], [sflag:s4] =	dma.local [hbm:s3], $0xF7A  }
0x26: {  	[smem:$0x3F96] =	sst s1;
	(tag) =	ssettag s2;
	_ =	strace s9  }
0x27: {  	s1 =	sld [smem:$0x3FA6]  }
0x28: {  	s2 =	sld [smem:$0x3FA7]  }
0x29: {  	s4 =	sld [smem:$0x3FA9]  }
0x2a: {  	p0 =	seq.s32 s5, $0x0;
	s5 =	sld [smem:$0x3FAA]  }
0x2b: {  	s6 =	sld [smem:$0x3FAB]  }
0x2c: {  	s7 =	sld [smem:$0x3FAC]  }
0x2d: {  	s3 =	simm.s32 $0x108;
	s8 =	sld [smem:$0x3FAD]  }
0x2e: {  	s3 =	simm.s32 @!p0 $0x1082;
	s9 =	sld [smem:$0x3FAE]  }
0x2f: {  	lr =	sadd.s32 s0, s3;
	s0 =	sld [smem:$0x3FA5]  }
0x30: {  	s3 =	sld [smem:$0x3FA8]  }
0x31: {  	[smem:$0x3FB1] =	sst s10  }
0x32: {  	s10 =	sld [smem:$0x3FAF];
	_ =	sdelay $0x3  }
0x33: {  	p0 =	seq.s32 s10, $0x1;
	s10 =	sld [smem:$0x3FB1];
	_ =	sdelay $0x3  }
0x34: {  	[smem:$0x3FB1] =	sst s10  }
0x35: {  	s10 =	sld [smem:$0x3FB0];
	_ =	sdelay $0x3  }
0x36: {  	p1 =	seq.s32 s10, $0x1;
	s10 =	sld [smem:$0x3FB1];
	_ =	sdelay $0x3  }
0x37: {  	[smem:$0x3FB1] =	sst s10  }
0x38: {  	s10 =	sld [smem:$0x3FB2]  }
0x39: {  	_ = 	snop;
	(pc) =	sbr.ind lr, $3  }
0x3a: {  	_ = 	snop  }
0x3b: {  	_ = 	snop  }
0x3c: {  	p2 =	seq.s32 s10, $0x1;
	s10 =	sld [smem:$0x3FB1]  }
0x3d: {  	_ =	shalt  }
0x3e: {  	_ =	shalt  }
0x3f: {  	_ =	shalt  }
0x40: {  	_ =	shalt  }
0x41: {  	_ =	shalt  }
0x42: {  	_ =	shalt  }
0x43: {  	_ =	shalt  }
0x44: {  	_ =	shalt  }
0x45: {  	_ =	shalt  }
0x46: {  	_ =	shalt  }
0x47: {  	_ =	shalt  }
0x48: {  	_ =	shalt  }
0x49: {  	_ =	shalt  }
0x4a: {  	_ =	shalt  }
0x4b: {  	_ =	shalt  }
0x4c: {  	_ =	shalt  }
0x4d: {  	_ =	shalt  }
0x4e: {  	_ =	shalt  }
0x4f: {  	_ =	shalt  }
0x50: {  	_ =	shalt  }
0x51: {  	_ =	shalt  }
0x52: {  	_ =	shalt  }
0x53: {  	_ =	shalt  }
0x54: {  	_ =	shalt  }
0x55: {  	_ =	shalt  }
0x56: {  	_ =	shalt  }
0x57: {  	_ =	shalt  }
0x58: {  	_ =	shalt  }
0x59: {  	_ =	shalt  }
0x5a: {  	_ =	shalt  }
0x5b: {  	_ =	shalt  }
0x5c: {  	_ =	shalt  }
0x5d: {  	_ =	shalt  }
0x5e: {  	_ =	shalt  }
0x5f: {  	_ =	shalt  }
0x60: {  	_ =	shalt  }
0x61: {  	_ =	shalt  }
0x62: {  	_ =	shalt  }
0x63: {  	_ =	shalt  }
0x64: {  	_ =	shalt  }
0x65: {  	_ =	shalt  }
0x66: {  	_ =	shalt  }
0x67: {  	_ =	shalt  }
0x68: {  	_ =	shalt  }
0x69: {  	_ =	shalt  }
0x6a: {  	_ =	shalt  }
0x6b: {  	_ =	shalt  }
0x6c: {  	_ =	shalt  }
0x6d: {  	_ =	shalt  }
0x6e: {  	_ =	shalt  }
0x6f: {  	_ =	shalt  }
0x70: {  	_ =	shalt  }
0x71: {  	_ =	shalt  }
0x72: {  	_ =	shalt  }
0x73: {  	_ =	shalt  }
0x74: {  	_ =	shalt  }
0x75: {  	_ =	shalt  }
0x76: {  	_ =	shalt  }
0x77: {  	_ =	shalt  }
0x78: {  	_ =	shalt  }
0x79: {  	_ =	shalt  }
0x7a: {  	_ =	shalt  }
0x7b: {  	_ =	shalt  }
0x7c: {  	_ =	shalt  }
0x7d: {  	_ =	shalt  }
0x7e: {  	_ =	shalt  }
0x7f: {  	_ =	shalt  }
0x80: {  	_ =	shalt  }
0x81: {  	_ =	shalt  }
0x82: {  	_ =	shalt  }
0x83: {  	_ =	shalt  }
0x84: {  	_ =	shalt  }
0x85: {  	_ =	shalt  }
0x86: {  	_ =	shalt  }
0x87: {  	_ =	shalt  }
.Lfunc_end0:
.L_simem_size_0:
called_computation_lowered:
.L_overlay_start_0:
0x88: {  	s2 =	sld [smem:$0x3FD9]  }
0x89: {  	s3 =	sld [smem:$0x3FFE];
	_ =	sdelay $0x1  }
0x8a: {  	s1 =	srdreg.scid  }
0x8b: {  	s0 =	sand.u32 $0x1, s1  }
0x8c: {  	s16 =	sshll.u32 s0, $0xA;
	s2 =	sadd.s32 s3, s2  }
0x8d: {  	s2 =	sadd.s32 s2, s16  }
0x8e: {  	[smem:$0x3FBD] =	sst s2  }
0x8f: {  	_ = 	snop  }
0x90: {  	(tm) =	ssettm $0x1  }
0x91: {  	s17 =	sld [smem:$0x3FFB];
	_ =	sdelay $0x3  }
0x92: {  	_ =	strace s17  }
0x93: {  	s2 =	sld [smem:$0x3FFC];
	_ =	sdelay $0x3  }
0x94: {  	_ =	strace s2  }
0x95: {  	s2 =	sld [smem:$0x3FFD];
	_ =	sdelay $0x3  }
0x96: {  	_ =	strace s2  }
0x97: {  	_ =	strace $0x8FFFFFFF  }
0x98: {  	s18 =	sld [smem:$0x3FDB];
	_ =	sdelay $0x1  }
0x99: {  	s19 =	simm.s32 $_scs_section_size  }
0x9a: {  	s4 =	simm.s32 $_size__tile_overlayer_lowered;
	s5 =	simm.s32 $_tile_overlayer_lowered  }
0x9b: {  	s22 =	simm.s32 $0x1BFF;
	s21 =	sshll.u32 s5, $0x1;
	s2 =	sadd.s32 s19, s18  }
0x9c: {  	s6 =	simm.s32 $0x0;
	s20 =	sshll.u32 s4, $0x1;
	s4 =	sadd.s32 s21, s2  }
0x9d: {  	[timem:s6], [sflag:s22] =	dma.local [hbm:s4], s20  }
0x9e: {  	_ =	swait.ge [sflag:s22], s20  }
0x9f: {  	s3 =	ssub.s32 $0x0, s20;
	[sflag:s22] =	ssyncset.done $0x0  }
0xa0: {  	[sflag:s22] =	ssyncadd.s32 s3;
	_ =	sdelay $0x1  }
0xa1: {  	s23 =	simm.s32 $0x1B8B  }
0xa2: {  	_ =	swait.ge [sflag:s23], $0x1  }
0xa3: {  	[sflag:s23] =	ssyncset.done $0x0  }
0xa4: {  	s25 =	simm.s32 $0x1B8E;
	s24 =	sld [smem:$0x3FFE];
	[sflag:s23] =	ssyncadd.s32 $0xFFFFFFFF  }
0xa5: {  	s26 =	simm.s32 $execute0_lowered;
	[smem:$0x3FD2] =	sst s25  }
0xa6: {  	s4 =	sshll.u32 s26, $0x1;
	_ =	strace $0x80000046;
	[dreg:$0x1] =	wrdreg $0xFFFFFFFF  }
0xa7: {  	s28 =	simm.s32 $_size_execute0_lowered;
	s2 =	sadd.s32 s2, s4;
	[dreg:$0x0] =	wrdreg $0x0  }
0xa8: {  	s4 =	sshll.u32 s28, $0x1;
	[dreg:$0x2] =	wrdreg s2  }
0xa9: {  	[dreg:$0x3] =	wrdreg s4  }
0xaa: {  	[dreg:$0x4] =	wrdreg $0xC0  }
0xab: {  	_ =	task [dreg:s6], $0x5FFFF  }
0xac: {  	[dreg:$0x1] =	wrdreg $0xFFFFFFFF  }
0xad: {  	[dreg:$0x0] =	wrdreg $0x60  }
0xae: {  	[dreg:$0x2] =	wrdreg s24  }
0xaf: {  	[dreg:$0x3] =	wrdreg $0x9  }
0xb0: {  	_ =	task.clear_ibuf [dreg:s6], $0x4FFFF;
	_ =	strace $0x90000046  }
0xb1: {  	s29 =	simm.s32 $0x9;
	_ =	strace $0x80000048  }
0xb2: {  	_ =	swait.ge [sflag:s29], $0x1  }
0xb3: {  	[sflag:s29] =	ssyncadd.s32 $0xFFFFFFFF  }
0xb4: {  	_ =	strace $0x90000048  }
0xb5: {  	_ =	sfence  }
0xb6: {  	s30 =	sld [smem:$0x0];
	_ =	sdelay $0x2  }
0xb7: {  	s31 =	sshll.u32 s1, $0xD;
	s1 =	sshrl.u32 s1, $0x2  }
0xb8: {  	s3 =	sand.u32 $0x4000, s31;
	s1 =	sadd.s32 s1, s30  }
0xb9: {  	s0 =	sor.u32 s3, s0;
	s1 =	sshll.u32 s1, $0x11  }
0xba: {  	s0 =	sor.u32 s1, s0  }
0xbb: {  	s0 =	sadd.s32 $0x8F2B, s0  }
0xbc: {  	[sflag:s0] =	ssyncadd.remote.s32 $0x1  }
0xbd: {  	_ =	sfence.sel $0xFFFF  }
0xbe: {  	[dreg:$0x0] =	wrdreg $0xFFFFFFFF;
	(pc) =	sbr.abs _section_cstart, $3  }
0xbf: {  	[dreg:$0x1] =	wrdreg $0xFFFFFFFF  }
0xc0: {  	_ =	task.clear_ibuf [dreg:s6], $0x2FFFF;
	_ =	strace $0x9FFFFFFF  }
0xc1: {  	(tm) =	ssettm $0x7FFFFFFF  }
tec
execute0_lowered:
.L_overlay_start_1:
0x0: {  	(tag) =	ssettag $0x1  }
0x1: {  	s1 =	srdreg.scid;
	s0 =	stileid.u32  }
0x2: {  	s3 =	rddreg [dreg:$0x0];
	s9 =	simm.s32 $0x1;
	s10 =	simm.s32 $0x7680  }
0x3: {  	s11 =	simm.s32 $0x80;
	s12 =	simm.s32 $0x400;
	s13 =	simm.s32 $0x2  }
0x4: {  	s14 =	simm.s32 $0x4F00;
	s15 =	simm.s32 $0x0;
	s4 =	sand.u32 $0x1, s1  }
0x5: {  	s2 =	sshll.u32 s0, $0x1;
	s1 =	rddreg [dreg:$0x1];
	s6 =	sshrl.u32 s0, $0x2  }
0x6: {  	s5 =	sor.u32 s4, s2;
	s2 =	simm.s32 $0x0;
	s6 =	smul.u32 $0x13C00, s6  }
0x7: {  	s4 =	ssub.s32 $0x2, s4;
	s7 =	sshll.u32 s5, $0x7;
	[smem:$0x7FF] =	sst s2  }
0x8: {  	s5 =	smul.u32 $0x4E2, s5;
	s31 =	sshrl.u32 s4, $0x1;
	s7 =	sand.u32 $0x380, s7  }
0x9: {  	_ =	strace $0x80000047;
	s8 =	ssub.s32 s4, s31;
	s6 =	sor.u32 s6, s7  }
0xa: {  	s30 =	sadd.s32 s5, s3;
	s7 =	smax.u32 s8, $0x1;
	s6 =	sshrl.u32 s6, $0x3  }
0xb: {  	s8 =	simm.s32 $0x2780;
	s4 =	sadd.s32 $0x3C00, s30;
	s6 =	sadd.s32 s6, s3  }
0xc: {  	v0 =	vimm.f32 $0.0e+00;
	v1 =	vimm.f32 $1.000000000e+00;
	s3 =	sadd.s32 $0xDA00, s30;
	s5 =	sadd.s32 $0x17800, s6;
	s6 =	sadd.s32 $0x21600, s30  }
.LBB2_1:
0xd: {  	[tilespmem:s2], [sflag:$0x1] =	stream.linear.gather [hbm4b:s3+s2], $0x2710, $0x38;
	[tilespmem:$0x9E00] =	vst v63  }
0xe: {  	s16 =	simm.s32 $0x76A0  }
0xf: {  	[tilespmem:s8], [sflag:$0x1] =	stream.linear.gather [hbm4b:s4+s2], $0x2710, $0x38;
	[tilespmem:$0x9E00] =	vst v63  }
0x10: {  	[tilespmem:s16+$0xFFFFFFE0] =	vst v0  }
0x11: {  	[tilespmem:s16+$0x20] =	vst v0  }
0x12: {  	[tilespmem:s16+$0x10] =	vst v0  }
0x13: {  	s17 =	simm.s32 $0x0;
	[tilespmem:s16+$0x0] =	vst v0  }
.LBB2_2:
0x14: {  	s17 =	sadd.s32 $0x50, s17  }
0x15: {  	[tilespmem:s16+$0xFFFFFFF0] =	vst v0;
	s16 =	sadd.s32 $0x50, s16;
	p0 =	slt.u32 s17, $0x26C0  }
.Ltmp0:
0x16: {  	[tilespmem:s16+$0xFFFFFFE0] =	vst v0;
	(pc) =	sbr.rel @p0 .LBB2_2-.Ltmp0, $4  }
0x17: {  	_ = 	snop  }
0x18: {  	[tilespmem:s16+$0x20] =	vst v0  }
0x19: {  	[tilespmem:s16+$0x10] =	vst v0  }
0x1a: {  	[tilespmem:s16+$0x0] =	vst v0  }
0x1b: {  	[tilespmem:s16+$0xFFFFFFF0] =	vst v0  }
0x1c: {  	_ =	swait.ge [sflag:s9], $0x2710  }
0x1d: {  	[sflag:s9] =	ssyncset.done $0x0  }
0x1e: {  	[sflag:s9] =	ssyncadd.s32 $0xFFFFD8F0  }
0x1f: {  	_ =	swait.ge [sflag:s9], $0x2710  }
0x20: {  	[sflag:s9] =	ssyncset.done $0x0  }
0x21: {  	s17 =	simm.s32 $0x27A0;
	[sflag:s9] =	ssyncadd.s32 $0xFFFFD8F0  }
0x22: {  	s16 =	simm.s32 $0x20;
	v2 =	vld [tilespmem:s17+$0xFFFFFFE0]  }
0x23: {  	v3 =	vld [tilespmem:s16+$0x10]  }
0x24: {  	v8 =	vld [tilespmem:s16+$0xFFFFFFE0]  }
0x25: {  	v5 =	vld [tilespmem:s17+$0x0]  }
0x26: {  	v10 =	vld [tilespmem:s16+$0x0]  }
0x27: {  	v7 =	vld [tilespmem:s17+$0x10]  }
0x28: {  	v4 =	vld [tilespmem:s17+$0xFFFFFFF0]  }
0x29: {  	v6 =	vld [tilespmem:s17+$0x20];
	v9 =	vshll.u32 v2, $0x10  }
0x2a: {  	s18 =	simm.s32 $0x4F20;
	v11 =	vshll.u32 v5, $0x10;
	v9 =	vor.u32 v8, v9;
	v8 =	vld [tilespmem:s16+$0x20]  }
0x2b: {  	s19 =	simm.s32 $0x0;
	s20 =	simm.s32 $0x27F0;
	s17 =	simm.s32 $0x4F20;
	v10 =	vor.u32 v10, v11;
	[tilespmem:s18+$0xFFFFFFE0] =	vst v9;
	v9 =	vld [tilespmem:s16+$0xFFFFFFF0]  }
.LBB2_4:
0x2c: {  	v11 =	vld [tilespmem:s20+$0xFFFFFFE0];
	s19 =	sadd.s32 $0x50, s19;
	v12 =	vshll.u32 v7, $0x10;
	s16 =	sadd.s32 $0x50, s16;
	s18 =	sadd.s32 $0x50, s18  }
0x2d: {  	p0 =	slt.u32 s19, $0x26C0;
	[tilespmem:s17+$0x0] =	vst v10;
	v10 =	vor.u32 v3, v12;
	v3 =	vld [tilespmem:s16+$0x10]  }
0x2e: {  	v12 =	vld [tilespmem:s16+$0xFFFFFFE0];
	[tilespmem:s17+$0x10] =	vst v10;
	v10 =	vshll.u32 v6, $0x10  }
0x2f: {  	v13 =	vshll.u32 v4, $0x10;
	[tilespmem:v5+s10+$0x0] =	vst.idx.add.f32.msk $0xffff, v1;
	v8 =	vor.u32 v8, v10  }
0x30: {  	v9 =	vor.u32 v9, v13;
	[tilespmem:v7+s10+$0x0] =	vst.idx.add.f32.msk $0xffff, v1  }
0x31: {  	v5 =	vld [tilespmem:s20+$0x0];
	[tilespmem:s17+$0x20] =	vst v8  }
0x32: {  	[tilespmem:v6+s10+$0x0] =	vst.idx.add.f32.msk $0xffff, v1  }
0x33: {  	v8 =	vld [tilespmem:s20+$0xFFFFFFF0];
	[tilespmem:s17+$0xFFFFFFF0] =	vst v9;
	s17 =	smov.u32 s18  }
0x34: {  	[tilespmem:v4+s10+$0x0] =	vst.idx.add.f32.msk $0xffff, v1  }
0x35: {  	v10 =	vld [tilespmem:s16+$0x0]  }
.Ltmp1:
0x36: {  	v13 =	vshll.u32 v5, $0x10;
	v7 =	vld [tilespmem:s20+$0x10];
	(pc) =	sbr.rel @p0 .LBB2_4-.Ltmp1, $4  }
0x37: {  	[tilespmem:v2+s10+$0x0] =	vst.idx.add.f32.msk $0xffff, v1;
	v2 =	vmov v11  }
0x38: {  	v9 =	vshll.u32 v2, $0x10;
	v6 =	vld [tilespmem:s20+$0x20];
	v4 =	vmov v8  }
0x39: {  	v9 =	vor.u32 v12, v9;
	v8 =	vld [tilespmem:s16+$0x20]  }
0x3a: {  	s20 =	sadd.s32 $0x50, s20;
	[tilespmem:s18+$0xFFFFFFE0] =	vst v9;
	v9 =	vld [tilespmem:s16+$0xFFFFFFF0];
	v10 =	vor.u32 v10, v13  }
0x3b: {  	_ =	sdelay $0x2  }
0x3c: {  	[tilespmem:s17+$0x0] =	vst v10  }
0x3d: {  	v11 =	vshll.u32 v7, $0x10;
	[tilespmem:v2+s10+$0x0] =	vst.idx.add.f32.msk $0xffff, v1  }
0x3e: {  	v3 =	vor.u32 v3, v11;
	[tilespmem:v5+s10+$0x0] =	vst.idx.add.f32.msk $0xffff, v1  }
0x3f: {  	[tilespmem:s17+$0x10] =	vst v3;
	v3 =	vshll.u32 v6, $0x10  }
0x40: {  	v3 =	vor.u32 v8, v3;
	[tilespmem:v7+s10+$0x0] =	vst.idx.add.f32.msk $0xffff, v1  }
0x41: {  	v63 =	vshll.u32 v4, $0x10;
	[tilespmem:s17+$0x20] =	vst v3  }
0x42: {  	v3 =	vor.u32 v9, v63;
	[tilespmem:v6+s10+$0x0] =	vst.idx.add.f32.msk $0xffff, v1  }
0x43: {  	[tilespmem:s17+$0xFFFFFFF0] =	vst v3  }
0x44: {  	[tilespmem:v4+s10+$0x0] =	vst.idx.add.f32.msk $0xffff, v1  }
0x45: {  	[hbm4b:s5+s11] =	stream.strided.scatter [tilespmem:s10], [sflag:$0x2], $0x2780, s12, s11, $0x38;
	[tilespmem:$0x9E00] =	vst v63  }
0x46: {  	s15 =	sadd.s32 $0x1, s15;
	_ =	swait.ge [sflag:s13], $0x2780  }
0x47: {  	p0 =	sne.s32 s15, s7;
	[sflag:s13] =	ssyncset.done $0x0  }
.Ltmp2:
0x48: {  	[sflag:s13] =	ssyncadd.s32 $0xFFFFD880;
	(pc) =	sbr.rel @p0 .LBB2_1-.Ltmp2, $4  }
0x49: {  	[hbm4b:s6+s2] =	stream.linear.scatter [tilespmem:s14], [sflag:$0x2], $0x2710, $0x38;
	[tilespmem:$0x9E00] =	vst v63  }
0x4a: {  	_ =	swait.ge [sflag:s13], $0x2710  }
0x4b: {  	[sflag:s13] =	ssyncset.done $0x0  }
0x4c: {  	[sflag:s13] =	ssyncadd.s32 $0xFFFFD8F0  }
0x4d: {  	_ =	sfence.sel $0x180000  }
0x4e: {  	[bflag:$0x0] =	sbarrier.arrive $0xFFFF  }
0x4f: {  	p0 =	sne.s32 s0, $0x0;
	_ =	strace $0x90000047  }
0x50: {  	s0 =	sadd.s32 @!p0 $0x100000, s1;
	[bflag:$0x2] =	sbarrier.arrive $0xFFFF  }
0x51: {  	[sflag:s0] =	ssyncadd.tile.s32 @!p0 $0x1;
	_ =	shalt  }
.Lfunc_end2:
_tile_overlayer_lowered:
.L_overlay_start_2:
0x52: {  	(tag) =	ssettag $0x2  }
0x53: {  	s0 =	rddreg [dreg:$0x0];
	s2 =	stileid.u32  }
0x54: {  	s1 =	rddreg [dreg:$0x1];
	p0 =	sne.s32 s2, $0x0  }
0x55: {  	s3 =	rddreg [dreg:$0x2];
	[bflag:$0x3] =	sbarrier.arrive $0xFFFF;
	s2 =	simm.s32 @!p0 $0x1C02  }
0x56: {  	[timem:s3], [sflag:s2] =	dma.local @!p0 [hbm:s0], s1  }
0x57: {  	s0 =	simm.s32 @!p0 $0x2  }
0x58: {  	_ =	swait.ge @!p0 [sflag:s0], s1  }
0x59: {  	s1 =	ssub.s32 @!p0 $0x0, s1;
	[sflag:s0] =	ssyncset.done @!p0 $0x0  }
0x5a: {  	[sflag:s0] =	ssyncadd.s32 @!p0 s1  }
0x5b: {  	[bflag:$0x3] =	sbarrier.arrive $0xFFFF  }
0x5c: {  	_ =	shalt  }

// kernel: kernel.13.cloned.1.call-start
scs
__scs_entry_jumppad:
0x0: {  	(pc) =	sbr.rel $0x88, $3  }
0x1: {  	(tag) =	ssettag $0x0;
	lr =	simm.s32 $0x1  }
0x2: {  	[smem:$0x3F96] =	sst lr;
	_ =	strace $0xD0000000  }
0x3: {  	_ = 	snop  }
0x4: {  	_ = 	snop  }
0x5: {  	_ = 	snop  }
0x6: {  	_ = 	snop  }
0x7: {  	_ = 	snop  }
__scs_overlays_trampoline_lowered:
0x8: {  	[smem:$0x3FA5] =	sst s0  }
0x9: {  	[smem:$0x3FA6] =	sst s1  }
0xa: {  	[smem:$0x3FA7] =	sst s2  }
0xb: {  	[smem:$0x3FA8] =	sst s3  }
0xc: {  	[smem:$0x3FA9] =	sst s4  }
0xd: {  	[smem:$0x3FAA] =	sst s5  }
0xe: {  	[smem:$0x3FAB] =	sst s6  }
0xf: {  	[smem:$0x3FAC] =	sst s7  }
0x10: {  	[smem:$0x3FAD] =	sst s8  }
0x11: {  	[smem:$0x3FAE] =	sst s9;
	s0 =	simm.s32 @!p0 $0x0  }
0x12: {  	s1 =	sld [smem:$0x3F94];
	s0 =	simm.s32 @p0 $0x1  }
0x13: {  	[smem:$0x3FAF] =	sst s0;
	s0 =	simm.s32 @!p1 $0x0  }
0x14: {  	s2 =	sld [smem:$0x3F93];
	s0 =	simm.s32 @p1 $0x1  }
0x15: {  	[smem:$0x3FB0] =	sst s0;
	s0 =	simm.s32 @!p2 $0x0  }
0x16: {  	s3 =	sld [smem:$0x3FDB];
	s0 =	simm.s32 @p2 $0x1  }
0x17: {  	s4 =	simm.s32 $0x1BF5;
	[smem:$0x3FB2] =	sst s0  }
0x18: {  	s0 =	sld [smem:$0x3F95];
	_ =	swait.ge [sflag:s4], $0x0  }
0x19: {  	s7 =	sld [smem:$0x3F96]  }
0x1a: {  	s8 =	sadd.s32 $0xFFFFE003, lr  }
0x1b: {  	s9 =	sadd.s32 $0xFFFFFEF7, lr;
	s5 =	simm.s32 $0xFFFFFFFF;
	p2 =	slt.u32 s8, $0xFFFFF086  }
0x1c: {  	p1 =	slt.u32 s9, $0xF7A;
	s5 =	simm.s32 @!p2 $0x0  }
0x1d: {  	s5 =	simm.s32 @p1 $0x1;
	p0 =	seq.s32 s7, s2  }
0x1e: {  	s7 =	smul.u32 @!p0 $0xF7A, s2;
	p2 =	seq.s32 @!p0 s5, $0x0  }
0x1f: {  	s9 =	smul.u32 $0xF7A, s1;
	s8 =	simm.s32 @!p0 $0x1BF5;
	p2 =	por !p2, p0  }
0x20: {  	[sflag:s8] =	ssyncset.s32 @!p0 $0xFFFFF086;
	s6 =	sadd.s32 @!p0 s3, s7;
	s7 =	simm.s32 @!p0 $0x108  }
0x21: {  	s3 =	sadd.s32 s3, s9;
	s6 =	sadd.s32 @!p0 $0x88, s6;
	s7 =	simm.s32 @p2 $0x1082  }
0x22: {  	[simem:s7], [sflag:s8] =	dma.local @!p0 [hbm:s6], $0xF7A  }
0x23: {  	s9 =	sor.u32 $0xD0000000, s2;
	s6 =	simm.s32 $0x108;
	_ =	swait.ge @!p0 [sflag:s8], $0x0  }
0x24: {  	s3 =	sadd.s32 $0x88, s3;
	s6 =	simm.s32 @!p1 $0x1082;
	[sflag:s4] =	ssyncset.s32 $0xFFFFF086  }
0x25: {  	[simem:s6], [sflag:s4] =	dma.local [hbm:s3], $0xF7A  }
0x26: {  	[smem:$0x3F96] =	sst s1;
	(tag) =	ssettag s2;
	_ =	strace s9  }
0x27: {  	s1 =	sld [smem:$0x3FA6]  }
0x28: {  	s2 =	sld [smem:$0x3FA7]  }
0x29: {  	s4 =	sld [smem:$0x3FA9]  }
0x2a: {  	p0 =	seq.s32 s5, $0x0;
	s5 =	sld [smem:$0x3FAA]  }
0x2b: {  	s6 =	sld [smem:$0x3FAB]  }
0x2c: {  	s7 =	sld [smem:$0x3FAC]  }
0x2d: {  	s3 =	simm.s32 $0x108;
	s8 =	sld [smem:$0x3FAD]  }
0x2e: {  	s3 =	simm.s32 @!p0 $0x1082;
	s9 =	sld [smem:$0x3FAE]  }
0x2f: {  	lr =	sadd.s32 s0, s3;
	s0 =	sld [smem:$0x3FA5]  }
0x30: {  	s3 =	sld [smem:$0x3FA8]  }
0x31: {  	[smem:$0x3FB1] =	sst s10  }
0x32: {  	s10 =	sld [smem:$0x3FAF];
	_ =	sdelay $0x3  }
0x33: {  	p0 =	seq.s32 s10, $0x1;
	s10 =	sld [smem:$0x3FB1];
	_ =	sdelay $0x3  }
0x34: {  	[smem:$0x3FB1] =	sst s10  }
0x35: {  	s10 =	sld [smem:$0x3FB0];
	_ =	sdelay $0x3  }
0x36: {  	p1 =	seq.s32 s10, $0x1;
	s10 =	sld [smem:$0x3FB1];
	_ =	sdelay $0x3  }
0x37: {  	[smem:$0x3FB1] =	sst s10  }
0x38: {  	s10 =	sld [smem:$0x3FB2]  }
0x39: {  	_ = 	snop;
	(pc) =	sbr.ind lr, $3  }
0x3a: {  	_ = 	snop  }
0x3b: {  	_ = 	snop  }
0x3c: {  	p2 =	seq.s32 s10, $0x1;
	s10 =	sld [smem:$0x3FB1]  }
0x3d: {  	_ =	shalt  }
0x3e: {  	_ =	shalt  }
0x3f: {  	_ =	shalt  }
0x40: {  	_ =	shalt  }
0x41: {  	_ =	shalt  }
0x42: {  	_ =	shalt  }
0x43: {  	_ =	shalt  }
0x44: {  	_ =	shalt  }
0x45: {  	_ =	shalt  }
0x46: {  	_ =	shalt  }
0x47: {  	_ =	shalt  }
0x48: {  	_ =	shalt  }
0x49: {  	_ =	shalt  }
0x4a: {  	_ =	shalt  }
0x4b: {  	_ =	shalt  }
0x4c: {  	_ =	shalt  }
0x4d: {  	_ =	shalt  }
0x4e: {  	_ =	shalt  }
0x4f: {  	_ =	shalt  }
0x50: {  	_ =	shalt  }
0x51: {  	_ =	shalt  }
0x52: {  	_ =	shalt  }
0x53: {  	_ =	shalt  }
0x54: {  	_ =	shalt  }
0x55: {  	_ =	shalt  }
0x56: {  	_ =	shalt  }
0x57: {  	_ =	shalt  }
0x58: {  	_ =	shalt  }
0x59: {  	_ =	shalt  }
0x5a: {  	_ =	shalt  }
0x5b: {  	_ =	shalt  }
0x5c: {  	_ =	shalt  }
0x5d: {  	_ =	shalt  }
0x5e: {  	_ =	shalt  }
0x5f: {  	_ =	shalt  }
0x60: {  	_ =	shalt  }
0x61: {  	_ =	shalt  }
0x62: {  	_ =	shalt  }
0x63: {  	_ =	shalt  }
0x64: {  	_ =	shalt  }
0x65: {  	_ =	shalt  }
0x66: {  	_ =	shalt  }
0x67: {  	_ =	shalt  }
0x68: {  	_ =	shalt  }
0x69: {  	_ =	shalt  }
0x6a: {  	_ =	shalt  }
0x6b: {  	_ =	shalt  }
0x6c: {  	_ =	shalt  }
0x6d: {  	_ =	shalt  }
0x6e: {  	_ =	shalt  }
0x6f: {  	_ =	shalt  }
0x70: {  	_ =	shalt  }
0x71: {  	_ =	shalt  }
0x72: {  	_ =	shalt  }
0x73: {  	_ =	shalt  }
0x74: {  	_ =	shalt  }
0x75: {  	_ =	shalt  }
0x76: {  	_ =	shalt  }
0x77: {  	_ =	shalt  }
0x78: {  	_ =	shalt  }
0x79: {  	_ =	shalt  }
0x7a: {  	_ =	shalt  }
0x7b: {  	_ =	shalt  }
0x7c: {  	_ =	shalt  }
0x7d: {  	_ =	shalt  }
0x7e: {  	_ =	shalt  }
0x7f: {  	_ =	shalt  }
0x80: {  	_ =	shalt  }
0x81: {  	_ =	shalt  }
0x82: {  	_ =	shalt  }
0x83: {  	_ =	shalt  }
0x84: {  	_ =	shalt  }
0x85: {  	_ =	shalt  }
0x86: {  	_ =	shalt  }
0x87: {  	_ =	shalt  }
.Lfunc_end0:
.L_simem_size_0:
called_computation.1_lowered:
.L_overlay_start_0:
0x88: {  	s2 =	sld [smem:$0x3FD9]  }
0x89: {  	s3 =	sld [smem:$0x3FFE];
	_ =	sdelay $0x1  }
0x8a: {  	s1 =	srdreg.scid  }
0x8b: {  	s0 =	sand.u32 $0x1, s1  }
0x8c: {  	s16 =	sshll.u32 s0, $0xA;
	s2 =	sadd.s32 s3, s2  }
0x8d: {  	s2 =	sadd.s32 s2, s16  }
0x8e: {  	[smem:$0x3FBD] =	sst s2  }
0x8f: {  	_ = 	snop  }
0x90: {  	(tm) =	ssettm $0x1  }
0x91: {  	s17 =	sld [smem:$0x3FFB];
	_ =	sdelay $0x3  }
0x92: {  	_ =	strace s17  }
0x93: {  	s2 =	sld [smem:$0x3FFC];
	_ =	sdelay $0x3  }
0x94: {  	_ =	strace s2  }
0x95: {  	s2 =	sld [smem:$0x3FFD];
	_ =	sdelay $0x3  }
0x96: {  	_ =	strace s2  }
0x97: {  	_ =	strace $0x8FFFFFFF  }
0x98: {  	s18 =	sld [smem:$0x3FDB];
	_ =	sdelay $0x1  }
0x99: {  	s19 =	simm.s32 $_scs_section_size  }
0x9a: {  	s4 =	simm.s32 $_size__tile_overlayer_lowered;
	s5 =	simm.s32 $_tile_overlayer_lowered  }
0x9b: {  	s22 =	simm.s32 $0x1BFF;
	s21 =	sshll.u32 s5, $0x1;
	s2 =	sadd.s32 s19, s18  }
0x9c: {  	s6 =	simm.s32 $0x0;
	s20 =	sshll.u32 s4, $0x1;
	s4 =	sadd.s32 s21, s2  }
0x9d: {  	[timem:s6], [sflag:s22] =	dma.local [hbm:s4], s20  }
0x9e: {  	_ =	swait.ge [sflag:s22], s20  }
0x9f: {  	s3 =	ssub.s32 $0x0, s20;
	[sflag:s22] =	ssyncset.done $0x0  }
0xa0: {  	[sflag:s22] =	ssyncadd.s32 s3;
	_ =	sdelay $0x1  }
0xa1: {  	s23 =	simm.s32 $0x1B8B  }
0xa2: {  	_ =	swait.ge [sflag:s23], $0x1  }
0xa3: {  	[sflag:s23] =	ssyncset.done $0x0  }
0xa4: {  	s25 =	simm.s32 $0x1B8E;
	s24 =	sld [smem:$0x3FFE];
	[sflag:s23] =	ssyncadd.s32 $0xFFFFFFFF  }
0xa5: {  	s26 =	simm.s32 $execute0_lowered;
	[smem:$0x3FD2] =	sst s25  }
0xa6: {  	s4 =	sshll.u32 s26, $0x1;
	_ =	strace $0x80000049;
	[dreg:$0x1] =	wrdreg $0xFFFFFFFF  }
0xa7: {  	s28 =	simm.s32 $_size_execute0_lowered;
	s2 =	sadd.s32 s2, s4;
	[dreg:$0x0] =	wrdreg $0x0  }
0xa8: {  	s4 =	sshll.u32 s28, $0x1;
	[dreg:$0x2] =	wrdreg s2  }
0xa9: {  	[dreg:$0x3] =	wrdreg s4  }
0xaa: {  	[dreg:$0x4] =	wrdreg $0xC0  }
0xab: {  	_ =	task [dreg:s6], $0x5FFFF  }
0xac: {  	[dreg:$0x1] =	wrdreg $0xFFFFFFFF  }
0xad: {  	[dreg:$0x0] =	wrdreg $0x60  }
0xae: {  	[dreg:$0x2] =	wrdreg s24  }
0xaf: {  	[dreg:$0x3] =	wrdreg $0x9  }
0xb0: {  	_ =	task.clear_ibuf [dreg:s6], $0x4FFFF;
	_ =	strace $0x90000049  }
0xb1: {  	s29 =	simm.s32 $0x9;
	_ =	strace $0x8000004B  }
0xb2: {  	_ =	swait.ge [sflag:s29], $0x1  }
0xb3: {  	[sflag:s29] =	ssyncadd.s32 $0xFFFFFFFF  }
0xb4: {  	_ =	strace $0x9000004B  }
0xb5: {  	_ =	sfence  }
0xb6: {  	s30 =	sld [smem:$0x0];
	_ =	sdelay $0x2  }
0xb7: {  	s31 =	sshll.u32 s1, $0xD;
	s1 =	sshrl.u32 s1, $0x2  }
0xb8: {  	s3 =	sand.u32 $0x4000, s31;
	s1 =	sadd.s32 s1, s30  }
0xb9: {  	s0 =	sor.u32 s3, s0;
	s1 =	sshll.u32 s1, $0x11  }
0xba: {  	s0 =	sor.u32 s1, s0  }
0xbb: {  	s0 =	sadd.s32 $0x8F2B, s0  }
0xbc: {  	[sflag:s0] =	ssyncadd.remote.s32 $0x1  }
0xbd: {  	_ =	sfence.sel $0xFFFF  }
0xbe: {  	[dreg:$0x0] =	wrdreg $0xFFFFFFFF;
	(pc) =	sbr.abs _section_cstart, $3  }
0xbf: {  	[dreg:$0x1] =	wrdreg $0xFFFFFFFF  }
0xc0: {  	_ =	task.clear_ibuf [dreg:s6], $0x2FFFF;
	_ =	strace $0x9FFFFFFF  }
0xc1: {  	(tm) =	ssettm $0x7FFFFFFF  }
tec
execute0_lowered:
.L_overlay_start_1:
0x0: {  	(tag) =	ssettag $0x1  }
0x1: {  	s0 =	srdreg.scid;
	s8 =	stileid.u32  }
0x2: {  	s4 =	rddreg [dreg:$0x0];
	s2 =	simm.s32 $0x0;
	s28 =	simm.s32 $0xC580  }
0x3: {  	s29 =	simm.s32 $0xED00;
	s30 =	simm.s32 $0x11480;
	s31 =	simm.s32 $0x2  }
0x4: {  	s0 =	sand.u32 $0x1, s0;
	[smem:$0x7FF] =	sst s2;
	s5 =	sadd.s32 $0x3C00, s4  }
0x5: {  	s3 =	sadd.s32 $0x21600, s4;
	s9 =	sadd.s32 $0x2B400, s4;
	s4 =	simm.s32 $0x1  }
0x6: {  	s1 =	sor.u32 s0, s8;
	p1 =	seq.s32 s0, $0x1;
	_ =	strace $0x8000004A  }
0x7: {  	s7 =	ssub.s32 $0x2, s0;
	s12 =	smul.u32 $0x27100, s0;
	p0 =	seq.s32 s1, $0x0  }
0x8: {  	s1 =	simm.s32 $0x1;
	s13 =	sshrl.u32 s7, $0x1;
	p0 =	por !p0, !p1  }
0x9: {  	s7 =	ssub.s32 s7, s13;
	s13 =	smul.u32 $0x9E000, s0;
	p0 =	por !p0, !p0  }
0xa: {  	s0 =	smul.u32 $0x4E20, s0;
	s19 =	sshrl.u32 s12, $0x3;
	s1 =	simm.s32 @!p0 $0x0  }
0xb: {  	s20 =	sadd.s32 s3, s19;
	s6 =	ssub.s32 s8, s1;
	s1 =	sadd.s32 s1, s8  }
0xc: {  	s19 =	simm.s32 $0x400;
	s6 =	sshrl.u32 s6, $0x1;
	s1 =	sshll.u32 s1, $0x9  }
0xd: {  	s0 =	sadd.s32 s3, s0;
	s6 =	smul.u32 $0x13C00, s6;
	s1 =	sand.u32 $0x200, s1  }
0xe: {  	[dreg:$0x6] =	wrdreg s0;
	s0 =	sadd.s32 $0x190, s20;
	s10 =	sor.u32 $0x80, s1  }
0xf: {  	s20 =	simm.s32 $0x2780;
	s14 =	sor.u32 s1, s6;
	s11 =	sor.u32 s10, s6  }
0x10: {  	[dreg:$0x7] =	wrdreg s0;
	s8 =	sshrl.u32 s14, $0x3;
	s15 =	sshrl.u32 s11, $0x3  }
0x11: {  	s14 =	sor.u32 $0x100, s1;
	s11 =	sadd.s32 $0x1900, s12;
	s8 =	sadd.s32 s5, s8  }
0x12: {  	s12 =	sadd.s32 $0x2580, s12;
	[dreg:$0x2] =	wrdreg s8;
	s8 =	sadd.s32 s5, s15  }
0x13: {  	s16 =	sor.u32 s14, s6;
	s15 =	sor.u32 $0x180, s1;
	[dreg:$0x3] =	wrdreg s8  }
0x14: {  	s8 =	sshrl.u32 s16, $0x3;
	s17 =	sor.u32 s15, s6;
	s6 =	sadd.s32 s13, s6  }
0x15: {  	s8 =	sadd.s32 s5, s8;
	s18 =	sshrl.u32 s17, $0x3;
	s1 =	sor.u32 s1, s6  }
0x16: {  	s22 =	sor.u32 s10, s6;
	s23 =	sor.u32 s14, s6;
	s24 =	sor.u32 s15, s6  }
0x17: {  	s17 =	smax.u32 s7, $0x1;
	[dreg:$0x4] =	wrdreg s8;
	s5 =	sadd.s32 s5, s18  }
0x18: {  	s21 =	sshrl.u32 s1, $0x3;
	s0 =	sshrl.u32 s22, $0x3;
	s25 =	sshrl.u32 s23, $0x3  }
.Ltmp0:
0x19: {  	s26 =	sshrl.u32 s24, $0x3;
	s18 =	simm.s32 $0x80;
	(pc) =	sbr.rel .LBB2_1-.Ltmp0, $4  }
0x1a: {  	s22 =	simm.s32 $0x7680;
	s24 =	simm.s32 $0x14880;
	s1 =	simm.s32 $0x4  }
0x1b: {  	[dreg:$0x5] =	wrdreg s5;
	s13 =	sadd.s32 s9, s21;
	s14 =	sadd.s32 s9, s0  }
0x1c: {  	s15 =	sadd.s32 s9, s25;
	s16 =	sadd.s32 s9, s26;
	s21 =	simm.s32 $0x4F00  }
0x1d: {  	v0 =	vimm.f32 $0.0e+00;
	s25 =	simm.s32 $0x3;
	s26 =	simm.s32 $0x9E00;
	s0 =	simm.s32 $0x0  }
.LBB2_10:
0x1e: {  	[hbm4b:s13+s18] =	stream.strided.scatter [tilespmem:s26], [sflag:$0x4], $0x2780, s19, s18, $0x38;
	[tilespmem:$0x15500] =	vst v63  }
0x1f: {  	_ =	swait.ge [sflag:s1], $0x2780  }
0x20: {  	[sflag:s1] =	ssyncset.done $0x0  }
0x21: {  	[sflag:s1] =	ssyncadd.s32 $0xFFFFD880  }
0x22: {  	[hbm4b:s14+s18] =	stream.strided.scatter [tilespmem:s28], [sflag:$0x4], $0x2780, s19, s18, $0x38;
	[tilespmem:$0x15500] =	vst v63  }
0x23: {  	_ =	swait.ge [sflag:s1], $0x2780  }
0x24: {  	[sflag:s1] =	ssyncset.done $0x0  }
0x25: {  	[sflag:s1] =	ssyncadd.s32 $0xFFFFD880  }
0x26: {  	[hbm4b:s15+s18] =	stream.strided.scatter [tilespmem:s29], [sflag:$0x4], $0x2780, s19, s18, $0x38;
	[tilespmem:$0x15500] =	vst v63  }
0x27: {  	s0 =	sadd.s32 $0x1, s0;
	_ =	swait.ge [sflag:s1], $0x2780  }
0x28: {  	p0 =	sne.s32 s0, s17;
	[sflag:s1] =	ssyncset.done $0x0  }
.Ltmp1:
0x29: {  	[sflag:s1] =	ssyncadd.s32 $0xFFFFD880;
	(pc) =	sbr.rel @!p0 .LBB2_11-.Ltmp1, $4  }
0x2a: {  	[hbm4b:s16+s18] =	stream.strided.scatter [tilespmem:s30], [sflag:$0x4], $0x2780, s19, s18, $0x38;
	[tilespmem:$0x15500] =	vst v63  }
0x2b: {  	_ =	swait.ge [sflag:s1], $0x2780  }
0x2c: {  	[sflag:s1] =	ssyncset.done $0x0  }
0x2d: {  	[sflag:s1] =	ssyncadd.s32 $0xFFFFD880  }
.LBB2_1:
0x2e: {  	s5 =	rddreg [dreg:$0x2]  }
0x2f: {  	[tilespmem:s2], [sflag:$0x3] =	stream.strided.gather [hbm4b:s5+s18], $0x2780, s19, s18, $0x38;
	[tilespmem:$0x15500] =	vst v63  }
0x30: {  	s7 =	rddreg [dreg:$0x3]  }
0x31: {  	[tilespmem:s20], [sflag:$0x3] =	stream.strided.gather [hbm4b:s7+s18], $0x2780, s19, s18, $0x38;
	[tilespmem:$0x15500] =	vst v63  }
0x32: {  	s8 =	rddreg [dreg:$0x4]  }
0x33: {  	[tilespmem:s21], [sflag:$0x3] =	stream.strided.gather [hbm4b:s8+s18], $0x2780, s19, s18, $0x38;
	[tilespmem:$0x15500] =	vst v63  }
0x34: {  	s9 =	rddreg [dreg:$0x5]  }
0x35: {  	[tilespmem:s22], [sflag:$0x3] =	stream.strided.gather [hbm4b:s9+s18], $0x2780, s19, s18, $0x38;
	[tilespmem:$0x15500] =	vst v63  }
0x36: {  	s10 =	rddreg [dreg:$0x6];
	s6 =	simm.s32 $0x13C00  }
0x37: {  	[tilespmem:s6], [sflag:$0x1] =	stream.linear.gather [hbm4b:s10+s2], $0xC80, $0x38;
	[tilespmem:$0x15500] =	vst v63  }
0x38: {  	s23 =	rddreg [dreg:$0x7];
	s5 =	simm.s32 $0x9E20  }
0x39: {  	[tilespmem:s24], [sflag:$0x2] =	stream.linear.gather [hbm4b:s23+s2], $0xC80, $0x38;
	[tilespmem:$0x15500] =	vst v63  }
0x3a: {  	[tilespmem:s5+$0x10] =	vst v0  }
0x3b: {  	[tilespmem:s5+$0xFFFFFFF0] =	vst v0  }
0x3c: {  	[tilespmem:s5+$0x0] =	vst v0  }
0x3d: {  	[tilespmem:s5+$0xFFFFFFE0] =	vst v0  }
0x3e: {  	s6 =	simm.s32 $0xC5A0;
	[tilespmem:s5+$0x20] =	vst v0  }
0x3f: {  	[tilespmem:s6+$0xFFFFFFE0] =	vst v0  }
0x40: {  	[tilespmem:s6+$0x20] =	vst v0  }
0x41: {  	[tilespmem:s6+$0x0] =	vst v0  }
0x42: {  	[tilespmem:s6+$0xFFFFFFF0] =	vst v0  }
0x43: {  	s23 =	simm.s32 $0xED20;
	[tilespmem:s6+$0x10] =	vst v0  }
0x44: {  	[tilespmem:s23+$0xFFFFFFE0] =	vst v0  }
0x45: {  	[tilespmem:s23+$0x20] =	vst v0  }
0x46: {  	[tilespmem:s23+$0x0] =	vst v0  }
0x47: {  	s7 =	simm.s32 $0x114A0;
	[tilespmem:s23+$0x10] =	vst v0  }
0x48: {  	[tilespmem:s7+$0xFFFFFFE0] =	vst v0  }
0x49: {  	[tilespmem:s7+$0x20] =	vst v0  }
0x4a: {  	s8 =	simm.s32 $0x0;
	s9 =	simm.s32 $0xED70;
	s10 =	simm.s32 $0x114F0;
	[tilespmem:s7+$0x0] =	vst v0  }
.LBB2_2:
0x4b: {  	s8 =	sadd.s32 $0x50, s8;
	[tilespmem:s7+$0x10] =	vst v0;
	s5 =	sadd.s32 $0x50, s5;
	s6 =	sadd.s32 $0x50, s6  }
0x4c: {  	p0 =	slt.u32 s8, $0x26C0;
	[tilespmem:s23+$0xFFFFFFF0] =	vst v0;
	s23 =	smov.u32 s9  }
0x4d: {  	[tilespmem:s7+$0xFFFFFFF0] =	vst v0;
	s7 =	smov.u32 s10  }
0x4e: {  	[tilespmem:s5+$0x10] =	vst v0  }
0x4f: {  	[tilespmem:s5+$0xFFFFFFF0] =	vst v0  }
0x50: {  	[tilespmem:s5+$0x0] =	vst v0  }
0x51: {  	[tilespmem:s5+$0xFFFFFFE0] =	vst v0  }
0x52: {  	[tilespmem:s6+$0xFFFFFFE0] =	vst v0  }
0x53: {  	[tilespmem:s9+$0xFFFFFFE0] =	vst v0  }
0x54: {  	[tilespmem:s10+$0xFFFFFFE0] =	vst v0  }
0x55: {  	[tilespmem:s5+$0x20] =	vst v0  }
0x56: {  	[tilespmem:s6+$0x20] =	vst v0  }
0x57: {  	[tilespmem:s9+$0x20] =	vst v0  }
0x58: {  	[tilespmem:s10+$0x20] =	vst v0  }
0x59: {  	[tilespmem:s6+$0x0] =	vst v0  }
.Ltmp2:
0x5a: {  	[tilespmem:s9+$0x0] =	vst v0;
	(pc) =	sbr.rel @p0 .LBB2_2-.Ltmp2, $4  }
0x5b: {  	[tilespmem:s6+$0xFFFFFFF0] =	vst v0  }
0x5c: {  	[tilespmem:s10+$0x0] =	vst v0  }
0x5d: {  	[tilespmem:s6+$0x10] =	vst v0  }
0x5e: {  	s9 =	sadd.s32 $0x50, s9;
	s10 =	sadd.s32 $0x50, s10;
	[tilespmem:s23+$0x10] =	vst v0  }
0x5f: {  	[tilespmem:s7+$0x10] =	vst v0  }
0x60: {  	[tilespmem:s23+$0xFFFFFFF0] =	vst v0  }
0x61: {  	[tilespmem:s7+$0xFFFFFFF0] =	vst v0  }
0x62: {  	_ =	swait.ge [sflag:s25], $0x2780  }
0x63: {  	[sflag:s25] =	ssyncset.done $0x0  }
0x64: {  	[sflag:s25] =	ssyncadd.s32 $0xFFFFD880  }
0x65: {  	_ =	swait.ge [sflag:s25], $0x2780  }
0x66: {  	[sflag:s25] =	ssyncset.done $0x0  }
0x67: {  	[sflag:s25] =	ssyncadd.s32 $0xFFFFD880  }
0x68: {  	_ =	swait.ge [sflag:s25], $0x2780  }
0x69: {  	[sflag:s25] =	ssyncset.done $0x0  }
0x6a: {  	[sflag:s25] =	ssyncadd.s32 $0xFFFFD880  }
0x6b: {  	_ =	swait.ge [sflag:s25], $0x2780  }
0x6c: {  	[sflag:s25] =	ssyncset.done $0x0  }
0x6d: {  	s23 =	simm.s32 $0x0;
	[sflag:s25] =	ssyncadd.s32 $0xFFFFD880  }
.LBB2_4:
0x6e: {  	_ =	swait.ge [sflag:s4], $0xC80  }
0x6f: {  	[sflag:s4] =	ssyncset.done $0x0  }
0x70: {  	s5 =	simm.s32 $0x13C40;
	[sflag:s4] =	ssyncadd.s32 $0xFFFFF380  }
0x71: {  	v1 =	vld [tilespmem:s5+$0x30]  }
0x72: {  	v2 =	vld [tilespmem:s5+$0xFFFFFFD0]  }
0x73: {  	v3 =	vld [tilespmem:s5+$0xFFFFFFE0]  }
0x74: {  	v4 =	vld [tilespmem:s5+$0xFFFFFFF0]  }
0x75: {  	v5 =	vld [tilespmem:s5+$0x0]  }
0x76: {  	v6 =	vld [tilespmem:s5+$0x10];
	v7 =	vand.u32 $0xFFFF, v1  }
0x77: {  	v10 =	vld [tilespmem:s5+$0xFFFFFFC0];
	v8 =	vand.u32 $0xFFFF, v2  }
0x78: {  	v12 =	vld [tilespmem:s5+$0x20];
	v9 =	vand.u32 $0xFFFF, v3  }
0x79: {  	v11 =	vand.u32 $0xFFFF, v4  }
0x7a: {  	v13 =	vand.u32 $0xFFFF, v5  }
0x7b: {  	v14 =	vand.u32 $0xFFFF, v6;
	v15 =	vld.idx.msk [tilespmem:v7+s2+$0x0], $0xffff  }
0x7c: {  	v18 =	vand.u32 $0xFFFF, v10;
	v16 =	vld.idx.msk [tilespmem:v8+s2+$0x0], $0xffff  }
0x7d: {  	v17 =	vshrl.u32 v1, $0x10;
	v20 =	vand.u32 $0xFFFF, v12;
	v1 =	vld.idx.msk [tilespmem:v9+s2+$0x0], $0xffff  }
0x7e: {  	v19 =	vld.idx.msk [tilespmem:v11+s2+$0x0], $0xffff  }
0x7f: {  	v22 =	vshrl.u32 v2, $0x10;
	v21 =	vld.idx.msk [tilespmem:v13+s2+$0x0], $0xffff  }
0x80: {  	v3 =	vshrl.u32 v3, $0x10;
	v23 =	vld.idx.msk [tilespmem:v14+s2+$0x0], $0xffff  }
0x81: {  	v4 =	vshrl.u32 v4, $0x10;
	v24 =	vld.idx.msk [tilespmem:v18+s2+$0x0], $0xffff  }
0x82: {  	v10 =	vshrl.u32 v10, $0x10;
	v25 =	vld.idx.msk [tilespmem:v20+s2+$0x0], $0xffff  }
0x83: {  	v5 =	vshrl.u32 v5, $0x10;
	[tilespmem:v17+s26+$0x0] =	vst.idx.add.f32.msk $0xffff, v15  }
0x84: {  	v2 =	vshrl.u32 v12, $0x10;
	[tilespmem:v22+s26+$0x0] =	vst.idx.add.f32.msk $0xffff, v16  }
0x85: {  	[tilespmem:v3+s26+$0x0] =	vst.idx.add.f32.msk $0xffff, v1  }
0x86: {  	[tilespmem:v4+s26+$0x0] =	vst.idx.add.f32.msk $0xffff, v19  }
0x87: {  	[tilespmem:v10+s26+$0x0] =	vst.idx.add.f32.msk $0xffff, v24  }
0x88: {  	[tilespmem:v5+s26+$0x0] =	vst.idx.add.f32.msk $0xffff, v21  }
0x89: {  	[tilespmem:v2+s26+$0x0] =	vst.idx.add.f32.msk $0xffff, v25  }
0x8a: {  	v1 =	vshrl.u32 v6, $0x10;
	v15 =	vld.idx.msk [tilespmem:v7+s20+$0x0], $0xffff  }
0x8b: {  	v53 =	vld.idx.msk [tilespmem:v18+s20+$0x0], $0xffff  }
0x8c: {  	v54 =	vld.idx.msk [tilespmem:v9+s20+$0x0], $0xffff  }
0x8d: {  	v55 =	vld.idx.msk [tilespmem:v11+s20+$0x0], $0xffff  }
0x8e: {  	v56 =	vld.idx.msk [tilespmem:v13+s20+$0x0], $0xffff  }
0x8f: {  	[tilespmem:v1+s26+$0x0] =	vst.idx.add.f32.msk $0xffff, v23  }
0x90: {  	[tilespmem:v17+s28+$0x0] =	vst.idx.add.f32.msk $0xffff, v15  }
0x91: {  	v57 =	vld.idx.msk [tilespmem:v14+s20+$0x0], $0xffff  }
0x92: {  	[tilespmem:v10+s28+$0x0] =	vst.idx.add.f32.msk $0xffff, v53  }
0x93: {  	[tilespmem:v3+s28+$0x0] =	vst.idx.add.f32.msk $0xffff, v54  }
0x94: {  	[tilespmem:v4+s28+$0x0] =	vst.idx.add.f32.msk $0xffff, v55  }
0x95: {  	[tilespmem:v5+s28+$0x0] =	vst.idx.add.f32.msk $0xffff, v56  }
0x96: {  	v6 =	vld.idx.msk [tilespmem:v7+s21+$0x0], $0xffff  }
0x97: {  	v58 =	vld.idx.msk [tilespmem:v9+s21+$0x0], $0xffff  }
0x98: {  	v59 =	vld.idx.msk [tilespmem:v11+s21+$0x0], $0xffff  }
0x99: {  	v60 =	vld.idx.msk [tilespmem:v13+s21+$0x0], $0xffff  }
0x9a: {  	[tilespmem:v1+s28+$0x0] =	vst.idx.add.f32.msk $0xffff, v57  }
0x9b: {  	[tilespmem:v17+s29+$0x0] =	vst.idx.add.f32.msk $0xffff, v6  }
0x9c: {  	v61 =	vld.idx.msk [tilespmem:v14+s21+$0x0], $0xffff  }
0x9d: {  	[tilespmem:v3+s29+$0x0] =	vst.idx.add.f32.msk $0xffff, v58  }
0x9e: {  	[tilespmem:v4+s29+$0x0] =	vst.idx.add.f32.msk $0xffff, v59  }
0x9f: {  	[tilespmem:v5+s29+$0x0] =	vst.idx.add.f32.msk $0xffff, v60  }
0xa0: {  	v6 =	vld.idx.msk [tilespmem:v7+s22+$0x0], $0xffff  }
0xa1: {  	v7 =	vld.idx.msk [tilespmem:v8+s20+$0x0], $0xffff  }
0xa2: {  	v9 =	vld.idx.msk [tilespmem:v9+s22+$0x0], $0xffff  }
0xa3: {  	v11 =	vld.idx.msk [tilespmem:v11+s22+$0x0], $0xffff  }
0xa4: {  	v13 =	vld.idx.msk [tilespmem:v13+s22+$0x0], $0xffff  }
0xa5: {  	[tilespmem:v1+s29+$0x0] =	vst.idx.add.f32.msk $0xffff, v61  }
0xa6: {  	[tilespmem:v17+s30+$0x0] =	vst.idx.add.f32.msk $0xffff, v6  }
0xa7: {  	v6 =	vld.idx.msk [tilespmem:v20+s20+$0x0], $0xffff  }
0xa8: {  	[tilespmem:v22+s28+$0x0] =	vst.idx.add.f32.msk $0xffff, v7  }
0xa9: {  	[tilespmem:v3+s30+$0x0] =	vst.idx.add.f32.msk $0xffff, v9  }
0xaa: {  	[tilespmem:v4+s30+$0x0] =	vst.idx.add.f32.msk $0xffff, v11  }
0xab: {  	v7 =	vld.idx.msk [tilespmem:v8+s21+$0x0], $0xffff  }
0xac: {  	[tilespmem:v2+s28+$0x0] =	vst.idx.add.f32.msk $0xffff, v6  }
0xad: {  	v6 =	vld.idx.msk [tilespmem:v18+s21+$0x0], $0xffff  }
0xae: {  	[tilespmem:v5+s30+$0x0] =	vst.idx.add.f32.msk $0xffff, v13  }
0xaf: {  	v62 =	vld.idx.msk [tilespmem:v20+s21+$0x0], $0xffff  }
0xb0: {  	[tilespmem:v22+s29+$0x0] =	vst.idx.add.f32.msk $0xffff, v7  }
0xb1: {  	v63 =	vld.idx.msk [tilespmem:v8+s22+$0x0], $0xffff  }
0xb2: {  	[tilespmem:v10+s29+$0x0] =	vst.idx.add.f32.msk $0xffff, v6  }
0xb3: {  	v6 =	vld.idx.msk [tilespmem:v18+s22+$0x0], $0xffff  }
0xb4: {  	v8 =	vld.idx.msk [tilespmem:v14+s22+$0x0], $0xffff  }
0xb5: {  	[tilespmem:v2+s29+$0x0] =	vst.idx.add.f32.msk $0xffff, v62  }
0xb6: {  	v7 =	vld.idx.msk [tilespmem:v20+s22+$0x0], $0xffff  }
0xb7: {  	[tilespmem:v22+s30+$0x0] =	vst.idx.add.f32.msk $0xffff, v63  }
0xb8: {  	s6 =	simm.s32 $0x13CC0;
	s5 =	simm.s32 $0x0;
	[tilespmem:v10+s30+$0x0] =	vst.idx.add.f32.msk $0xffff, v6  }
.LBB2_5:
0xb9: {  	v9 =	vld [tilespmem:s6+$0x30];
	s5 =	sadd.s32 $0x80, s5  }
0xba: {  	v4 =	vld [tilespmem:s6+$0xFFFFFFD0];
	p0 =	slt.u32 s5, $0xC00  }
0xbb: {  	v5 =	vld [tilespmem:s6+$0xFFFFFFE0]  }
0xbc: {  	v6 =	vld [tilespmem:s6+$0xFFFFFFF0]  }
0xbd: {  	v10 =	vld [tilespmem:s6+$0x0]  }
0xbe: {  	v11 =	vld [tilespmem:s6+$0x10];
	v12 =	vand.u32 $0xFFFF, v9  }
0xbf: {  	v3 =	vshrl.u32 v4, $0x10;
	v13 =	vand.u32 $0xFFFF, v4;
	v14 =	vld [tilespmem:s6+$0x20]  }
0xc0: {  	v15 =	vld [tilespmem:s6+$0xFFFFFFC0];
	v4 =	vshrl.u32 v5, $0x10;
	v16 =	vand.u32 $0xFFFF, v5  }
0xc1: {  	v5 =	vshrl.u32 v6, $0x10;
	v17 =	vand.u32 $0xFFFF, v6;
	[tilespmem:v1+s30+$0x0] =	vst.idx.add.f32.msk $0xffff, v8  }
0xc2: {  	v6 =	vshrl.u32 v10, $0x10;
	v8 =	vand.u32 $0xFFFF, v10;
	[tilespmem:v2+s30+$0x0] =	vst.idx.add.f32.msk $0xffff, v7  }
0xc3: {  	v1 =	vshrl.u32 v11, $0x10;
	v7 =	vand.u32 $0xFFFF, v11;
	v10 =	vld.idx.msk [tilespmem:v12+s2+$0x0], $0xffff  }
0xc4: {  	v9 =	vshrl.u32 v9, $0x10;
	v11 =	vld.idx.msk [tilespmem:v13+s2+$0x0], $0xffff;
	v2 =	vshrl.u32 v14, $0x10;
	v14 =	vand.u32 $0xFFFF, v14  }
0xc5: {  	v18 =	vshrl.u32 v15, $0x10;
	v15 =	vand.u32 $0xFFFF, v15;
	v19 =	vld.idx.msk [tilespmem:v16+s2+$0x0], $0xffff  }
0xc6: {  	v20 =	vld.idx.msk [tilespmem:v17+s2+$0x0], $0xffff  }
0xc7: {  	v21 =	vld.idx.msk [tilespmem:v8+s2+$0x0], $0xffff  }
0xc8: {  	v22 =	vld.idx.msk [tilespmem:v7+s2+$0x0], $0xffff  }
0xc9: {  	[tilespmem:v9+s26+$0x0] =	vst.idx.add.f32.msk $0xffff, v10  }
0xca: {  	v10 =	vld.idx.msk [tilespmem:v12+s20+$0x0], $0xffff  }
0xcb: {  	v23 =	vld.idx.msk [tilespmem:v15+s2+$0x0], $0xffff  }
0xcc: {  	v24 =	vld.idx.msk [tilespmem:v14+s2+$0x0], $0xffff  }
0xcd: {  	[tilespmem:v3+s26+$0x0] =	vst.idx.add.f32.msk $0xffff, v11  }
0xce: {  	[tilespmem:v4+s26+$0x0] =	vst.idx.add.f32.msk $0xffff, v19  }
0xcf: {  	[tilespmem:v5+s26+$0x0] =	vst.idx.add.f32.msk $0xffff, v20  }
0xd0: {  	[tilespmem:v9+s28+$0x0] =	vst.idx.add.f32.msk $0xffff, v10  }
0xd1: {  	v10 =	vld.idx.msk [tilespmem:v12+s21+$0x0], $0xffff  }
0xd2: {  	[tilespmem:v18+s26+$0x0] =	vst.idx.add.f32.msk $0xffff, v23  }
0xd3: {  	[tilespmem:v6+s26+$0x0] =	vst.idx.add.f32.msk $0xffff, v21  }
0xd4: {  	[tilespmem:v1+s26+$0x0] =	vst.idx.add.f32.msk $0xffff, v22  }
0xd5: {  	[tilespmem:v2+s26+$0x0] =	vst.idx.add.f32.msk $0xffff, v24  }
0xd6: {  	v11 =	vld.idx.msk [tilespmem:v15+s20+$0x0], $0xffff  }
0xd7: {  	[tilespmem:v9+s29+$0x0] =	vst.idx.add.f32.msk $0xffff, v10  }
0xd8: {  	v10 =	vld.idx.msk [tilespmem:v12+s22+$0x0], $0xffff  }
0xd9: {  	v12 =	vld.idx.msk [tilespmem:v13+s20+$0x0], $0xffff  }
0xda: {  	v19 =	vld.idx.msk [tilespmem:v16+s20+$0x0], $0xffff  }
0xdb: {  	v20 =	vld.idx.msk [tilespmem:v17+s20+$0x0], $0xffff  }
0xdc: {  	v21 =	vld.idx.msk [tilespmem:v8+s20+$0x0], $0xffff  }
0xdd: {  	v22 =	vld.idx.msk [tilespmem:v7+s20+$0x0], $0xffff  }
0xde: {  	[tilespmem:v9+s30+$0x0] =	vst.idx.add.f32.msk $0xffff, v10  }
0xdf: {  	v9 =	vld.idx.msk [tilespmem:v14+s20+$0x0], $0xffff  }
0xe0: {  	[tilespmem:v18+s28+$0x0] =	vst.idx.add.f32.msk $0xffff, v11  }
0xe1: {  	[tilespmem:v3+s28+$0x0] =	vst.idx.add.f32.msk $0xffff, v12  }
0xe2: {  	[tilespmem:v4+s28+$0x0] =	vst.idx.add.f32.msk $0xffff, v19  }
0xe3: {  	[tilespmem:v5+s28+$0x0] =	vst.idx.add.f32.msk $0xffff, v20  }
0xe4: {  	[tilespmem:v6+s28+$0x0] =	vst.idx.add.f32.msk $0xffff, v21  }
0xe5: {  	[tilespmem:v1+s28+$0x0] =	vst.idx.add.f32.msk $0xffff, v22  }
0xe6: {  	[tilespmem:v2+s28+$0x0] =	vst.idx.add.f32.msk $0xffff, v9  }
0xe7: {  	v9 =	vld.idx.msk [tilespmem:v15+s21+$0x0], $0xffff  }
0xe8: {  	v10 =	vld.idx.msk [tilespmem:v13+s21+$0x0], $0xffff  }
0xe9: {  	v11 =	vld.idx.msk [tilespmem:v16+s21+$0x0], $0xffff  }
0xea: {  	v12 =	vld.idx.msk [tilespmem:v17+s21+$0x0], $0xffff  }
0xeb: {  	v19 =	vld.idx.msk [tilespmem:v8+s21+$0x0], $0xffff  }
0xec: {  	v20 =	vld.idx.msk [tilespmem:v7+s21+$0x0], $0xffff  }
0xed: {  	v21 =	vld.idx.msk [tilespmem:v14+s21+$0x0], $0xffff  }
0xee: {  	[tilespmem:v18+s29+$0x0] =	vst.idx.add.f32.msk $0xffff, v9  }
0xef: {  	[tilespmem:v3+s29+$0x0] =	vst.idx.add.f32.msk $0xffff, v10  }
0xf0: {  	[tilespmem:v4+s29+$0x0] =	vst.idx.add.f32.msk $0xffff, v11  }
0xf1: {  	[tilespmem:v5+s29+$0x0] =	vst.idx.add.f32.msk $0xffff, v12  }
0xf2: {  	[tilespmem:v6+s29+$0x0] =	vst.idx.add.f32.msk $0xffff, v19  }
0xf3: {  	[tilespmem:v1+s29+$0x0] =	vst.idx.add.f32.msk $0xffff, v20  }
0xf4: {  	[tilespmem:v2+s29+$0x0] =	vst.idx.add.f32.msk $0xffff, v21  }
0xf5: {  	v9 =	vld.idx.msk [tilespmem:v15+s22+$0x0], $0xffff  }
0xf6: {  	v10 =	vld.idx.msk [tilespmem:v13+s22+$0x0], $0xffff  }
0xf7: {  	v11 =	vld.idx.msk [tilespmem:v16+s22+$0x0], $0xffff  }
0xf8: {  	v12 =	vld.idx.msk [tilespmem:v17+s22+$0x0], $0xffff  }
0xf9: {  	v13 =	vld.idx.msk [tilespmem:v8+s22+$0x0], $0xffff  }
0xfa: {  	v8 =	vld.idx.msk [tilespmem:v7+s22+$0x0], $0xffff  }
0xfb: {  	v7 =	vld.idx.msk [tilespmem:v14+s22+$0x0], $0xffff  }
.Ltmp3:
0xfc: {  	[tilespmem:v18+s30+$0x0] =	vst.idx.add.f32.msk $0xffff, v9;
	(pc) =	sbr.rel @p0 .LBB2_5-.Ltmp3, $4  }
0xfd: {  	[tilespmem:v3+s30+$0x0] =	vst.idx.add.f32.msk $0xffff, v10  }
0xfe: {  	[tilespmem:v4+s30+$0x0] =	vst.idx.add.f32.msk $0xffff, v11  }
0xff: {  	[tilespmem:v5+s30+$0x0] =	vst.idx.add.f32.msk $0xffff, v12  }
0x100: {  	s6 =	sadd.s32 $0x80, s6;
	[tilespmem:v6+s30+$0x0] =	vst.idx.add.f32.msk $0xffff, v13  }
0x101: {  	p0 =	seq.s32 s23, $0x18  }
0x102: {  	s5 =	smul.u32 @!p0 $0x1900, s23;
	_ =	sdelay $0x1  }
0x103: {  	s5 =	sadd.s32 @!p0 s5, s11  }
0x104: {  	[tilespmem:v1+s30+$0x0] =	vst.idx.add.f32.msk $0xffff, v8;
	s5 =	sshrl.u32 @!p0 s5, $0x3  }
0x105: {  	[tilespmem:v2+s30+$0x0] =	vst.idx.add.f32.msk $0xffff, v7;
	s6 =	simm.s32 @!p0 $0x0;
	s7 =	simm.s32 @!p0 $0x13C00;
	s5 =	sadd.s32 @!p0 s3, s5  }
0x106: {  	[tilespmem:s7], [sflag:$0x1] =	stream.linear.gather @!p0 [hbm4b:s5+s6], $0xC80, $0x38;
	[tilespmem:$0x15500] =	vst v63  }
0x107: {  	_ =	swait.ge [sflag:s31], $0xC80  }
0x108: {  	[sflag:s31] =	ssyncset.done $0x0  }
0x109: {  	s10 =	simm.s32 $0x148C0;
	[sflag:s31] =	ssyncadd.s32 $0xFFFFF380  }
0x10a: {  	v1 =	vld [tilespmem:s10+$0x30]  }
0x10b: {  	v2 =	vld [tilespmem:s10+$0xFFFFFFD0]  }
0x10c: {  	v3 =	vld [tilespmem:s10+$0xFFFFFFE0]  }
0x10d: {  	v4 =	vld [tilespmem:s10+$0xFFFFFFF0]  }
0x10e: {  	v5 =	vld [tilespmem:s10+$0x0]  }
0x10f: {  	v6 =	vld [tilespmem:s10+$0x10];
	v7 =	vand.u32 $0xFFFF, v1  }
0x110: {  	v10 =	vld [tilespmem:s10+$0xFFFFFFC0];
	v8 =	vand.u32 $0xFFFF, v2  }
0x111: {  	v12 =	vld [tilespmem:s10+$0x20];
	v9 =	vand.u32 $0xFFFF, v3  }
0x112: {  	v11 =	vand.u32 $0xFFFF, v4  }
0x113: {  	v13 =	vand.u32 $0xFFFF, v5  }
0x114: {  	v14 =	vand.u32 $0xFFFF, v6;
	v15 =	vld.idx.msk [tilespmem:v7+s2+$0x0], $0xffff  }
0x115: {  	v18 =	vand.u32 $0xFFFF, v10;
	v16 =	vld.idx.msk [tilespmem:v8+s2+$0x0], $0xffff  }
0x116: {  	v17 =	vshrl.u32 v1, $0x10;
	v20 =	vand.u32 $0xFFFF, v12;
	v1 =	vld.idx.msk [tilespmem:v9+s2+$0x0], $0xffff  }
0x117: {  	v19 =	vld.idx.msk [tilespmem:v11+s2+$0x0], $0xffff  }
0x118: {  	v22 =	vshrl.u32 v2, $0x10;
	v21 =	vld.idx.msk [tilespmem:v13+s2+$0x0], $0xffff  }
0x119: {  	v3 =	vshrl.u32 v3, $0x10;
	v23 =	vld.idx.msk [tilespmem:v14+s2+$0x0], $0xffff  }
0x11a: {  	v4 =	vshrl.u32 v4, $0x10;
	v24 =	vld.idx.msk [tilespmem:v18+s2+$0x0], $0xffff  }
0x11b: {  	v10 =	vshrl.u32 v10, $0x10;
	v25 =	vld.idx.msk [tilespmem:v20+s2+$0x0], $0xffff  }
0x11c: {  	v5 =	vshrl.u32 v5, $0x10;
	[tilespmem:v17+s26+$0x0] =	vst.idx.add.f32.msk $0xffff, v15  }
0x11d: {  	v2 =	vshrl.u32 v12, $0x10;
	[tilespmem:v22+s26+$0x0] =	vst.idx.add.f32.msk $0xffff, v16  }
0x11e: {  	[tilespmem:v3+s26+$0x0] =	vst.idx.add.f32.msk $0xffff, v1  }
0x11f: {  	[tilespmem:v4+s26+$0x0] =	vst.idx.add.f32.msk $0xffff, v19  }
0x120: {  	[tilespmem:v10+s26+$0x0] =	vst.idx.add.f32.msk $0xffff, v24  }
0x121: {  	[tilespmem:v5+s26+$0x0] =	vst.idx.add.f32.msk $0xffff, v21  }
0x122: {  	[tilespmem:v2+s26+$0x0] =	vst.idx.add.f32.msk $0xffff, v25  }
0x123: {  	v1 =	vshrl.u32 v6, $0x10;
	v15 =	vld.idx.msk [tilespmem:v7+s20+$0x0], $0xffff  }
0x124: {  	v53 =	vld.idx.msk [tilespmem:v18+s20+$0x0], $0xffff  }
0x125: {  	v54 =	vld.idx.msk [tilespmem:v9+s20+$0x0], $0xffff  }
0x126: {  	v55 =	vld.idx.msk [tilespmem:v11+s20+$0x0], $0xffff  }
0x127: {  	v56 =	vld.idx.msk [tilespmem:v13+s20+$0x0], $0xffff  }
0x128: {  	[tilespmem:v1+s26+$0x0] =	vst.idx.add.f32.msk $0xffff, v23  }
0x129: {  	[tilespmem:v17+s28+$0x0] =	vst.idx.add.f32.msk $0xffff, v15  }
0x12a: {  	v57 =	vld.idx.msk [tilespmem:v14+s20+$0x0], $0xffff  }
0x12b: {  	[tilespmem:v10+s28+$0x0] =	vst.idx.add.f32.msk $0xffff, v53  }
0x12c: {  	[tilespmem:v3+s28+$0x0] =	vst.idx.add.f32.msk $0xffff, v54  }
0x12d: {  	[tilespmem:v4+s28+$0x0] =	vst.idx.add.f32.msk $0xffff, v55  }
0x12e: {  	[tilespmem:v5+s28+$0x0] =	vst.idx.add.f32.msk $0xffff, v56  }
0x12f: {  	v6 =	vld.idx.msk [tilespmem:v7+s21+$0x0], $0xffff  }
0x130: {  	v58 =	vld.idx.msk [tilespmem:v9+s21+$0x0], $0xffff  }
0x131: {  	v59 =	vld.idx.msk [tilespmem:v11+s21+$0x0], $0xffff  }
0x132: {  	v60 =	vld.idx.msk [tilespmem:v13+s21+$0x0], $0xffff  }
0x133: {  	[tilespmem:v1+s28+$0x0] =	vst.idx.add.f32.msk $0xffff, v57  }
0x134: {  	[tilespmem:v17+s29+$0x0] =	vst.idx.add.f32.msk $0xffff, v6  }
0x135: {  	v61 =	vld.idx.msk [tilespmem:v14+s21+$0x0], $0xffff  }
0x136: {  	[tilespmem:v3+s29+$0x0] =	vst.idx.add.f32.msk $0xffff, v58  }
0x137: {  	[tilespmem:v4+s29+$0x0] =	vst.idx.add.f32.msk $0xffff, v59  }
0x138: {  	[tilespmem:v5+s29+$0x0] =	vst.idx.add.f32.msk $0xffff, v60  }
0x139: {  	v6 =	vld.idx.msk [tilespmem:v7+s22+$0x0], $0xffff  }
0x13a: {  	v7 =	vld.idx.msk [tilespmem:v8+s20+$0x0], $0xffff  }
0x13b: {  	v9 =	vld.idx.msk [tilespmem:v9+s22+$0x0], $0xffff  }
0x13c: {  	v11 =	vld.idx.msk [tilespmem:v11+s22+$0x0], $0xffff  }
0x13d: {  	v13 =	vld.idx.msk [tilespmem:v13+s22+$0x0], $0xffff  }
0x13e: {  	[tilespmem:v1+s29+$0x0] =	vst.idx.add.f32.msk $0xffff, v61  }
0x13f: {  	[tilespmem:v17+s30+$0x0] =	vst.idx.add.f32.msk $0xffff, v6  }
0x140: {  	v6 =	vld.idx.msk [tilespmem:v20+s20+$0x0], $0xffff  }
0x141: {  	[tilespmem:v22+s28+$0x0] =	vst.idx.add.f32.msk $0xffff, v7  }
0x142: {  	[tilespmem:v3+s30+$0x0] =	vst.idx.add.f32.msk $0xffff, v9  }
0x143: {  	[tilespmem:v4+s30+$0x0] =	vst.idx.add.f32.msk $0xffff, v11  }
0x144: {  	v7 =	vld.idx.msk [tilespmem:v8+s21+$0x0], $0xffff  }
0x145: {  	[tilespmem:v2+s28+$0x0] =	vst.idx.add.f32.msk $0xffff, v6  }
0x146: {  	v6 =	vld.idx.msk [tilespmem:v18+s21+$0x0], $0xffff  }
0x147: {  	[tilespmem:v5+s30+$0x0] =	vst.idx.add.f32.msk $0xffff, v13  }
0x148: {  	v62 =	vld.idx.msk [tilespmem:v20+s21+$0x0], $0xffff  }
0x149: {  	[tilespmem:v22+s29+$0x0] =	vst.idx.add.f32.msk $0xffff, v7  }
0x14a: {  	v63 =	vld.idx.msk [tilespmem:v8+s22+$0x0], $0xffff  }
0x14b: {  	[tilespmem:v10+s29+$0x0] =	vst.idx.add.f32.msk $0xffff, v6  }
0x14c: {  	v6 =	vld.idx.msk [tilespmem:v18+s22+$0x0], $0xffff  }
0x14d: {  	v8 =	vld.idx.msk [tilespmem:v14+s22+$0x0], $0xffff  }
0x14e: {  	[tilespmem:v2+s29+$0x0] =	vst.idx.add.f32.msk $0xffff, v62  }
0x14f: {  	v7 =	vld.idx.msk [tilespmem:v20+s22+$0x0], $0xffff  }
0x150: {  	[tilespmem:v22+s30+$0x0] =	vst.idx.add.f32.msk $0xffff, v63  }
0x151: {  	s5 =	simm.s32 $0x0;
	s6 =	simm.s32 $0x14940;
	[tilespmem:v10+s30+$0x0] =	vst.idx.add.f32.msk $0xffff, v6  }
.LBB2_7:
0x152: {  	v9 =	vld [tilespmem:s6+$0x30];
	s5 =	sadd.s32 $0x80, s5  }
0x153: {  	v4 =	vld [tilespmem:s6+$0xFFFFFFD0];
	p1 =	slt.u32 s5, $0xC00  }
0x154: {  	v5 =	vld [tilespmem:s6+$0xFFFFFFE0]  }
0x155: {  	v6 =	vld [tilespmem:s6+$0xFFFFFFF0]  }
0x156: {  	v10 =	vld [tilespmem:s6+$0x0]  }
0x157: {  	v11 =	vld [tilespmem:s6+$0x10];
	v12 =	vand.u32 $0xFFFF, v9  }
0x158: {  	v3 =	vshrl.u32 v4, $0x10;
	v13 =	vand.u32 $0xFFFF, v4;
	v14 =	vld [tilespmem:s6+$0x20]  }
0x159: {  	v15 =	vld [tilespmem:s6+$0xFFFFFFC0];
	v4 =	vshrl.u32 v5, $0x10;
	v16 =	vand.u32 $0xFFFF, v5  }
0x15a: {  	v5 =	vshrl.u32 v6, $0x10;
	v17 =	vand.u32 $0xFFFF, v6;
	[tilespmem:v1+s30+$0x0] =	vst.idx.add.f32.msk $0xffff, v8  }
0x15b: {  	v6 =	vshrl.u32 v10, $0x10;
	v8 =	vand.u32 $0xFFFF, v10;
	[tilespmem:v2+s30+$0x0] =	vst.idx.add.f32.msk $0xffff, v7  }
0x15c: {  	v1 =	vshrl.u32 v11, $0x10;
	v7 =	vand.u32 $0xFFFF, v11;
	v10 =	vld.idx.msk [tilespmem:v12+s2+$0x0], $0xffff  }
0x15d: {  	v9 =	vshrl.u32 v9, $0x10;
	v11 =	vld.idx.msk [tilespmem:v13+s2+$0x0], $0xffff;
	v2 =	vshrl.u32 v14, $0x10;
	v14 =	vand.u32 $0xFFFF, v14  }
0x15e: {  	v18 =	vshrl.u32 v15, $0x10;
	v15 =	vand.u32 $0xFFFF, v15;
	v19 =	vld.idx.msk [tilespmem:v16+s2+$0x0], $0xffff  }
0x15f: {  	v20 =	vld.idx.msk [tilespmem:v17+s2+$0x0], $0xffff  }
0x160: {  	v21 =	vld.idx.msk [tilespmem:v8+s2+$0x0], $0xffff  }
0x161: {  	v22 =	vld.idx.msk [tilespmem:v7+s2+$0x0], $0xffff  }
0x162: {  	[tilespmem:v9+s26+$0x0] =	vst.idx.add.f32.msk $0xffff, v10  }
0x163: {  	v10 =	vld.idx.msk [tilespmem:v12+s20+$0x0], $0xffff  }
0x164: {  	v23 =	vld.idx.msk [tilespmem:v15+s2+$0x0], $0xffff  }
0x165: {  	v24 =	vld.idx.msk [tilespmem:v14+s2+$0x0], $0xffff  }
0x166: {  	[tilespmem:v3+s26+$0x0] =	vst.idx.add.f32.msk $0xffff, v11  }
0x167: {  	[tilespmem:v4+s26+$0x0] =	vst.idx.add.f32.msk $0xffff, v19  }
0x168: {  	[tilespmem:v5+s26+$0x0] =	vst.idx.add.f32.msk $0xffff, v20  }
0x169: {  	[tilespmem:v9+s28+$0x0] =	vst.idx.add.f32.msk $0xffff, v10  }
0x16a: {  	v10 =	vld.idx.msk [tilespmem:v12+s21+$0x0], $0xffff  }
0x16b: {  	[tilespmem:v18+s26+$0x0] =	vst.idx.add.f32.msk $0xffff, v23  }
0x16c: {  	[tilespmem:v6+s26+$0x0] =	vst.idx.add.f32.msk $0xffff, v21  }
0x16d: {  	[tilespmem:v1+s26+$0x0] =	vst.idx.add.f32.msk $0xffff, v22  }
0x16e: {  	[tilespmem:v2+s26+$0x0] =	vst.idx.add.f32.msk $0xffff, v24  }
0x16f: {  	v11 =	vld.idx.msk [tilespmem:v15+s20+$0x0], $0xffff  }
0x170: {  	[tilespmem:v9+s29+$0x0] =	vst.idx.add.f32.msk $0xffff, v10  }
0x171: {  	v10 =	vld.idx.msk [tilespmem:v12+s22+$0x0], $0xffff  }
0x172: {  	v12 =	vld.idx.msk [tilespmem:v13+s20+$0x0], $0xffff  }
0x173: {  	v19 =	vld.idx.msk [tilespmem:v16+s20+$0x0], $0xffff  }
0x174: {  	v20 =	vld.idx.msk [tilespmem:v17+s20+$0x0], $0xffff  }
0x175: {  	v21 =	vld.idx.msk [tilespmem:v8+s20+$0x0], $0xffff  }
0x176: {  	v22 =	vld.idx.msk [tilespmem:v7+s20+$0x0], $0xffff  }
0x177: {  	[tilespmem:v9+s30+$0x0] =	vst.idx.add.f32.msk $0xffff, v10  }
0x178: {  	v9 =	vld.idx.msk [tilespmem:v14+s20+$0x0], $0xffff  }
0x179: {  	[tilespmem:v18+s28+$0x0] =	vst.idx.add.f32.msk $0xffff, v11  }
0x17a: {  	[tilespmem:v3+s28+$0x0] =	vst.idx.add.f32.msk $0xffff, v12  }
0x17b: {  	[tilespmem:v4+s28+$0x0] =	vst.idx.add.f32.msk $0xffff, v19  }
0x17c: {  	[tilespmem:v5+s28+$0x0] =	vst.idx.add.f32.msk $0xffff, v20  }
0x17d: {  	[tilespmem:v6+s28+$0x0] =	vst.idx.add.f32.msk $0xffff, v21  }
0x17e: {  	[tilespmem:v1+s28+$0x0] =	vst.idx.add.f32.msk $0xffff, v22  }
0x17f: {  	[tilespmem:v2+s28+$0x0] =	vst.idx.add.f32.msk $0xffff, v9  }
0x180: {  	v9 =	vld.idx.msk [tilespmem:v15+s21+$0x0], $0xffff  }
0x181: {  	v10 =	vld.idx.msk [tilespmem:v13+s21+$0x0], $0xffff  }
0x182: {  	v11 =	vld.idx.msk [tilespmem:v16+s21+$0x0], $0xffff  }
0x183: {  	v12 =	vld.idx.msk [tilespmem:v17+s21+$0x0], $0xffff  }
0x184: {  	v19 =	vld.idx.msk [tilespmem:v8+s21+$0x0], $0xffff  }
0x185: {  	v20 =	vld.idx.msk [tilespmem:v7+s21+$0x0], $0xffff  }
0x186: {  	v21 =	vld.idx.msk [tilespmem:v14+s21+$0x0], $0xffff  }
0x187: {  	[tilespmem:v18+s29+$0x0] =	vst.idx.add.f32.msk $0xffff, v9  }
0x188: {  	[tilespmem:v3+s29+$0x0] =	vst.idx.add.f32.msk $0xffff, v10  }
0x189: {  	[tilespmem:v4+s29+$0x0] =	vst.idx.add.f32.msk $0xffff, v11  }
0x18a: {  	[tilespmem:v5+s29+$0x0] =	vst.idx.add.f32.msk $0xffff, v12  }
0x18b: {  	[tilespmem:v6+s29+$0x0] =	vst.idx.add.f32.msk $0xffff, v19  }
0x18c: {  	[tilespmem:v1+s29+$0x0] =	vst.idx.add.f32.msk $0xffff, v20  }
0x18d: {  	[tilespmem:v2+s29+$0x0] =	vst.idx.add.f32.msk $0xffff, v21  }
0x18e: {  	v9 =	vld.idx.msk [tilespmem:v15+s22+$0x0], $0xffff  }
0x18f: {  	v10 =	vld.idx.msk [tilespmem:v13+s22+$0x0], $0xffff  }
0x190: {  	v11 =	vld.idx.msk [tilespmem:v16+s22+$0x0], $0xffff  }
0x191: {  	v12 =	vld.idx.msk [tilespmem:v17+s22+$0x0], $0xffff  }
0x192: {  	v13 =	vld.idx.msk [tilespmem:v8+s22+$0x0], $0xffff  }
0x193: {  	v8 =	vld.idx.msk [tilespmem:v7+s22+$0x0], $0xffff  }
0x194: {  	v7 =	vld.idx.msk [tilespmem:v14+s22+$0x0], $0xffff  }
.Ltmp4:
0x195: {  	[tilespmem:v18+s30+$0x0] =	vst.idx.add.f32.msk $0xffff, v9;
	(pc) =	sbr.rel @p1 .LBB2_7-.Ltmp4, $4  }
0x196: {  	[tilespmem:v3+s30+$0x0] =	vst.idx.add.f32.msk $0xffff, v10  }
0x197: {  	[tilespmem:v4+s30+$0x0] =	vst.idx.add.f32.msk $0xffff, v11  }
0x198: {  	[tilespmem:v5+s30+$0x0] =	vst.idx.add.f32.msk $0xffff, v12  }
0x199: {  	s6 =	sadd.s32 $0x80, s6;
	[tilespmem:v6+s30+$0x0] =	vst.idx.add.f32.msk $0xffff, v13  }
0x19a: {  	_ = 	snop  }
.Ltmp5:
0x19b: {  	_ = 	snop;
	(pc) =	sbr.rel @p0 .LBB2_10-.Ltmp5, $3  }
0x19c: {  	_ =	sdelay $0x1  }
0x19d: {  	[tilespmem:v1+s30+$0x0] =	vst.idx.add.f32.msk $0xffff, v8  }
0x19e: {  	[tilespmem:v2+s30+$0x0] =	vst.idx.add.f32.msk $0xffff, v7  }
0x19f: {  	s5 =	smul.u32 $0x1900, s23  }
.Ltmp6:
0x1a0: {  	_ = 	snop;
	(pc) =	sbr.rel .LBB2_4-.Ltmp6, $4  }
0x1a1: {  	s5 =	sadd.s32 s5, s12  }
0x1a2: {  	s5 =	sshrl.u32 s5, $0x3  }
0x1a3: {  	s23 =	sadd.s32 $0x1, s23;
	s5 =	sadd.s32 s3, s5  }
0x1a4: {  	[tilespmem:s24], [sflag:$0x2] =	stream.linear.gather [hbm4b:s5+s2], $0xC80, $0x38;
	[tilespmem:$0x15500] =	vst v63  }
.LBB2_11:
0x1a5: {  	_ =	sfence.sel $0x180000  }
0x1a6: {  	[bflag:$0x0] =	sbarrier.arrive $0xFFFF  }
0x1a7: {  	_ =	strace $0x9000004A  }
0x1a8: {  	s0 =	stileid.u32;
	[bflag:$0x2] =	sbarrier.arrive $0xFFFF  }
0x1a9: {  	p0 =	sne.s32 s0, $0x0;
	s0 =	rddreg [dreg:$0x1]  }
0x1aa: {  	s0 =	sadd.s32 @!p0 $0x100000, s0  }
0x1ab: {  	[sflag:s0] =	ssyncadd.tile.s32 @!p0 $0x1;
	_ =	shalt  }
.Lfunc_end2:
_tile_overlayer_lowered:
.L_overlay_start_2:
0x1ac: {  	(tag) =	ssettag $0x2  }
0x1ad: {  	s0 =	rddreg [dreg:$0x0];
	s2 =	stileid.u32  }
0x1ae: {  	s1 =	rddreg [dreg:$0x1];
	p0 =	sne.s32 s2, $0x0  }
0x1af: {  	s3 =	rddreg [dreg:$0x2];
	[bflag:$0x3] =	sbarrier.arrive $0xFFFF;
	s2 =	simm.s32 @!p0 $0x1C04  }
0x1b0: {  	[timem:s3], [sflag:s2] =	dma.local @!p0 [hbm:s0], s1  }
0x1b1: {  	s0 =	simm.s32 @!p0 $0x4  }
0x1b2: {  	_ =	swait.ge @!p0 [sflag:s0], s1  }
0x1b3: {  	s1 =	ssub.s32 @!p0 $0x0, s1;
	[sflag:s0] =	ssyncset.done @!p0 $0x0  }
0x1b4: {  	[sflag:s0] =	ssyncadd.s32 @!p0 s1  }
0x1b5: {  	[bflag:$0x3] =	sbarrier.arrive $0xFFFF  }
0x1b6: {  	_ =	shalt  }

// kernel: kernel.16.cloned.1.call-start
scs
__scs_entry_jumppad:
0x0: {  	(pc) =	sbr.rel $0x88, $3  }
0x1: {  	(tag) =	ssettag $0x0;
	lr =	simm.s32 $0x1  }
0x2: {  	[smem:$0x3F96] =	sst lr;
	_ =	strace $0xD0000000  }
0x3: {  	_ = 	snop  }
0x4: {  	_ = 	snop  }
0x5: {  	_ = 	snop  }
0x6: {  	_ = 	snop  }
0x7: {  	_ = 	snop  }
__scs_overlays_trampoline_lowered:
0x8: {  	[smem:$0x3FA5] =	sst s0  }
0x9: {  	[smem:$0x3FA6] =	sst s1  }
0xa: {  	[smem:$0x3FA7] =	sst s2  }
0xb: {  	[smem:$0x3FA8] =	sst s3  }
0xc: {  	[smem:$0x3FA9] =	sst s4  }
0xd: {  	[smem:$0x3FAA] =	sst s5  }
0xe: {  	[smem:$0x3FAB] =	sst s6  }
0xf: {  	[smem:$0x3FAC] =	sst s7  }
0x10: {  	[smem:$0x3FAD] =	sst s8  }
0x11: {  	[smem:$0x3FAE] =	sst s9;
	s0 =	simm.s32 @!p0 $0x0  }
0x12: {  	s1 =	sld [smem:$0x3F94];
	s0 =	simm.s32 @p0 $0x1  }
0x13: {  	[smem:$0x3FAF] =	sst s0;
	s0 =	simm.s32 @!p1 $0x0  }
0x14: {  	s2 =	sld [smem:$0x3F93];
	s0 =	simm.s32 @p1 $0x1  }
0x15: {  	[smem:$0x3FB0] =	sst s0;
	s0 =	simm.s32 @!p2 $0x0  }
0x16: {  	s3 =	sld [smem:$0x3FDB];
	s0 =	simm.s32 @p2 $0x1  }
0x17: {  	s4 =	simm.s32 $0x1BF5;
	[smem:$0x3FB2] =	sst s0  }
0x18: {  	s0 =	sld [smem:$0x3F95];
	_ =	swait.ge [sflag:s4], $0x0  }
0x19: {  	s7 =	sld [smem:$0x3F96]  }
0x1a: {  	s8 =	sadd.s32 $0xFFFFE003, lr  }
0x1b: {  	s9 =	sadd.s32 $0xFFFFFEF7, lr;
	s5 =	simm.s32 $0xFFFFFFFF;
	p2 =	slt.u32 s8, $0xFFFFF086  }
0x1c: {  	p1 =	slt.u32 s9, $0xF7A;
	s5 =	simm.s32 @!p2 $0x0  }
0x1d: {  	s5 =	simm.s32 @p1 $0x1;
	p0 =	seq.s32 s7, s2  }
0x1e: {  	s7 =	smul.u32 @!p0 $0xF7A, s2;
	p2 =	seq.s32 @!p0 s5, $0x0  }
0x1f: {  	s9 =	smul.u32 $0xF7A, s1;
	s8 =	simm.s32 @!p0 $0x1BF5;
	p2 =	por !p2, p0  }
0x20: {  	[sflag:s8] =	ssyncset.s32 @!p0 $0xFFFFF086;
	s6 =	sadd.s32 @!p0 s3, s7;
	s7 =	simm.s32 @!p0 $0x108  }
0x21: {  	s3 =	sadd.s32 s3, s9;
	s6 =	sadd.s32 @!p0 $0x88, s6;
	s7 =	simm.s32 @p2 $0x1082  }
0x22: {  	[simem:s7], [sflag:s8] =	dma.local @!p0 [hbm:s6], $0xF7A  }
0x23: {  	s9 =	sor.u32 $0xD0000000, s2;
	s6 =	simm.s32 $0x108;
	_ =	swait.ge @!p0 [sflag:s8], $0x0  }
0x24: {  	s3 =	sadd.s32 $0x88, s3;
	s6 =	simm.s32 @!p1 $0x1082;
	[sflag:s4] =	ssyncset.s32 $0xFFFFF086  }
0x25: {  	[simem:s6], [sflag:s4] =	dma.local [hbm:s3], $0xF7A  }
0x26: {  	[smem:$0x3F96] =	sst s1;
	(tag) =	ssettag s2;
	_ =	strace s9  }
0x27: {  	s1 =	sld [smem:$0x3FA6]  }
0x28: {  	s2 =	sld [smem:$0x3FA7]  }
0x29: {  	s4 =	sld [smem:$0x3FA9]  }
0x2a: {  	p0 =	seq.s32 s5, $0x0;
	s5 =	sld [smem:$0x3FAA]  }
0x2b: {  	s6 =	sld [smem:$0x3FAB]  }
0x2c: {  	s7 =	sld [smem:$0x3FAC]  }
0x2d: {  	s3 =	simm.s32 $0x108;
	s8 =	sld [smem:$0x3FAD]  }
0x2e: {  	s3 =	simm.s32 @!p0 $0x1082;
	s9 =	sld [smem:$0x3FAE]  }
0x2f: {  	lr =	sadd.s32 s0, s3;
	s0 =	sld [smem:$0x3FA5]  }
0x30: {  	s3 =	sld [smem:$0x3FA8]  }
0x31: {  	[smem:$0x3FB1] =	sst s10  }
0x32: {  	s10 =	sld [smem:$0x3FAF];
	_ =	sdelay $0x3  }
0x33: {  	p0 =	seq.s32 s10, $0x1;
	s10 =	sld [smem:$0x3FB1];
	_ =	sdelay $0x3  }
0x34: {  	[smem:$0x3FB1] =	sst s10  }
0x35: {  	s10 =	sld [smem:$0x3FB0];
	_ =	sdelay $0x3  }
0x36: {  	p1 =	seq.s32 s10, $0x1;
	s10 =	sld [smem:$0x3FB1];
	_ =	sdelay $0x3  }
0x37: {  	[smem:$0x3FB1] =	sst s10  }
0x38: {  	s10 =	sld [smem:$0x3FB2]  }
0x39: {  	_ = 	snop;
	(pc) =	sbr.ind lr, $3  }
0x3a: {  	_ = 	snop  }
0x3b: {  	_ = 	snop  }
0x3c: {  	p2 =	seq.s32 s10, $0x1;
	s10 =	sld [smem:$0x3FB1]  }
0x3d: {  	_ =	shalt  }
0x3e: {  	_ =	shalt  }
0x3f: {  	_ =	shalt  }
0x40: {  	_ =	shalt  }
0x41: {  	_ =	shalt  }
0x42: {  	_ =	shalt  }
0x43: {  	_ =	shalt  }
0x44: {  	_ =	shalt  }
0x45: {  	_ =	shalt  }
0x46: {  	_ =	shalt  }
0x47: {  	_ =	shalt  }
0x48: {  	_ =	shalt  }
0x49: {  	_ =	shalt  }
0x4a: {  	_ =	shalt  }
0x4b: {  	_ =	shalt  }
0x4c: {  	_ =	shalt  }
0x4d: {  	_ =	shalt  }
0x4e: {  	_ =	shalt  }
0x4f: {  	_ =	shalt  }
0x50: {  	_ =	shalt  }
0x51: {  	_ =	shalt  }
0x52: {  	_ =	shalt  }
0x53: {  	_ =	shalt  }
0x54: {  	_ =	shalt  }
0x55: {  	_ =	shalt  }
0x56: {  	_ =	shalt  }
0x57: {  	_ =	shalt  }
0x58: {  	_ =	shalt  }
0x59: {  	_ =	shalt  }
0x5a: {  	_ =	shalt  }
0x5b: {  	_ =	shalt  }
0x5c: {  	_ =	shalt  }
0x5d: {  	_ =	shalt  }
0x5e: {  	_ =	shalt  }
0x5f: {  	_ =	shalt  }
0x60: {  	_ =	shalt  }
0x61: {  	_ =	shalt  }
0x62: {  	_ =	shalt  }
0x63: {  	_ =	shalt  }
0x64: {  	_ =	shalt  }
0x65: {  	_ =	shalt  }
0x66: {  	_ =	shalt  }
0x67: {  	_ =	shalt  }
0x68: {  	_ =	shalt  }
0x69: {  	_ =	shalt  }
0x6a: {  	_ =	shalt  }
0x6b: {  	_ =	shalt  }
0x6c: {  	_ =	shalt  }
0x6d: {  	_ =	shalt  }
0x6e: {  	_ =	shalt  }
0x6f: {  	_ =	shalt  }
0x70: {  	_ =	shalt  }
0x71: {  	_ =	shalt  }
0x72: {  	_ =	shalt  }
0x73: {  	_ =	shalt  }
0x74: {  	_ =	shalt  }
0x75: {  	_ =	shalt  }
0x76: {  	_ =	shalt  }
0x77: {  	_ =	shalt  }
0x78: {  	_ =	shalt  }
0x79: {  	_ =	shalt  }
0x7a: {  	_ =	shalt  }
0x7b: {  	_ =	shalt  }
0x7c: {  	_ =	shalt  }
0x7d: {  	_ =	shalt  }
0x7e: {  	_ =	shalt  }
0x7f: {  	_ =	shalt  }
0x80: {  	_ =	shalt  }
0x81: {  	_ =	shalt  }
0x82: {  	_ =	shalt  }
0x83: {  	_ =	shalt  }
0x84: {  	_ =	shalt  }
0x85: {  	_ =	shalt  }
0x86: {  	_ =	shalt  }
0x87: {  	_ =	shalt  }
.Lfunc_end0:
.L_simem_size_0:
called_computation.2_lowered:
.L_overlay_start_0:
0x88: {  	s2 =	sld [smem:$0x3FD9]  }
0x89: {  	s3 =	sld [smem:$0x3FFE];
	_ =	sdelay $0x1  }
0x8a: {  	s1 =	srdreg.scid  }
0x8b: {  	s0 =	sand.u32 $0x1, s1  }
0x8c: {  	s16 =	sshll.u32 s0, $0xA;
	s2 =	sadd.s32 s3, s2  }
0x8d: {  	s2 =	sadd.s32 s2, s16  }
0x8e: {  	[smem:$0x3FBD] =	sst s2  }
0x8f: {  	_ = 	snop  }
0x90: {  	(tm) =	ssettm $0x1  }
0x91: {  	s17 =	sld [smem:$0x3FFB];
	_ =	sdelay $0x3  }
0x92: {  	_ =	strace s17  }
0x93: {  	s2 =	sld [smem:$0x3FFC];
	_ =	sdelay $0x3  }
0x94: {  	_ =	strace s2  }
0x95: {  	s2 =	sld [smem:$0x3FFD];
	_ =	sdelay $0x3  }
0x96: {  	_ =	strace s2  }
0x97: {  	_ =	strace $0x8FFFFFFF  }
0x98: {  	s18 =	sld [smem:$0x3FDB];
	_ =	sdelay $0x1  }
0x99: {  	s19 =	simm.s32 $_scs_section_size  }
0x9a: {  	s4 =	simm.s32 $_size__tile_overlayer_lowered;
	s5 =	simm.s32 $_tile_overlayer_lowered  }
0x9b: {  	s22 =	simm.s32 $0x1BFF;
	s21 =	sshll.u32 s5, $0x1;
	s2 =	sadd.s32 s19, s18  }
0x9c: {  	s6 =	simm.s32 $0x0;
	s20 =	sshll.u32 s4, $0x1;
	s4 =	sadd.s32 s21, s2  }
0x9d: {  	[timem:s6], [sflag:s22] =	dma.local [hbm:s4], s20  }
0x9e: {  	_ =	swait.ge [sflag:s22], s20  }
0x9f: {  	s3 =	ssub.s32 $0x0, s20;
	[sflag:s22] =	ssyncset.done $0x0  }
0xa0: {  	[sflag:s22] =	ssyncadd.s32 s3;
	_ =	sdelay $0x1  }
0xa1: {  	s23 =	simm.s32 $0x1B8B  }
0xa2: {  	_ =	swait.ge [sflag:s23], $0x1  }
0xa3: {  	[sflag:s23] =	ssyncset.done $0x0  }
0xa4: {  	s25 =	simm.s32 $0x1B8E;
	s24 =	sld [smem:$0x3FFE];
	[sflag:s23] =	ssyncadd.s32 $0xFFFFFFFF  }
0xa5: {  	s26 =	simm.s32 $execute0_lowered;
	[smem:$0x3FD2] =	sst s25  }
0xa6: {  	s4 =	sshll.u32 s26, $0x1;
	_ =	strace $0x8000004C;
	[dreg:$0x1] =	wrdreg $0xFFFFFFFF  }
0xa7: {  	s28 =	simm.s32 $_size_execute0_lowered;
	s2 =	sadd.s32 s2, s4;
	[dreg:$0x0] =	wrdreg $0x0  }
0xa8: {  	s4 =	sshll.u32 s28, $0x1;
	[dreg:$0x2] =	wrdreg s2  }
0xa9: {  	[dreg:$0x3] =	wrdreg s4  }
0xaa: {  	[dreg:$0x4] =	wrdreg $0xC0  }
0xab: {  	_ =	task [dreg:s6], $0x5FFFF  }
0xac: {  	[dreg:$0x1] =	wrdreg $0xFFFFFFFF  }
0xad: {  	[dreg:$0x0] =	wrdreg $0x60  }
0xae: {  	[dreg:$0x2] =	wrdreg s24  }
0xaf: {  	[dreg:$0x3] =	wrdreg $0x9  }
0xb0: {  	_ =	task.clear_ibuf [dreg:s6], $0x4FFFF;
	_ =	strace $0x9000004C  }
0xb1: {  	s29 =	simm.s32 $0x9;
	_ =	strace $0x8000004E  }
0xb2: {  	_ =	swait.ge [sflag:s29], $0x1  }
0xb3: {  	[sflag:s29] =	ssyncadd.s32 $0xFFFFFFFF  }
0xb4: {  	_ =	strace $0x9000004E  }
0xb5: {  	_ =	sfence  }
0xb6: {  	s30 =	sld [smem:$0x0];
	_ =	sdelay $0x2  }
0xb7: {  	s31 =	sshll.u32 s1, $0xD;
	s1 =	sshrl.u32 s1, $0x2  }
0xb8: {  	s3 =	sand.u32 $0x4000, s31;
	s1 =	sadd.s32 s1, s30  }
0xb9: {  	s0 =	sor.u32 s3, s0;
	s1 =	sshll.u32 s1, $0x11  }
0xba: {  	s0 =	sor.u32 s1, s0  }
0xbb: {  	s0 =	sadd.s32 $0x8F2B, s0  }
0xbc: {  	[sflag:s0] =	ssyncadd.remote.s32 $0x1  }
0xbd: {  	_ =	sfence.sel $0xFFFF  }
0xbe: {  	[dreg:$0x0] =	wrdreg $0xFFFFFFFF;
	(pc) =	sbr.abs _section_cstart, $3  }
0xbf: {  	[dreg:$0x1] =	wrdreg $0xFFFFFFFF  }
0xc0: {  	_ =	task.clear_ibuf [dreg:s6], $0x2FFFF;
	_ =	strace $0x9FFFFFFF  }
0xc1: {  	(tm) =	ssettm $0x7FFFFFFF  }
tec
execute0_lowered:
.L_overlay_start_1:
0x0: {  	(tag) =	ssettag $0x1  }
0x1: {  	s0 =	srdreg.scid;
	s8 =	stileid.u32  }
0x2: {  	s4 =	rddreg [dreg:$0x0];
	s2 =	simm.s32 $0x0;
	s28 =	simm.s32 $0xC580  }
0x3: {  	s29 =	simm.s32 $0xED00;
	s30 =	simm.s32 $0x11480;
	s31 =	simm.s32 $0x2  }
0x4: {  	s0 =	sand.u32 $0x1, s0;
	[smem:$0x7FF] =	sst s2;
	s5 =	sadd.s32 $0x3C00, s4  }
0x5: {  	s3 =	sadd.s32 $0x21600, s4;
	s9 =	sadd.s32 $0x2B400, s4;
	s4 =	simm.s32 $0x1  }
0x6: {  	s1 =	sor.u32 s0, s8;
	p1 =	seq.s32 s0, $0x1;
	_ =	strace $0x8000004D  }
0x7: {  	s7 =	ssub.s32 $0x2, s0;
	s12 =	smul.u32 $0x27100, s0;
	p0 =	seq.s32 s1, $0x0  }
0x8: {  	s1 =	simm.s32 $0x1;
	s13 =	sshrl.u32 s7, $0x1;
	p0 =	por !p0, !p1  }
0x9: {  	s7 =	ssub.s32 s7, s13;
	s13 =	smul.u32 $0x9E000, s0;
	p0 =	por !p0, !p0  }
0xa: {  	s0 =	smul.u32 $0x4E20, s0;
	s19 =	sshrl.u32 s12, $0x3;
	s1 =	simm.s32 @!p0 $0x0  }
0xb: {  	s20 =	sadd.s32 s3, s19;
	s6 =	ssub.s32 s8, s1;
	s1 =	sadd.s32 s1, s8  }
0xc: {  	s19 =	simm.s32 $0x400;
	s6 =	sshrl.u32 s6, $0x1;
	s1 =	sshll.u32 s1, $0x9  }
0xd: {  	s0 =	sadd.s32 s3, s0;
	s6 =	smul.u32 $0x13C00, s6;
	s1 =	sand.u32 $0x200, s1  }
0xe: {  	[dreg:$0x6] =	wrdreg s0;
	s0 =	sadd.s32 $0x190, s20;
	s10 =	sor.u32 $0x80, s1  }
0xf: {  	s20 =	simm.s32 $0x2780;
	s14 =	sor.u32 s1, s6;
	s11 =	sor.u32 s10, s6  }
0x10: {  	[dreg:$0x7] =	wrdreg s0;
	s8 =	sshrl.u32 s14, $0x3;
	s15 =	sshrl.u32 s11, $0x3  }
0x11: {  	s14 =	sor.u32 $0x100, s1;
	s11 =	sadd.s32 $0x1900, s12;
	s8 =	sadd.s32 s5, s8  }
0x12: {  	s12 =	sadd.s32 $0x2580, s12;
	[dreg:$0x2] =	wrdreg s8;
	s8 =	sadd.s32 s5, s15  }
0x13: {  	s16 =	sor.u32 s14, s6;
	s15 =	sor.u32 $0x180, s1;
	[dreg:$0x3] =	wrdreg s8  }
0x14: {  	s8 =	sshrl.u32 s16, $0x3;
	s17 =	sor.u32 s15, s6;
	s6 =	sadd.s32 s13, s6  }
0x15: {  	s8 =	sadd.s32 s5, s8;
	s18 =	sshrl.u32 s17, $0x3;
	s1 =	sor.u32 s1, s6  }
0x16: {  	s22 =	sor.u32 s10, s6;
	s23 =	sor.u32 s14, s6;
	s24 =	sor.u32 s15, s6  }
0x17: {  	s17 =	smax.u32 s7, $0x1;
	[dreg:$0x4] =	wrdreg s8;
	s5 =	sadd.s32 s5, s18  }
0x18: {  	s21 =	sshrl.u32 s1, $0x3;
	s0 =	sshrl.u32 s22, $0x3;
	s25 =	sshrl.u32 s23, $0x3  }
.Ltmp0:
0x19: {  	s26 =	sshrl.u32 s24, $0x3;
	s18 =	simm.s32 $0x80;
	(pc) =	sbr.rel .LBB2_1-.Ltmp0, $4  }
0x1a: {  	s22 =	simm.s32 $0x7680;
	s24 =	simm.s32 $0x14880;
	s1 =	simm.s32 $0x4  }
0x1b: {  	[dreg:$0x5] =	wrdreg s5;
	s13 =	sadd.s32 s9, s21;
	s14 =	sadd.s32 s9, s0  }
0x1c: {  	s15 =	sadd.s32 s9, s25;
	s16 =	sadd.s32 s9, s26;
	s21 =	simm.s32 $0x4F00  }
0x1d: {  	v0 =	vimm.f32 $0.0e+00;
	s25 =	simm.s32 $0x3;
	s26 =	simm.s32 $0x9E00;
	s0 =	simm.s32 $0x0  }
.LBB2_10:
0x1e: {  	[hbm4b:s13+s18] =	stream.strided.scatter [tilespmem:s26], [sflag:$0x4], $0x2780, s19, s18, $0x38;
	[tilespmem:$0x15500] =	vst v63  }
0x1f: {  	_ =	swait.ge [sflag:s1], $0x2780  }
0x20: {  	[sflag:s1] =	ssyncset.done $0x0  }
0x21: {  	[sflag:s1] =	ssyncadd.s32 $0xFFFFD880  }
0x22: {  	[hbm4b:s14+s18] =	stream.strided.scatter [tilespmem:s28], [sflag:$0x4], $0x2780, s19, s18, $0x38;
	[tilespmem:$0x15500] =	vst v63  }
0x23: {  	_ =	swait.ge [sflag:s1], $0x2780  }
0x24: {  	[sflag:s1] =	ssyncset.done $0x0  }
0x25: {  	[sflag:s1] =	ssyncadd.s32 $0xFFFFD880  }
0x26: {  	[hbm4b:s15+s18] =	stream.strided.scatter [tilespmem:s29], [sflag:$0x4], $0x2780, s19, s18, $0x38;
	[tilespmem:$0x15500] =	vst v63  }
0x27: {  	s0 =	sadd.s32 $0x1, s0;
	_ =	swait.ge [sflag:s1], $0x2780  }
0x28: {  	p0 =	sne.s32 s0, s17;
	[sflag:s1] =	ssyncset.done $0x0  }
.Ltmp1:
0x29: {  	[sflag:s1] =	ssyncadd.s32 $0xFFFFD880;
	(pc) =	sbr.rel @!p0 .LBB2_11-.Ltmp1, $4  }
0x2a: {  	[hbm4b:s16+s18] =	stream.strided.scatter [tilespmem:s30], [sflag:$0x4], $0x2780, s19, s18, $0x38;
	[tilespmem:$0x15500] =	vst v63  }
0x2b: {  	_ =	swait.ge [sflag:s1], $0x2780  }
0x2c: {  	[sflag:s1] =	ssyncset.done $0x0  }
0x2d: {  	[sflag:s1] =	ssyncadd.s32 $0xFFFFD880  }
.LBB2_1:
0x2e: {  	s5 =	rddreg [dreg:$0x2]  }
0x2f: {  	[tilespmem:s2], [sflag:$0x3] =	stream.strided.gather [hbm4b:s5+s18], $0x2780, s19, s18, $0x38;
	[tilespmem:$0x15500] =	vst v63  }
0x30: {  	s7 =	rddreg [dreg:$0x3]  }
0x31: {  	[tilespmem:s20], [sflag:$0x3] =	stream.strided.gather [hbm4b:s7+s18], $0x2780, s19, s18, $0x38;
	[tilespmem:$0x15500] =	vst v63  }
0x32: {  	s8 =	rddreg [dreg:$0x4]  }
0x33: {  	[tilespmem:s21], [sflag:$0x3] =	stream.strided.gather [hbm4b:s8+s18], $0x2780, s19, s18, $0x38;
	[tilespmem:$0x15500] =	vst v63  }
0x34: {  	s9 =	rddreg [dreg:$0x5]  }
0x35: {  	[tilespmem:s22], [sflag:$0x3] =	stream.strided.gather [hbm4b:s9+s18], $0x2780, s19, s18, $0x38;
	[tilespmem:$0x15500] =	vst v63  }
0x36: {  	s10 =	rddreg [dreg:$0x6];
	s6 =	simm.s32 $0x13C00  }
0x37: {  	[tilespmem:s6], [sflag:$0x1] =	stream.linear.gather [hbm4b:s10+s2], $0xC80, $0x38;
	[tilespmem:$0x15500] =	vst v63  }
0x38: {  	s23 =	rddreg [dreg:$0x7];
	s5 =	simm.s32 $0x9E20  }
0x39: {  	[tilespmem:s24], [sflag:$0x2] =	stream.linear.gather [hbm4b:s23+s2], $0xC80, $0x38;
	[tilespmem:$0x15500] =	vst v63  }
0x3a: {  	[tilespmem:s5+$0x10] =	vst v0  }
0x3b: {  	[tilespmem:s5+$0xFFFFFFF0] =	vst v0  }
0x3c: {  	[tilespmem:s5+$0x0] =	vst v0  }
0x3d: {  	[tilespmem:s5+$0xFFFFFFE0] =	vst v0  }
0x3e: {  	s6 =	simm.s32 $0xC5A0;
	[tilespmem:s5+$0x20] =	vst v0  }
0x3f: {  	[tilespmem:s6+$0xFFFFFFE0] =	vst v0  }
0x40: {  	[tilespmem:s6+$0x20] =	vst v0  }
0x41: {  	[tilespmem:s6+$0x0] =	vst v0  }
0x42: {  	[tilespmem:s6+$0xFFFFFFF0] =	vst v0  }
0x43: {  	s23 =	simm.s32 $0xED20;
	[tilespmem:s6+$0x10] =	vst v0  }
0x44: {  	[tilespmem:s23+$0xFFFFFFE0] =	vst v0  }
0x45: {  	[tilespmem:s23+$0x20] =	vst v0  }
0x46: {  	[tilespmem:s23+$0x0] =	vst v0  }
0x47: {  	s7 =	simm.s32 $0x114A0;
	[tilespmem:s23+$0x10] =	vst v0  }
0x48: {  	[tilespmem:s7+$0xFFFFFFE0] =	vst v0  }
0x49: {  	[tilespmem:s7+$0x20] =	vst v0  }
0x4a: {  	s8 =	simm.s32 $0x0;
	s9 =	simm.s32 $0xED70;
	s10 =	simm.s32 $0x114F0;
	[tilespmem:s7+$0x0] =	vst v0  }
.LBB2_2:
0x4b: {  	s8 =	sadd.s32 $0x50, s8;
	[tilespmem:s7+$0x10] =	vst v0;
	s5 =	sadd.s32 $0x50, s5;
	s6 =	sadd.s32 $0x50, s6  }
0x4c: {  	p0 =	slt.u32 s8, $0x26C0;
	[tilespmem:s23+$0xFFFFFFF0] =	vst v0;
	s23 =	smov.u32 s9  }
0x4d: {  	[tilespmem:s7+$0xFFFFFFF0] =	vst v0;
	s7 =	smov.u32 s10  }
0x4e: {  	[tilespmem:s5+$0x10] =	vst v0  }
0x4f: {  	[tilespmem:s5+$0xFFFFFFF0] =	vst v0  }
0x50: {  	[tilespmem:s5+$0x0] =	vst v0  }
0x51: {  	[tilespmem:s5+$0xFFFFFFE0] =	vst v0  }
0x52: {  	[tilespmem:s6+$0xFFFFFFE0] =	vst v0  }
0x53: {  	[tilespmem:s9+$0xFFFFFFE0] =	vst v0  }
0x54: {  	[tilespmem:s10+$0xFFFFFFE0] =	vst v0  }
0x55: {  	[tilespmem:s5+$0x20] =	vst v0  }
0x56: {  	[tilespmem:s6+$0x20] =	vst v0  }
0x57: {  	[tilespmem:s9+$0x20] =	vst v0  }
0x58: {  	[tilespmem:s10+$0x20] =	vst v0  }
0x59: {  	[tilespmem:s6+$0x0] =	vst v0  }
.Ltmp2:
0x5a: {  	[tilespmem:s9+$0x0] =	vst v0;
	(pc) =	sbr.rel @p0 .LBB2_2-.Ltmp2, $4  }
0x5b: {  	[tilespmem:s6+$0xFFFFFFF0] =	vst v0  }
0x5c: {  	[tilespmem:s10+$0x0] =	vst v0  }
0x5d: {  	[tilespmem:s6+$0x10] =	vst v0  }
0x5e: {  	s9 =	sadd.s32 $0x50, s9;
	s10 =	sadd.s32 $0x50, s10;
	[tilespmem:s23+$0x10] =	vst v0  }
0x5f: {  	[tilespmem:s7+$0x10] =	vst v0  }
0x60: {  	[tilespmem:s23+$0xFFFFFFF0] =	vst v0  }
0x61: {  	[tilespmem:s7+$0xFFFFFFF0] =	vst v0  }
0x62: {  	_ =	swait.ge [sflag:s25], $0x2780  }
0x63: {  	[sflag:s25] =	ssyncset.done $0x0  }
0x64: {  	[sflag:s25] =	ssyncadd.s32 $0xFFFFD880  }
0x65: {  	_ =	swait.ge [sflag:s25], $0x2780  }
0x66: {  	[sflag:s25] =	ssyncset.done $0x0  }
0x67: {  	[sflag:s25] =	ssyncadd.s32 $0xFFFFD880  }
0x68: {  	_ =	swait.ge [sflag:s25], $0x2780  }
0x69: {  	[sflag:s25] =	ssyncset.done $0x0  }
0x6a: {  	[sflag:s25] =	ssyncadd.s32 $0xFFFFD880  }
0x6b: {  	_ =	swait.ge [sflag:s25], $0x2780  }
0x6c: {  	[sflag:s25] =	ssyncset.done $0x0  }
0x6d: {  	s23 =	simm.s32 $0x0;
	[sflag:s25] =	ssyncadd.s32 $0xFFFFD880  }
.LBB2_4:
0x6e: {  	_ =	swait.ge [sflag:s4], $0xC80  }
0x6f: {  	[sflag:s4] =	ssyncset.done $0x0  }
0x70: {  	s5 =	simm.s32 $0x13C40;
	[sflag:s4] =	ssyncadd.s32 $0xFFFFF380  }
0x71: {  	v1 =	vld [tilespmem:s5+$0x30]  }
0x72: {  	v2 =	vld [tilespmem:s5+$0xFFFFFFD0]  }
0x73: {  	v3 =	vld [tilespmem:s5+$0xFFFFFFE0]  }
0x74: {  	v4 =	vld [tilespmem:s5+$0xFFFFFFF0]  }
0x75: {  	v5 =	vld [tilespmem:s5+$0x0]  }
0x76: {  	v6 =	vld [tilespmem:s5+$0x10];
	v7 =	vand.u32 $0xFFFF, v1  }
0x77: {  	v10 =	vld [tilespmem:s5+$0xFFFFFFC0];
	v8 =	vand.u32 $0xFFFF, v2  }
0x78: {  	v12 =	vld [tilespmem:s5+$0x20];
	v9 =	vand.u32 $0xFFFF, v3  }
0x79: {  	v11 =	vand.u32 $0xFFFF, v4  }
0x7a: {  	v13 =	vand.u32 $0xFFFF, v5  }
0x7b: {  	v14 =	vand.u32 $0xFFFF, v6;
	v15 =	vld.idx.msk [tilespmem:v7+s2+$0x0], $0xffff  }
0x7c: {  	v18 =	vand.u32 $0xFFFF, v10;
	v16 =	vld.idx.msk [tilespmem:v8+s2+$0x0], $0xffff  }
0x7d: {  	v17 =	vshrl.u32 v1, $0x10;
	v20 =	vand.u32 $0xFFFF, v12;
	v1 =	vld.idx.msk [tilespmem:v9+s2+$0x0], $0xffff  }
0x7e: {  	v19 =	vld.idx.msk [tilespmem:v11+s2+$0x0], $0xffff  }
0x7f: {  	v22 =	vshrl.u32 v2, $0x10;
	v21 =	vld.idx.msk [tilespmem:v13+s2+$0x0], $0xffff  }
0x80: {  	v3 =	vshrl.u32 v3, $0x10;
	v23 =	vld.idx.msk [tilespmem:v14+s2+$0x0], $0xffff  }
0x81: {  	v4 =	vshrl.u32 v4, $0x10;
	v24 =	vld.idx.msk [tilespmem:v18+s2+$0x0], $0xffff  }
0x82: {  	v10 =	vshrl.u32 v10, $0x10;
	v25 =	vld.idx.msk [tilespmem:v20+s2+$0x0], $0xffff  }
0x83: {  	v5 =	vshrl.u32 v5, $0x10;
	[tilespmem:v17+s26+$0x0] =	vst.idx.add.f32.msk $0xffff, v15  }
0x84: {  	v2 =	vshrl.u32 v12, $0x10;
	[tilespmem:v22+s26+$0x0] =	vst.idx.add.f32.msk $0xffff, v16  }
0x85: {  	[tilespmem:v3+s26+$0x0] =	vst.idx.add.f32.msk $0xffff, v1  }
0x86: {  	[tilespmem:v4+s26+$0x0] =	vst.idx.add.f32.msk $0xffff, v19  }
0x87: {  	[tilespmem:v10+s26+$0x0] =	vst.idx.add.f32.msk $0xffff, v24  }
0x88: {  	[tilespmem:v5+s26+$0x0] =	vst.idx.add.f32.msk $0xffff, v21  }
0x89: {  	[tilespmem:v2+s26+$0x0] =	vst.idx.add.f32.msk $0xffff, v25  }
0x8a: {  	v1 =	vshrl.u32 v6, $0x10;
	v15 =	vld.idx.msk [tilespmem:v7+s20+$0x0], $0xffff  }
0x8b: {  	v53 =	vld.idx.msk [tilespmem:v18+s20+$0x0], $0xffff  }
0x8c: {  	v54 =	vld.idx.msk [tilespmem:v9+s20+$0x0], $0xffff  }
0x8d: {  	v55 =	vld.idx.msk [tilespmem:v11+s20+$0x0], $0xffff  }
0x8e: {  	v56 =	vld.idx.msk [tilespmem:v13+s20+$0x0], $0xffff  }
0x8f: {  	[tilespmem:v1+s26+$0x0] =	vst.idx.add.f32.msk $0xffff, v23  }
0x90: {  	[tilespmem:v17+s28+$0x0] =	vst.idx.add.f32.msk $0xffff, v15  }
0x91: {  	v57 =	vld.idx.msk [tilespmem:v14+s20+$0x0], $0xffff  }
0x92: {  	[tilespmem:v10+s28+$0x0] =	vst.idx.add.f32.msk $0xffff, v53  }
0x93: {  	[tilespmem:v3+s28+$0x0] =	vst.idx.add.f32.msk $0xffff, v54  }
0x94: {  	[tilespmem:v4+s28+$0x0] =	vst.idx.add.f32.msk $0xffff, v55  }
0x95: {  	[tilespmem:v5+s28+$0x0] =	vst.idx.add.f32.msk $0xffff, v56  }
0x96: {  	v6 =	vld.idx.msk [tilespmem:v7+s21+$0x0], $0xffff  }
0x97: {  	v58 =	vld.idx.msk [tilespmem:v9+s21+$0x0], $0xffff  }
0x98: {  	v59 =	vld.idx.msk [tilespmem:v11+s21+$0x0], $0xffff  }
0x99: {  	v60 =	vld.idx.msk [tilespmem:v13+s21+$0x0], $0xffff  }
0x9a: {  	[tilespmem:v1+s28+$0x0] =	vst.idx.add.f32.msk $0xffff, v57  }
0x9b: {  	[tilespmem:v17+s29+$0x0] =	vst.idx.add.f32.msk $0xffff, v6  }
0x9c: {  	v61 =	vld.idx.msk [tilespmem:v14+s21+$0x0], $0xffff  }
0x9d: {  	[tilespmem:v3+s29+$0x0] =	vst.idx.add.f32.msk $0xffff, v58  }
0x9e: {  	[tilespmem:v4+s29+$0x0] =	vst.idx.add.f32.msk $0xffff, v59  }
0x9f: {  	[tilespmem:v5+s29+$0x0] =	vst.idx.add.f32.msk $0xffff, v60  }
0xa0: {  	v6 =	vld.idx.msk [tilespmem:v7+s22+$0x0], $0xffff  }
0xa1: {  	v7 =	vld.idx.msk [tilespmem:v8+s20+$0x0], $0xffff  }
0xa2: {  	v9 =	vld.idx.msk [tilespmem:v9+s22+$0x0], $0xffff  }
0xa3: {  	v11 =	vld.idx.msk [tilespmem:v11+s22+$0x0], $0xffff  }
0xa4: {  	v13 =	vld.idx.msk [tilespmem:v13+s22+$0x0], $0xffff  }
0xa5: {  	[tilespmem:v1+s29+$0x0] =	vst.idx.add.f32.msk $0xffff, v61  }
0xa6: {  	[tilespmem:v17+s30+$0x0] =	vst.idx.add.f32.msk $0xffff, v6  }
0xa7: {  	v6 =	vld.idx.msk [tilespmem:v20+s20+$0x0], $0xffff  }
0xa8: {  	[tilespmem:v22+s28+$0x0] =	vst.idx.add.f32.msk $0xffff, v7  }
0xa9: {  	[tilespmem:v3+s30+$0x0] =	vst.idx.add.f32.msk $0xffff, v9  }
0xaa: {  	[tilespmem:v4+s30+$0x0] =	vst.idx.add.f32.msk $0xffff, v11  }
0xab: {  	v7 =	vld.idx.msk [tilespmem:v8+s21+$0x0], $0xffff  }
0xac: {  	[tilespmem:v2+s28+$0x0] =	vst.idx.add.f32.msk $0xffff, v6  }
0xad: {  	v6 =	vld.idx.msk [tilespmem:v18+s21+$0x0], $0xffff  }
0xae: {  	[tilespmem:v5+s30+$0x0] =	vst.idx.add.f32.msk $0xffff, v13  }
0xaf: {  	v62 =	vld.idx.msk [tilespmem:v20+s21+$0x0], $0xffff  }
0xb0: {  	[tilespmem:v22+s29+$0x0] =	vst.idx.add.f32.msk $0xffff, v7  }
0xb1: {  	v63 =	vld.idx.msk [tilespmem:v8+s22+$0x0], $0xffff  }
0xb2: {  	[tilespmem:v10+s29+$0x0] =	vst.idx.add.f32.msk $0xffff, v6  }
0xb3: {  	v6 =	vld.idx.msk [tilespmem:v18+s22+$0x0], $0xffff  }
0xb4: {  	v8 =	vld.idx.msk [tilespmem:v14+s22+$0x0], $0xffff  }
0xb5: {  	[tilespmem:v2+s29+$0x0] =	vst.idx.add.f32.msk $0xffff, v62  }
0xb6: {  	v7 =	vld.idx.msk [tilespmem:v20+s22+$0x0], $0xffff  }
0xb7: {  	[tilespmem:v22+s30+$0x0] =	vst.idx.add.f32.msk $0xffff, v63  }
0xb8: {  	s6 =	simm.s32 $0x13CC0;
	s5 =	simm.s32 $0x0;
	[tilespmem:v10+s30+$0x0] =	vst.idx.add.f32.msk $0xffff, v6  }
.LBB2_5:
0xb9: {  	v9 =	vld [tilespmem:s6+$0x30];
	s5 =	sadd.s32 $0x80, s5  }
0xba: {  	v4 =	vld [tilespmem:s6+$0xFFFFFFD0];
	p0 =	slt.u32 s5, $0xC00  }
0xbb: {  	v5 =	vld [tilespmem:s6+$0xFFFFFFE0]  }
0xbc: {  	v6 =	vld [tilespmem:s6+$0xFFFFFFF0]  }
0xbd: {  	v10 =	vld [tilespmem:s6+$0x0]  }
0xbe: {  	v11 =	vld [tilespmem:s6+$0x10];
	v12 =	vand.u32 $0xFFFF, v9  }
0xbf: {  	v3 =	vshrl.u32 v4, $0x10;
	v13 =	vand.u32 $0xFFFF, v4;
	v14 =	vld [tilespmem:s6+$0x20]  }
0xc0: {  	v15 =	vld [tilespmem:s6+$0xFFFFFFC0];
	v4 =	vshrl.u32 v5, $0x10;
	v16 =	vand.u32 $0xFFFF, v5  }
0xc1: {  	v5 =	vshrl.u32 v6, $0x10;
	v17 =	vand.u32 $0xFFFF, v6;
	[tilespmem:v1+s30+$0x0] =	vst.idx.add.f32.msk $0xffff, v8  }
0xc2: {  	v6 =	vshrl.u32 v10, $0x10;
	v8 =	vand.u32 $0xFFFF, v10;
	[tilespmem:v2+s30+$0x0] =	vst.idx.add.f32.msk $0xffff, v7  }
0xc3: {  	v1 =	vshrl.u32 v11, $0x10;
	v7 =	vand.u32 $0xFFFF, v11;
	v10 =	vld.idx.msk [tilespmem:v12+s2+$0x0], $0xffff  }
0xc4: {  	v9 =	vshrl.u32 v9, $0x10;
	v11 =	vld.idx.msk [tilespmem:v13+s2+$0x0], $0xffff;
	v2 =	vshrl.u32 v14, $0x10;
	v14 =	vand.u32 $0xFFFF, v14  }
0xc5: {  	v18 =	vshrl.u32 v15, $0x10;
	v15 =	vand.u32 $0xFFFF, v15;
	v19 =	vld.idx.msk [tilespmem:v16+s2+$0x0], $0xffff  }
0xc6: {  	v20 =	vld.idx.msk [tilespmem:v17+s2+$0x0], $0xffff  }
0xc7: {  	v21 =	vld.idx.msk [tilespmem:v8+s2+$0x0], $0xffff  }
0xc8: {  	v22 =	vld.idx.msk [tilespmem:v7+s2+$0x0], $0xffff  }
0xc9: {  	[tilespmem:v9+s26+$0x0] =	vst.idx.add.f32.msk $0xffff, v10  }
0xca: {  	v10 =	vld.idx.msk [tilespmem:v12+s20+$0x0], $0xffff  }
0xcb: {  	v23 =	vld.idx.msk [tilespmem:v15+s2+$0x0], $0xffff  }
0xcc: {  	v24 =	vld.idx.msk [tilespmem:v14+s2+$0x0], $0xffff  }
0xcd: {  	[tilespmem:v3+s26+$0x0] =	vst.idx.add.f32.msk $0xffff, v11  }
0xce: {  	[tilespmem:v4+s26+$0x0] =	vst.idx.add.f32.msk $0xffff, v19  }
0xcf: {  	[tilespmem:v5+s26+$0x0] =	vst.idx.add.f32.msk $0xffff, v20  }
0xd0: {  	[tilespmem:v9+s28+$0x0] =	vst.idx.add.f32.msk $0xffff, v10  }
0xd1: {  	v10 =	vld.idx.msk [tilespmem:v12+s21+$0x0], $0xffff  }
0xd2: {  	[tilespmem:v18+s26+$0x0] =	vst.idx.add.f32.msk $0xffff, v23  }
0xd3: {  	[tilespmem:v6+s26+$0x0] =	vst.idx.add.f32.msk $0xffff, v21  }
0xd4: {  	[tilespmem:v1+s26+$0x0] =	vst.idx.add.f32.msk $0xffff, v22  }
0xd5: {  	[tilespmem:v2+s26+$0x0] =	vst.idx.add.f32.msk $0xffff, v24  }
0xd6: {  	v11 =	vld.idx.msk [tilespmem:v15+s20+$0x0], $0xffff  }
0xd7: {  	[tilespmem:v9+s29+$0x0] =	vst.idx.add.f32.msk $0xffff, v10  }
0xd8: {  	v10 =	vld.idx.msk [tilespmem:v12+s22+$0x0], $0xffff  }
0xd9: {  	v12 =	vld.idx.msk [tilespmem:v13+s20+$0x0], $0xffff  }
0xda: {  	v19 =	vld.idx.msk [tilespmem:v16+s20+$0x0], $0xffff  }
0xdb: {  	v20 =	vld.idx.msk [tilespmem:v17+s20+$0x0], $0xffff  }
0xdc: {  	v21 =	vld.idx.msk [tilespmem:v8+s20+$0x0], $0xffff  }
0xdd: {  	v22 =	vld.idx.msk [tilespmem:v7+s20+$0x0], $0xffff  }
0xde: {  	[tilespmem:v9+s30+$0x0] =	vst.idx.add.f32.msk $0xffff, v10  }
0xdf: {  	v9 =	vld.idx.msk [tilespmem:v14+s20+$0x0], $0xffff  }
0xe0: {  	[tilespmem:v18+s28+$0x0] =	vst.idx.add.f32.msk $0xffff, v11  }
0xe1: {  	[tilespmem:v3+s28+$0x0] =	vst.idx.add.f32.msk $0xffff, v12  }
0xe2: {  	[tilespmem:v4+s28+$0x0] =	vst.idx.add.f32.msk $0xffff, v19  }
0xe3: {  	[tilespmem:v5+s28+$0x0] =	vst.idx.add.f32.msk $0xffff, v20  }
0xe4: {  	[tilespmem:v6+s28+$0x0] =	vst.idx.add.f32.msk $0xffff, v21  }
0xe5: {  	[tilespmem:v1+s28+$0x0] =	vst.idx.add.f32.msk $0xffff, v22  }
0xe6: {  	[tilespmem:v2+s28+$0x0] =	vst.idx.add.f32.msk $0xffff, v9  }
0xe7: {  	v9 =	vld.idx.msk [tilespmem:v15+s21+$0x0], $0xffff  }
0xe8: {  	v10 =	vld.idx.msk [tilespmem:v13+s21+$0x0], $0xffff  }
0xe9: {  	v11 =	vld.idx.msk [tilespmem:v16+s21+$0x0], $0xffff  }
0xea: {  	v12 =	vld.idx.msk [tilespmem:v17+s21+$0x0], $0xffff  }
0xeb: {  	v19 =	vld.idx.msk [tilespmem:v8+s21+$0x0], $0xffff  }
0xec: {  	v20 =	vld.idx.msk [tilespmem:v7+s21+$0x0], $0xffff  }
0xed: {  	v21 =	vld.idx.msk [tilespmem:v14+s21+$0x0], $0xffff  }
0xee: {  	[tilespmem:v18+s29+$0x0] =	vst.idx.add.f32.msk $0xffff, v9  }
0xef: {  	[tilespmem:v3+s29+$0x0] =	vst.idx.add.f32.msk $0xffff, v10  }
0xf0: {  	[tilespmem:v4+s29+$0x0] =	vst.idx.add.f32.msk $0xffff, v11  }
0xf1: {  	[tilespmem:v5+s29+$0x0] =	vst.idx.add.f32.msk $0xffff, v12  }
0xf2: {  	[tilespmem:v6+s29+$0x0] =	vst.idx.add.f32.msk $0xffff, v19  }
0xf3: {  	[tilespmem:v1+s29+$0x0] =	vst.idx.add.f32.msk $0xffff, v20  }
0xf4: {  	[tilespmem:v2+s29+$0x0] =	vst.idx.add.f32.msk $0xffff, v21  }
0xf5: {  	v9 =	vld.idx.msk [tilespmem:v15+s22+$0x0], $0xffff  }
0xf6: {  	v10 =	vld.idx.msk [tilespmem:v13+s22+$0x0], $0xffff  }
0xf7: {  	v11 =	vld.idx.msk [tilespmem:v16+s22+$0x0], $0xffff  }
0xf8: {  	v12 =	vld.idx.msk [tilespmem:v17+s22+$0x0], $0xffff  }
0xf9: {  	v13 =	vld.idx.msk [tilespmem:v8+s22+$0x0], $0xffff  }
0xfa: {  	v8 =	vld.idx.msk [tilespmem:v7+s22+$0x0], $0xffff  }
0xfb: {  	v7 =	vld.idx.msk [tilespmem:v14+s22+$0x0], $0xffff  }
.Ltmp3:
0xfc: {  	[tilespmem:v18+s30+$0x0] =	vst.idx.add.f32.msk $0xffff, v9;
	(pc) =	sbr.rel @p0 .LBB2_5-.Ltmp3, $4  }
0xfd: {  	[tilespmem:v3+s30+$0x0] =	vst.idx.add.f32.msk $0xffff, v10  }
0xfe: {  	[tilespmem:v4+s30+$0x0] =	vst.idx.add.f32.msk $0xffff, v11  }
0xff: {  	[tilespmem:v5+s30+$0x0] =	vst.idx.add.f32.msk $0xffff, v12  }
0x100: {  	s6 =	sadd.s32 $0x80, s6;
	[tilespmem:v6+s30+$0x0] =	vst.idx.add.f32.msk $0xffff, v13  }
0x101: {  	p0 =	seq.s32 s23, $0x18  }
0x102: {  	s5 =	smul.u32 @!p0 $0x1900, s23;
	_ =	sdelay $0x1  }
0x103: {  	s5 =	sadd.s32 @!p0 s5, s11  }
0x104: {  	[tilespmem:v1+s30+$0x0] =	vst.idx.add.f32.msk $0xffff, v8;
	s5 =	sshrl.u32 @!p0 s5, $0x3  }
0x105: {  	[tilespmem:v2+s30+$0x0] =	vst.idx.add.f32.msk $0xffff, v7;
	s6 =	simm.s32 @!p0 $0x0;
	s7 =	simm.s32 @!p0 $0x13C00;
	s5 =	sadd.s32 @!p0 s3, s5  }
0x106: {  	[tilespmem:s7], [sflag:$0x1] =	stream.linear.gather @!p0 [hbm4b:s5+s6], $0xC80, $0x38;
	[tilespmem:$0x15500] =	vst v63  }
0x107: {  	_ =	swait.ge [sflag:s31], $0xC80  }
0x108: {  	[sflag:s31] =	ssyncset.done $0x0  }
0x109: {  	s10 =	simm.s32 $0x148C0;
	[sflag:s31] =	ssyncadd.s32 $0xFFFFF380  }
0x10a: {  	v1 =	vld [tilespmem:s10+$0x30]  }
0x10b: {  	v2 =	vld [tilespmem:s10+$0xFFFFFFD0]  }
0x10c: {  	v3 =	vld [tilespmem:s10+$0xFFFFFFE0]  }
0x10d: {  	v4 =	vld [tilespmem:s10+$0xFFFFFFF0]  }
0x10e: {  	v5 =	vld [tilespmem:s10+$0x0]  }
0x10f: {  	v6 =	vld [tilespmem:s10+$0x10];
	v7 =	vand.u32 $0xFFFF, v1  }
0x110: {  	v10 =	vld [tilespmem:s10+$0xFFFFFFC0];
	v8 =	vand.u32 $0xFFFF, v2  }
0x111: {  	v12 =	vld [tilespmem:s10+$0x20];
	v9 =	vand.u32 $0xFFFF, v3  }
0x112: {  	v11 =	vand.u32 $0xFFFF, v4  }
0x113: {  	v13 =	vand.u32 $0xFFFF, v5  }
0x114: {  	v14 =	vand.u32 $0xFFFF, v6;
	v15 =	vld.idx.msk [tilespmem:v7+s2+$0x0], $0xffff  }
0x115: {  	v18 =	vand.u32 $0xFFFF, v10;
	v16 =	vld.idx.msk [tilespmem:v8+s2+$0x0], $0xffff  }
0x116: {  	v17 =	vshrl.u32 v1, $0x10;
	v20 =	vand.u32 $0xFFFF, v12;
	v1 =	vld.idx.msk [tilespmem:v9+s2+$0x0], $0xffff  }
0x117: {  	v19 =	vld.idx.msk [tilespmem:v11+s2+$0x0], $0xffff  }
0x118: {  	v22 =	vshrl.u32 v2, $0x10;
	v21 =	vld.idx.msk [tilespmem:v13+s2+$0x0], $0xffff  }
0x119: {  	v3 =	vshrl.u32 v3, $0x10;
	v23 =	vld.idx.msk [tilespmem:v14+s2+$0x0], $0xffff  }
0x11a: {  	v4 =	vshrl.u32 v4, $0x10;
	v24 =	vld.idx.msk [tilespmem:v18+s2+$0x0], $0xffff  }
0x11b: {  	v10 =	vshrl.u32 v10, $0x10;
	v25 =	vld.idx.msk [tilespmem:v20+s2+$0x0], $0xffff  }
0x11c: {  	v5 =	vshrl.u32 v5, $0x10;
	[tilespmem:v17+s26+$0x0] =	vst.idx.add.f32.msk $0xffff, v15  }
0x11d: {  	v2 =	vshrl.u32 v12, $0x10;
	[tilespmem:v22+s26+$0x0] =	vst.idx.add.f32.msk $0xffff, v16  }
0x11e: {  	[tilespmem:v3+s26+$0x0] =	vst.idx.add.f32.msk $0xffff, v1  }
0x11f: {  	[tilespmem:v4+s26+$0x0] =	vst.idx.add.f32.msk $0xffff, v19  }
0x120: {  	[tilespmem:v10+s26+$0x0] =	vst.idx.add.f32.msk $0xffff, v24  }
0x121: {  	[tilespmem:v5+s26+$0x0] =	vst.idx.add.f32.msk $0xffff, v21  }
0x122: {  	[tilespmem:v2+s26+$0x0] =	vst.idx.add.f32.msk $0xffff, v25  }
0x123: {  	v1 =	vshrl.u32 v6, $0x10;
	v15 =	vld.idx.msk [tilespmem:v7+s20+$0x0], $0xffff  }
0x124: {  	v53 =	vld.idx.msk [tilespmem:v18+s20+$0x0], $0xffff  }
0x125: {  	v54 =	vld.idx.msk [tilespmem:v9+s20+$0x0], $0xffff  }
0x126: {  	v55 =	vld.idx.msk [tilespmem:v11+s20+$0x0], $0xffff  }
0x127: {  	v56 =	vld.idx.msk [tilespmem:v13+s20+$0x0], $0xffff  }
0x128: {  	[tilespmem:v1+s26+$0x0] =	vst.idx.add.f32.msk $0xffff, v23  }
0x129: {  	[tilespmem:v17+s28+$0x0] =	vst.idx.add.f32.msk $0xffff, v15  }
0x12a: {  	v57 =	vld.idx.msk [tilespmem:v14+s20+$0x0], $0xffff  }
0x12b: {  	[tilespmem:v10+s28+$0x0] =	vst.idx.add.f32.msk $0xffff, v53  }
0x12c: {  	[tilespmem:v3+s28+$0x0] =	vst.idx.add.f32.msk $0xffff, v54  }
0x12d: {  	[tilespmem:v4+s28+$0x0] =	vst.idx.add.f32.msk $0xffff, v55  }
0x12e: {  	[tilespmem:v5+s28+$0x0] =	vst.idx.add.f32.msk $0xffff, v56  }
0x12f: {  	v6 =	vld.idx.msk [tilespmem:v7+s21+$0x0], $0xffff  }
0x130: {  	v58 =	vld.idx.msk [tilespmem:v9+s21+$0x0], $0xffff  }
0x131: {  	v59 =	vld.idx.msk [tilespmem:v11+s21+$0x0], $0xffff  }
0x132: {  	v60 =	vld.idx.msk [tilespmem:v13+s21+$0x0], $0xffff  }
0x133: {  	[tilespmem:v1+s28+$0x0] =	vst.idx.add.f32.msk $0xffff, v57  }
0x134: {  	[tilespmem:v17+s29+$0x0] =	vst.idx.add.f32.msk $0xffff, v6  }
0x135: {  	v61 =	vld.idx.msk [tilespmem:v14+s21+$0x0], $0xffff  }
0x136: {  	[tilespmem:v3+s29+$0x0] =	vst.idx.add.f32.msk $0xffff, v58  }
0x137: {  	[tilespmem:v4+s29+$0x0] =	vst.idx.add.f32.msk $0xffff, v59  }
0x138: {  	[tilespmem:v5+s29+$0x0] =	vst.idx.add.f32.msk $0xffff, v60  }
0x139: {  	v6 =	vld.idx.msk [tilespmem:v7+s22+$0x0], $0xffff  }
0x13a: {  	v7 =	vld.idx.msk [tilespmem:v8+s20+$0x0], $0xffff  }
0x13b: {  	v9 =	vld.idx.msk [tilespmem:v9+s22+$0x0], $0xffff  }
0x13c: {  	v11 =	vld.idx.msk [tilespmem:v11+s22+$0x0], $0xffff  }
0x13d: {  	v13 =	vld.idx.msk [tilespmem:v13+s22+$0x0], $0xffff  }
0x13e: {  	[tilespmem:v1+s29+$0x0] =	vst.idx.add.f32.msk $0xffff, v61  }
0x13f: {  	[tilespmem:v17+s30+$0x0] =	vst.idx.add.f32.msk $0xffff, v6  }
0x140: {  	v6 =	vld.idx.msk [tilespmem:v20+s20+$0x0], $0xffff  }
0x141: {  	[tilespmem:v22+s28+$0x0] =	vst.idx.add.f32.msk $0xffff, v7  }
0x142: {  	[tilespmem:v3+s30+$0x0] =	vst.idx.add.f32.msk $0xffff, v9  }
0x143: {  	[tilespmem:v4+s30+$0x0] =	vst.idx.add.f32.msk $0xffff, v11  }
0x144: {  	v7 =	vld.idx.msk [tilespmem:v8+s21+$0x0], $0xffff  }
0x145: {  	[tilespmem:v2+s28+$0x0] =	vst.idx.add.f32.msk $0xffff, v6  }
0x146: {  	v6 =	vld.idx.msk [tilespmem:v18+s21+$0x0], $0xffff  }
0x147: {  	[tilespmem:v5+s30+$0x0] =	vst.idx.add.f32.msk $0xffff, v13  }
0x148: {  	v62 =	vld.idx.msk [tilespmem:v20+s21+$0x0], $0xffff  }
0x149: {  	[tilespmem:v22+s29+$0x0] =	vst.idx.add.f32.msk $0xffff, v7  }
0x14a: {  	v63 =	vld.idx.msk [tilespmem:v8+s22+$0x0], $0xffff  }
0x14b: {  	[tilespmem:v10+s29+$0x0] =	vst.idx.add.f32.msk $0xffff, v6  }
0x14c: {  	v6 =	vld.idx.msk [tilespmem:v18+s22+$0x0], $0xffff  }
0x14d: {  	v8 =	vld.idx.msk [tilespmem:v14+s22+$0x0], $0xffff  }
0x14e: {  	[tilespmem:v2+s29+$0x0] =	vst.idx.add.f32.msk $0xffff, v62  }
0x14f: {  	v7 =	vld.idx.msk [tilespmem:v20+s22+$0x0], $0xffff  }
0x150: {  	[tilespmem:v22+s30+$0x0] =	vst.idx.add.f32.msk $0xffff, v63  }
0x151: {  	s5 =	simm.s32 $0x0;
	s6 =	simm.s32 $0x14940;
	[tilespmem:v10+s30+$0x0] =	vst.idx.add.f32.msk $0xffff, v6  }
.LBB2_7:
0x152: {  	v9 =	vld [tilespmem:s6+$0x30];
	s5 =	sadd.s32 $0x80, s5  }
0x153: {  	v4 =	vld [tilespmem:s6+$0xFFFFFFD0];
	p1 =	slt.u32 s5, $0xC00  }
0x154: {  	v5 =	vld [tilespmem:s6+$0xFFFFFFE0]  }
0x155: {  	v6 =	vld [tilespmem:s6+$0xFFFFFFF0]  }
0x156: {  	v10 =	vld [tilespmem:s6+$0x0]  }
0x157: {  	v11 =	vld [tilespmem:s6+$0x10];
	v12 =	vand.u32 $0xFFFF, v9  }
0x158: {  	v3 =	vshrl.u32 v4, $0x10;
	v13 =	vand.u32 $0xFFFF, v4;
	v14 =	vld [tilespmem:s6+$0x20]  }
0x159: {  	v15 =	vld [tilespmem:s6+$0xFFFFFFC0];
	v4 =	vshrl.u32 v5, $0x10;
	v16 =	vand.u32 $0xFFFF, v5  }
0x15a: {  	v5 =	vshrl.u32 v6, $0x10;
	v17 =	vand.u32 $0xFFFF, v6;
	[tilespmem:v1+s30+$0x0] =	vst.idx.add.f32.msk $0xffff, v8  }
0x15b: {  	v6 =	vshrl.u32 v10, $0x10;
	v8 =	vand.u32 $0xFFFF, v10;
	[tilespmem:v2+s30+$0x0] =	vst.idx.add.f32.msk $0xffff, v7  }
0x15c: {  	v1 =	vshrl.u32 v11, $0x10;
	v7 =	vand.u32 $0xFFFF, v11;
	v10 =	vld.idx.msk [tilespmem:v12+s2+$0x0], $0xffff  }
0x15d: {  	v9 =	vshrl.u32 v9, $0x10;
	v11 =	vld.idx.msk [tilespmem:v13+s2+$0x0], $0xffff;
	v2 =	vshrl.u32 v14, $0x10;
	v14 =	vand.u32 $0xFFFF, v14  }
0x15e: {  	v18 =	vshrl.u32 v15, $0x10;
	v15 =	vand.u32 $0xFFFF, v15;
	v19 =	vld.idx.msk [tilespmem:v16+s2+$0x0], $0xffff  }
0x15f: {  	v20 =	vld.idx.msk [tilespmem:v17+s2+$0x0], $0xffff  }
0x160: {  	v21 =	vld.idx.msk [tilespmem:v8+s2+$0x0], $0xffff  }
0x161: {  	v22 =	vld.idx.msk [tilespmem:v7+s2+$0x0], $0xffff  }
0x162: {  	[tilespmem:v9+s26+$0x0] =	vst.idx.add.f32.msk $0xffff, v10  }
0x163: {  	v10 =	vld.idx.msk [tilespmem:v12+s20+$0x0], $0xffff  }
0x164: {  	v23 =	vld.idx.msk [tilespmem:v15+s2+$0x0], $0xffff  }
0x165: {  	v24 =	vld.idx.msk [tilespmem:v14+s2+$0x0], $0xffff  }
0x166: {  	[tilespmem:v3+s26+$0x0] =	vst.idx.add.f32.msk $0xffff, v11  }
0x167: {  	[tilespmem:v4+s26+$0x0] =	vst.idx.add.f32.msk $0xffff, v19  }
0x168: {  	[tilespmem:v5+s26+$0x0] =	vst.idx.add.f32.msk $0xffff, v20  }
0x169: {  	[tilespmem:v9+s28+$0x0] =	vst.idx.add.f32.msk $0xffff, v10  }
0x16a: {  	v10 =	vld.idx.msk [tilespmem:v12+s21+$0x0], $0xffff  }
0x16b: {  	[tilespmem:v18+s26+$0x0] =	vst.idx.add.f32.msk $0xffff, v23  }
0x16c: {  	[tilespmem:v6+s26+$0x0] =	vst.idx.add.f32.msk $0xffff, v21  }
0x16d: {  	[tilespmem:v1+s26+$0x0] =	vst.idx.add.f32.msk $0xffff, v22  }
0x16e: {  	[tilespmem:v2+s26+$0x0] =	vst.idx.add.f32.msk $0xffff, v24  }
0x16f: {  	v11 =	vld.idx.msk [tilespmem:v15+s20+$0x0], $0xffff  }
0x170: {  	[tilespmem:v9+s29+$0x0] =	vst.idx.add.f32.msk $0xffff, v10  }
0x171: {  	v10 =	vld.idx.msk [tilespmem:v12+s22+$0x0], $0xffff  }
0x172: {  	v12 =	vld.idx.msk [tilespmem:v13+s20+$0x0], $0xffff  }
0x173: {  	v19 =	vld.idx.msk [tilespmem:v16+s20+$0x0], $0xffff  }
0x174: {  	v20 =	vld.idx.msk [tilespmem:v17+s20+$0x0], $0xffff  }
0x175: {  	v21 =	vld.idx.msk [tilespmem:v8+s20+$0x0], $0xffff  }
0x176: {  	v22 =	vld.idx.msk [tilespmem:v7+s20+$0x0], $0xffff  }
0x177: {  	[tilespmem:v9+s30+$0x0] =	vst.idx.add.f32.msk $0xffff, v10  }
0x178: {  	v9 =	vld.idx.msk [tilespmem:v14+s20+$0x0], $0xffff  }
0x179: {  	[tilespmem:v18+s28+$0x0] =	vst.idx.add.f32.msk $0xffff, v11  }
0x17a: {  	[tilespmem:v3+s28+$0x0] =	vst.idx.add.f32.msk $0xffff, v12  }
0x17b: {  	[tilespmem:v4+s28+$0x0] =	vst.idx.add.f32.msk $0xffff, v19  }
0x17c: {  	[tilespmem:v5+s28+$0x0] =	vst.idx.add.f32.msk $0xffff, v20  }
0x17d: {  	[tilespmem:v6+s28+$0x0] =	vst.idx.add.f32.msk $0xffff, v21  }
0x17e: {  	[tilespmem:v1+s28+$0x0] =	vst.idx.add.f32.msk $0xffff, v22  }
0x17f: {  	[tilespmem:v2+s28+$0x0] =	vst.idx.add.f32.msk $0xffff, v9  }
0x180: {  	v9 =	vld.idx.msk [tilespmem:v15+s21+$0x0], $0xffff  }
0x181: {  	v10 =	vld.idx.msk [tilespmem:v13+s21+$0x0], $0xffff  }
0x182: {  	v11 =	vld.idx.msk [tilespmem:v16+s21+$0x0], $0xffff  }
0x183: {  	v12 =	vld.idx.msk [tilespmem:v17+s21+$0x0], $0xffff  }
0x184: {  	v19 =	vld.idx.msk [tilespmem:v8+s21+$0x0], $0xffff  }
0x185: {  	v20 =	vld.idx.msk [tilespmem:v7+s21+$0x0], $0xffff  }
0x186: {  	v21 =	vld.idx.msk [tilespmem:v14+s21+$0x0], $0xffff  }
0x187: {  	[tilespmem:v18+s29+$0x0] =	vst.idx.add.f32.msk $0xffff, v9  }
0x188: {  	[tilespmem:v3+s29+$0x0] =	vst.idx.add.f32.msk $0xffff, v10  }
0x189: {  	[tilespmem:v4+s29+$0x0] =	vst.idx.add.f32.msk $0xffff, v11  }
0x18a: {  	[tilespmem:v5+s29+$0x0] =	vst.idx.add.f32.msk $0xffff, v12  }
0x18b: {  	[tilespmem:v6+s29+$0x0] =	vst.idx.add.f32.msk $0xffff, v19  }
0x18c: {  	[tilespmem:v1+s29+$0x0] =	vst.idx.add.f32.msk $0xffff, v20  }
0x18d: {  	[tilespmem:v2+s29+$0x0] =	vst.idx.add.f32.msk $0xffff, v21  }
0x18e: {  	v9 =	vld.idx.msk [tilespmem:v15+s22+$0x0], $0xffff  }
0x18f: {  	v10 =	vld.idx.msk [tilespmem:v13+s22+$0x0], $0xffff  }
0x190: {  	v11 =	vld.idx.msk [tilespmem:v16+s22+$0x0], $0xffff  }
0x191: {  	v12 =	vld.idx.msk [tilespmem:v17+s22+$0x0], $0xffff  }
0x192: {  	v13 =	vld.idx.msk [tilespmem:v8+s22+$0x0], $0xffff  }
0x193: {  	v8 =	vld.idx.msk [tilespmem:v7+s22+$0x0], $0xffff  }
0x194: {  	v7 =	vld.idx.msk [tilespmem:v14+s22+$0x0], $0xffff  }
.Ltmp4:
0x195: {  	[tilespmem:v18+s30+$0x0] =	vst.idx.add.f32.msk $0xffff, v9;
	(pc) =	sbr.rel @p1 .LBB2_7-.Ltmp4, $4  }
0x196: {  	[tilespmem:v3+s30+$0x0] =	vst.idx.add.f32.msk $0xffff, v10  }
0x197: {  	[tilespmem:v4+s30+$0x0] =	vst.idx.add.f32.msk $0xffff, v11  }
0x198: {  	[tilespmem:v5+s30+$0x0] =	vst.idx.add.f32.msk $0xffff, v12  }
0x199: {  	s6 =	sadd.s32 $0x80, s6;
	[tilespmem:v6+s30+$0x0] =	vst.idx.add.f32.msk $0xffff, v13  }
0x19a: {  	_ = 	snop  }
.Ltmp5:
0x19b: {  	_ = 	snop;
	(pc) =	sbr.rel @p0 .LBB2_10-.Ltmp5, $3  }
0x19c: {  	_ =	sdelay $0x1  }
0x19d: {  	[tilespmem:v1+s30+$0x0] =	vst.idx.add.f32.msk $0xffff, v8  }
0x19e: {  	[tilespmem:v2+s30+$0x0] =	vst.idx.add.f32.msk $0xffff, v7  }
0x19f: {  	s5 =	smul.u32 $0x1900, s23  }
.Ltmp6:
0x1a0: {  	_ = 	snop;
	(pc) =	sbr.rel .LBB2_4-.Ltmp6, $4  }
0x1a1: {  	s5 =	sadd.s32 s5, s12  }
0x1a2: {  	s5 =	sshrl.u32 s5, $0x3  }
0x1a3: {  	s23 =	sadd.s32 $0x1, s23;
	s5 =	sadd.s32 s3, s5  }
0x1a4: {  	[tilespmem:s24], [sflag:$0x2] =	stream.linear.gather [hbm4b:s5+s2], $0xC80, $0x38;
	[tilespmem:$0x15500] =	vst v63  }
.LBB2_11:
0x1a5: {  	_ =	sfence.sel $0x180000  }
0x1a6: {  	[bflag:$0x0] =	sbarrier.arrive $0xFFFF  }
0x1a7: {  	_ =	strace $0x9000004D  }
0x1a8: {  	s0 =	stileid.u32;
	[bflag:$0x2] =	sbarrier.arrive $0xFFFF  }
0x1a9: {  	p0 =	sne.s32 s0, $0x0;
	s0 =	rddreg [dreg:$0x1]  }
0x1aa: {  	s0 =	sadd.s32 @!p0 $0x100000, s0  }
0x1ab: {  	[sflag:s0] =	ssyncadd.tile.s32 @!p0 $0x1;
	_ =	shalt  }
.Lfunc_end2:
_tile_overlayer_lowered:
.L_overlay_start_2:
0x1ac: {  	(tag) =	ssettag $0x2  }
0x1ad: {  	s0 =	rddreg [dreg:$0x0];
	s2 =	stileid.u32  }
0x1ae: {  	s1 =	rddreg [dreg:$0x1];
	p0 =	sne.s32 s2, $0x0  }
0x1af: {  	s3 =	rddreg [dreg:$0x2];
	[bflag:$0x3] =	sbarrier.arrive $0xFFFF;
	s2 =	simm.s32 @!p0 $0x1C04  }
0x1b0: {  	[timem:s3], [sflag:s2] =	dma.local @!p0 [hbm:s0], s1  }
0x1b1: {  	s0 =	simm.s32 @!p0 $0x4  }
0x1b2: {  	_ =	swait.ge @!p0 [sflag:s0], s1  }
0x1b3: {  	s1 =	ssub.s32 @!p0 $0x0, s1;
	[sflag:s0] =	ssyncset.done @!p0 $0x0  }
0x1b4: {  	[sflag:s0] =	ssyncadd.s32 @!p0 s1  }
0x1b5: {  	[bflag:$0x3] =	sbarrier.arrive $0xFFFF  }
0x1b6: {  	_ =	shalt  }

// kernel: kernel.19.cloned.1.call-start
scs
__scs_entry_jumppad:
0x0: {  	(pc) =	sbr.rel $0x88, $3  }
0x1: {  	(tag) =	ssettag $0x0;
	lr =	simm.s32 $0x1  }
0x2: {  	[smem:$0x3F96] =	sst lr;
	_ =	strace $0xD0000000  }
0x3: {  	_ = 	snop  }
0x4: {  	_ = 	snop  }
0x5: {  	_ = 	snop  }
0x6: {  	_ = 	snop  }
0x7: {  	_ = 	snop  }
__scs_overlays_trampoline_lowered:
0x8: {  	[smem:$0x3FA5] =	sst s0  }
0x9: {  	[smem:$0x3FA6] =	sst s1  }
0xa: {  	[smem:$0x3FA7] =	sst s2  }
0xb: {  	[smem:$0x3FA8] =	sst s3  }
0xc: {  	[smem:$0x3FA9] =	sst s4  }
0xd: {  	[smem:$0x3FAA] =	sst s5  }
0xe: {  	[smem:$0x3FAB] =	sst s6  }
0xf: {  	[smem:$0x3FAC] =	sst s7  }
0x10: {  	[smem:$0x3FAD] =	sst s8  }
0x11: {  	[smem:$0x3FAE] =	sst s9;
	s0 =	simm.s32 @!p0 $0x0  }
0x12: {  	s1 =	sld [smem:$0x3F94];
	s0 =	simm.s32 @p0 $0x1  }
0x13: {  	[smem:$0x3FAF] =	sst s0;
	s0 =	simm.s32 @!p1 $0x0  }
0x14: {  	s2 =	sld [smem:$0x3F93];
	s0 =	simm.s32 @p1 $0x1  }
0x15: {  	[smem:$0x3FB0] =	sst s0;
	s0 =	simm.s32 @!p2 $0x0  }
0x16: {  	s3 =	sld [smem:$0x3FDB];
	s0 =	simm.s32 @p2 $0x1  }
0x17: {  	s4 =	simm.s32 $0x1BF5;
	[smem:$0x3FB2] =	sst s0  }
0x18: {  	s0 =	sld [smem:$0x3F95];
	_ =	swait.ge [sflag:s4], $0x0  }
0x19: {  	s7 =	sld [smem:$0x3F96]  }
0x1a: {  	s8 =	sadd.s32 $0xFFFFE003, lr  }
0x1b: {  	s9 =	sadd.s32 $0xFFFFFEF7, lr;
	s5 =	simm.s32 $0xFFFFFFFF;
	p2 =	slt.u32 s8, $0xFFFFF086  }
0x1c: {  	p1 =	slt.u32 s9, $0xF7A;
	s5 =	simm.s32 @!p2 $0x0  }
0x1d: {  	s5 =	simm.s32 @p1 $0x1;
	p0 =	seq.s32 s7, s2  }
0x1e: {  	s7 =	smul.u32 @!p0 $0xF7A, s2;
	p2 =	seq.s32 @!p0 s5, $0x0  }
0x1f: {  	s9 =	smul.u32 $0xF7A, s1;
	s8 =	simm.s32 @!p0 $0x1BF5;
	p2 =	por !p2, p0  }
0x20: {  	[sflag:s8] =	ssyncset.s32 @!p0 $0xFFFFF086;
	s6 =	sadd.s32 @!p0 s3, s7;
	s7 =	simm.s32 @!p0 $0x108  }
0x21: {  	s3 =	sadd.s32 s3, s9;
	s6 =	sadd.s32 @!p0 $0x88, s6;
	s7 =	simm.s32 @p2 $0x1082  }
0x22: {  	[simem:s7], [sflag:s8] =	dma.local @!p0 [hbm:s6], $0xF7A  }
0x23: {  	s9 =	sor.u32 $0xD0000000, s2;
	s6 =	simm.s32 $0x108;
	_ =	swait.ge @!p0 [sflag:s8], $0x0  }
0x24: {  	s3 =	sadd.s32 $0x88, s3;
	s6 =	simm.s32 @!p1 $0x1082;
	[sflag:s4] =	ssyncset.s32 $0xFFFFF086  }
0x25: {  	[simem:s6], [sflag:s4] =	dma.local [hbm:s3], $0xF7A  }
0x26: {  	[smem:$0x3F96] =	sst s1;
	(tag) =	ssettag s2;
	_ =	strace s9  }
0x27: {  	s1 =	sld [smem:$0x3FA6]  }
0x28: {  	s2 =	sld [smem:$0x3FA7]  }
0x29: {  	s4 =	sld [smem:$0x3FA9]  }
0x2a: {  	p0 =	seq.s32 s5, $0x0;
	s5 =	sld [smem:$0x3FAA]  }
0x2b: {  	s6 =	sld [smem:$0x3FAB]  }
0x2c: {  	s7 =	sld [smem:$0x3FAC]  }
0x2d: {  	s3 =	simm.s32 $0x108;
	s8 =	sld [smem:$0x3FAD]  }
0x2e: {  	s3 =	simm.s32 @!p0 $0x1082;
	s9 =	sld [smem:$0x3FAE]  }
0x2f: {  	lr =	sadd.s32 s0, s3;
	s0 =	sld [smem:$0x3FA5]  }
0x30: {  	s3 =	sld [smem:$0x3FA8]  }
0x31: {  	[smem:$0x3FB1] =	sst s10  }
0x32: {  	s10 =	sld [smem:$0x3FAF];
	_ =	sdelay $0x3  }
0x33: {  	p0 =	seq.s32 s10, $0x1;
	s10 =	sld [smem:$0x3FB1];
	_ =	sdelay $0x3  }
0x34: {  	[smem:$0x3FB1] =	sst s10  }
0x35: {  	s10 =	sld [smem:$0x3FB0];
	_ =	sdelay $0x3  }
0x36: {  	p1 =	seq.s32 s10, $0x1;
	s10 =	sld [smem:$0x3FB1];
	_ =	sdelay $0x3  }
0x37: {  	[smem:$0x3FB1] =	sst s10  }
0x38: {  	s10 =	sld [smem:$0x3FB2]  }
0x39: {  	_ = 	snop;
	(pc) =	sbr.ind lr, $3  }
0x3a: {  	_ = 	snop  }
0x3b: {  	_ = 	snop  }
0x3c: {  	p2 =	seq.s32 s10, $0x1;
	s10 =	sld [smem:$0x3FB1]  }
0x3d: {  	_ =	shalt  }
0x3e: {  	_ =	shalt  }
0x3f: {  	_ =	shalt  }
0x40: {  	_ =	shalt  }
0x41: {  	_ =	shalt  }
0x42: {  	_ =	shalt  }
0x43: {  	_ =	shalt  }
0x44: {  	_ =	shalt  }
0x45: {  	_ =	shalt  }
0x46: {  	_ =	shalt  }
0x47: {  	_ =	shalt  }
0x48: {  	_ =	shalt  }
0x49: {  	_ =	shalt  }
0x4a: {  	_ =	shalt  }
0x4b: {  	_ =	shalt  }
0x4c: {  	_ =	shalt  }
0x4d: {  	_ =	shalt  }
0x4e: {  	_ =	shalt  }
0x4f: {  	_ =	shalt  }
0x50: {  	_ =	shalt  }
0x51: {  	_ =	shalt  }
0x52: {  	_ =	shalt  }
0x53: {  	_ =	shalt  }
0x54: {  	_ =	shalt  }
0x55: {  	_ =	shalt  }
0x56: {  	_ =	shalt  }
0x57: {  	_ =	shalt  }
0x58: {  	_ =	shalt  }
0x59: {  	_ =	shalt  }
0x5a: {  	_ =	shalt  }
0x5b: {  	_ =	shalt  }
0x5c: {  	_ =	shalt  }
0x5d: {  	_ =	shalt  }
0x5e: {  	_ =	shalt  }
0x5f: {  	_ =	shalt  }
0x60: {  	_ =	shalt  }
0x61: {  	_ =	shalt  }
0x62: {  	_ =	shalt  }
0x63: {  	_ =	shalt  }
0x64: {  	_ =	shalt  }
0x65: {  	_ =	shalt  }
0x66: {  	_ =	shalt  }
0x67: {  	_ =	shalt  }
0x68: {  	_ =	shalt  }
0x69: {  	_ =	shalt  }
0x6a: {  	_ =	shalt  }
0x6b: {  	_ =	shalt  }
0x6c: {  	_ =	shalt  }
0x6d: {  	_ =	shalt  }
0x6e: {  	_ =	shalt  }
0x6f: {  	_ =	shalt  }
0x70: {  	_ =	shalt  }
0x71: {  	_ =	shalt  }
0x72: {  	_ =	shalt  }
0x73: {  	_ =	shalt  }
0x74: {  	_ =	shalt  }
0x75: {  	_ =	shalt  }
0x76: {  	_ =	shalt  }
0x77: {  	_ =	shalt  }
0x78: {  	_ =	shalt  }
0x79: {  	_ =	shalt  }
0x7a: {  	_ =	shalt  }
0x7b: {  	_ =	shalt  }
0x7c: {  	_ =	shalt  }
0x7d: {  	_ =	shalt  }
0x7e: {  	_ =	shalt  }
0x7f: {  	_ =	shalt  }
0x80: {  	_ =	shalt  }
0x81: {  	_ =	shalt  }
0x82: {  	_ =	shalt  }
0x83: {  	_ =	shalt  }
0x84: {  	_ =	shalt  }
0x85: {  	_ =	shalt  }
0x86: {  	_ =	shalt  }
0x87: {  	_ =	shalt  }
.Lfunc_end0:
.L_simem_size_0:
called_computation.3_lowered:
.L_overlay_start_0:
0x88: {  	s2 =	sld [smem:$0x3FD9]  }
0x89: {  	s3 =	sld [smem:$0x3FFE];
	_ =	sdelay $0x1  }
0x8a: {  	s1 =	srdreg.scid  }
0x8b: {  	s0 =	sand.u32 $0x1, s1  }
0x8c: {  	s16 =	sshll.u32 s0, $0xA;
	s2 =	sadd.s32 s3, s2  }
0x8d: {  	s2 =	sadd.s32 s2, s16  }
0x8e: {  	[smem:$0x3FBD] =	sst s2  }
0x8f: {  	_ = 	snop  }
0x90: {  	(tm) =	ssettm $0x1  }
0x91: {  	s17 =	sld [smem:$0x3FFB];
	_ =	sdelay $0x3  }
0x92: {  	_ =	strace s17  }
0x93: {  	s2 =	sld [smem:$0x3FFC];
	_ =	sdelay $0x3  }
0x94: {  	_ =	strace s2  }
0x95: {  	s2 =	sld [smem:$0x3FFD];
	_ =	sdelay $0x3  }
0x96: {  	_ =	strace s2  }
0x97: {  	_ =	strace $0x8FFFFFFF  }
0x98: {  	s18 =	sld [smem:$0x3FDB];
	_ =	sdelay $0x1  }
0x99: {  	s19 =	simm.s32 $_scs_section_size  }
0x9a: {  	s4 =	simm.s32 $_size__tile_overlayer_lowered;
	s5 =	simm.s32 $_tile_overlayer_lowered  }
0x9b: {  	s22 =	simm.s32 $0x1BFF;
	s21 =	sshll.u32 s5, $0x1;
	s2 =	sadd.s32 s19, s18  }
0x9c: {  	s6 =	simm.s32 $0x0;
	s20 =	sshll.u32 s4, $0x1;
	s4 =	sadd.s32 s21, s2  }
0x9d: {  	[timem:s6], [sflag:s22] =	dma.local [hbm:s4], s20  }
0x9e: {  	_ =	swait.ge [sflag:s22], s20  }
0x9f: {  	s3 =	ssub.s32 $0x0, s20;
	[sflag:s22] =	ssyncset.done $0x0  }
0xa0: {  	[sflag:s22] =	ssyncadd.s32 s3;
	_ =	sdelay $0x1  }
0xa1: {  	s23 =	simm.s32 $0x1B8B  }
0xa2: {  	_ =	swait.ge [sflag:s23], $0x1  }
0xa3: {  	[sflag:s23] =	ssyncset.done $0x0  }
0xa4: {  	s25 =	simm.s32 $0x1B8E;
	s24 =	sld [smem:$0x3FFE];
	[sflag:s23] =	ssyncadd.s32 $0xFFFFFFFF  }
0xa5: {  	s26 =	simm.s32 $execute0_lowered;
	[smem:$0x3FD2] =	sst s25  }
0xa6: {  	s4 =	sshll.u32 s26, $0x1;
	_ =	strace $0x8000004F;
	[dreg:$0x1] =	wrdreg $0xFFFFFFFF  }
0xa7: {  	s28 =	simm.s32 $_size_execute0_lowered;
	s2 =	sadd.s32 s2, s4;
	[dreg:$0x0] =	wrdreg $0x0  }
0xa8: {  	s4 =	sshll.u32 s28, $0x1;
	[dreg:$0x2] =	wrdreg s2  }
0xa9: {  	[dreg:$0x3] =	wrdreg s4  }
0xaa: {  	[dreg:$0x4] =	wrdreg $0xC0  }
0xab: {  	_ =	task [dreg:s6], $0x5FFFF  }
0xac: {  	[dreg:$0x1] =	wrdreg $0xFFFFFFFF  }
0xad: {  	[dreg:$0x0] =	wrdreg $0x60  }
0xae: {  	[dreg:$0x2] =	wrdreg s24  }
0xaf: {  	[dreg:$0x3] =	wrdreg $0x9  }
0xb0: {  	_ =	task.clear_ibuf [dreg:s6], $0x4FFFF;
	_ =	strace $0x9000004F  }
0xb1: {  	s29 =	simm.s32 $0x9;
	_ =	strace $0x80000051  }
0xb2: {  	_ =	swait.ge [sflag:s29], $0x1  }
0xb3: {  	[sflag:s29] =	ssyncadd.s32 $0xFFFFFFFF  }
0xb4: {  	_ =	strace $0x90000051  }
0xb5: {  	_ =	sfence  }
0xb6: {  	s30 =	sld [smem:$0x0];
	_ =	sdelay $0x2  }
0xb7: {  	s31 =	sshll.u32 s1, $0xD;
	s1 =	sshrl.u32 s1, $0x2  }
0xb8: {  	s3 =	sand.u32 $0x4000, s31;
	s1 =	sadd.s32 s1, s30  }
0xb9: {  	s0 =	sor.u32 s3, s0;
	s1 =	sshll.u32 s1, $0x11  }
0xba: {  	s0 =	sor.u32 s1, s0  }
0xbb: {  	s0 =	sadd.s32 $0x8F2B, s0  }
0xbc: {  	[sflag:s0] =	ssyncadd.remote.s32 $0x1  }
0xbd: {  	_ =	sfence.sel $0xFFFF  }
0xbe: {  	[dreg:$0x0] =	wrdreg $0xFFFFFFFF;
	(pc) =	sbr.abs _section_cstart, $3  }
0xbf: {  	[dreg:$0x1] =	wrdreg $0xFFFFFFFF  }
0xc0: {  	_ =	task.clear_ibuf [dreg:s6], $0x2FFFF;
	_ =	strace $0x9FFFFFFF  }
0xc1: {  	(tm) =	ssettm $0x7FFFFFFF  }
tec
execute0_lowered:
.L_overlay_start_1:
0x0: {  	(tag) =	ssettag $0x1  }
0x1: {  	s0 =	srdreg.scid;
	s8 =	stileid.u32  }
0x2: {  	s4 =	rddreg [dreg:$0x0];
	s2 =	simm.s32 $0x0;
	s28 =	simm.s32 $0xC580  }
0x3: {  	s29 =	simm.s32 $0xED00;
	s30 =	simm.s32 $0x11480;
	s31 =	simm.s32 $0x2  }
0x4: {  	s0 =	sand.u32 $0x1, s0;
	[smem:$0x7FF] =	sst s2;
	s5 =	sadd.s32 $0x3C00, s4  }
0x5: {  	s3 =	sadd.s32 $0x21600, s4;
	s9 =	sadd.s32 $0x2B400, s4;
	s4 =	simm.s32 $0x1  }
0x6: {  	s1 =	sor.u32 s0, s8;
	p1 =	seq.s32 s0, $0x1;
	_ =	strace $0x80000050  }
0x7: {  	s7 =	ssub.s32 $0x2, s0;
	s12 =	smul.u32 $0x27100, s0;
	p0 =	seq.s32 s1, $0x0  }
0x8: {  	s1 =	simm.s32 $0x1;
	s13 =	sshrl.u32 s7, $0x1;
	p0 =	por !p0, !p1  }
0x9: {  	s7 =	ssub.s32 s7, s13;
	s13 =	smul.u32 $0x9E000, s0;
	p0 =	por !p0, !p0  }
0xa: {  	s0 =	smul.u32 $0x4E20, s0;
	s19 =	sshrl.u32 s12, $0x3;
	s1 =	simm.s32 @!p0 $0x0  }
0xb: {  	s20 =	sadd.s32 s3, s19;
	s6 =	ssub.s32 s8, s1;
	s1 =	sadd.s32 s1, s8  }
0xc: {  	s19 =	simm.s32 $0x400;
	s6 =	sshrl.u32 s6, $0x1;
	s1 =	sshll.u32 s1, $0x9  }
0xd: {  	s0 =	sadd.s32 s3, s0;
	s6 =	smul.u32 $0x13C00, s6;
	s1 =	sand.u32 $0x200, s1  }
0xe: {  	[dreg:$0x6] =	wrdreg s0;
	s0 =	sadd.s32 $0x190, s20;
	s10 =	sor.u32 $0x80, s1  }
0xf: {  	s20 =	simm.s32 $0x2780;
	s14 =	sor.u32 s1, s6;
	s11 =	sor.u32 s10, s6  }
0x10: {  	[dreg:$0x7] =	wrdreg s0;
	s8 =	sshrl.u32 s14, $0x3;
	s15 =	sshrl.u32 s11, $0x3  }
0x11: {  	s14 =	sor.u32 $0x100, s1;
	s11 =	sadd.s32 $0x1900, s12;
	s8 =	sadd.s32 s5, s8  }
0x12: {  	s12 =	sadd.s32 $0x2580, s12;
	[dreg:$0x2] =	wrdreg s8;
	s8 =	sadd.s32 s5, s15  }
0x13: {  	s16 =	sor.u32 s14, s6;
	s15 =	sor.u32 $0x180, s1;
	[dreg:$0x3] =	wrdreg s8  }
0x14: {  	s8 =	sshrl.u32 s16, $0x3;
	s17 =	sor.u32 s15, s6;
	s6 =	sadd.s32 s13, s6  }
0x15: {  	s8 =	sadd.s32 s5, s8;
	s18 =	sshrl.u32 s17, $0x3;
	s1 =	sor.u32 s1, s6  }
0x16: {  	s22 =	sor.u32 s10, s6;
	s23 =	sor.u32 s14, s6;
	s24 =	sor.u32 s15, s6  }
0x17: {  	s17 =	smax.u32 s7, $0x1;
	[dreg:$0x4] =	wrdreg s8;
	s5 =	sadd.s32 s5, s18  }
0x18: {  	s21 =	sshrl.u32 s1, $0x3;
	s0 =	sshrl.u32 s22, $0x3;
	s25 =	sshrl.u32 s23, $0x3  }
.Ltmp0:
0x19: {  	s26 =	sshrl.u32 s24, $0x3;
	s18 =	simm.s32 $0x80;
	(pc) =	sbr.rel .LBB2_1-.Ltmp0, $4  }
0x1a: {  	s22 =	simm.s32 $0x7680;
	s24 =	simm.s32 $0x14880;
	s1 =	simm.s32 $0x4  }
0x1b: {  	[dreg:$0x5] =	wrdreg s5;
	s13 =	sadd.s32 s9, s21;
	s14 =	sadd.s32 s9, s0  }
0x1c: {  	s15 =	sadd.s32 s9, s25;
	s16 =	sadd.s32 s9, s26;
	s21 =	simm.s32 $0x4F00  }
0x1d: {  	v0 =	vimm.f32 $0.0e+00;
	s25 =	simm.s32 $0x3;
	s26 =	simm.s32 $0x9E00;
	s0 =	simm.s32 $0x0  }
.LBB2_10:
0x1e: {  	[hbm4b:s13+s18] =	stream.strided.scatter [tilespmem:s26], [sflag:$0x4], $0x2780, s19, s18, $0x38;
	[tilespmem:$0x15500] =	vst v63  }
0x1f: {  	_ =	swait.ge [sflag:s1], $0x2780  }
0x20: {  	[sflag:s1] =	ssyncset.done $0x0  }
0x21: {  	[sflag:s1] =	ssyncadd.s32 $0xFFFFD880  }
0x22: {  	[hbm4b:s14+s18] =	stream.strided.scatter [tilespmem:s28], [sflag:$0x4], $0x2780, s19, s18, $0x38;
	[tilespmem:$0x15500] =	vst v63  }
0x23: {  	_ =	swait.ge [sflag:s1], $0x2780  }
0x24: {  	[sflag:s1] =	ssyncset.done $0x0  }
0x25: {  	[sflag:s1] =	ssyncadd.s32 $0xFFFFD880  }
0x26: {  	[hbm4b:s15+s18] =	stream.strided.scatter [tilespmem:s29], [sflag:$0x4], $0x2780, s19, s18, $0x38;
	[tilespmem:$0x15500] =	vst v63  }
0x27: {  	s0 =	sadd.s32 $0x1, s0;
	_ =	swait.ge [sflag:s1], $0x2780  }
0x28: {  	p0 =	sne.s32 s0, s17;
	[sflag:s1] =	ssyncset.done $0x0  }
.Ltmp1:
0x29: {  	[sflag:s1] =	ssyncadd.s32 $0xFFFFD880;
	(pc) =	sbr.rel @!p0 .LBB2_11-.Ltmp1, $4  }
0x2a: {  	[hbm4b:s16+s18] =	stream.strided.scatter [tilespmem:s30], [sflag:$0x4], $0x2780, s19, s18, $0x38;
	[tilespmem:$0x15500] =	vst v63  }
0x2b: {  	_ =	swait.ge [sflag:s1], $0x2780  }
0x2c: {  	[sflag:s1] =	ssyncset.done $0x0  }
0x2d: {  	[sflag:s1] =	ssyncadd.s32 $0xFFFFD880  }
.LBB2_1:
0x2e: {  	s5 =	rddreg [dreg:$0x2]  }
0x2f: {  	[tilespmem:s2], [sflag:$0x3] =	stream.strided.gather [hbm4b:s5+s18], $0x2780, s19, s18, $0x38;
	[tilespmem:$0x15500] =	vst v63  }
0x30: {  	s7 =	rddreg [dreg:$0x3]  }
0x31: {  	[tilespmem:s20], [sflag:$0x3] =	stream.strided.gather [hbm4b:s7+s18], $0x2780, s19, s18, $0x38;
	[tilespmem:$0x15500] =	vst v63  }
0x32: {  	s8 =	rddreg [dreg:$0x4]  }
0x33: {  	[tilespmem:s21], [sflag:$0x3] =	stream.strided.gather [hbm4b:s8+s18], $0x2780, s19, s18, $0x38;
	[tilespmem:$0x15500] =	vst v63  }
0x34: {  	s9 =	rddreg [dreg:$0x5]  }
0x35: {  	[tilespmem:s22], [sflag:$0x3] =	stream.strided.gather [hbm4b:s9+s18], $0x2780, s19, s18, $0x38;
	[tilespmem:$0x15500] =	vst v63  }
0x36: {  	s10 =	rddreg [dreg:$0x6];
	s6 =	simm.s32 $0x13C00  }
0x37: {  	[tilespmem:s6], [sflag:$0x1] =	stream.linear.gather [hbm4b:s10+s2], $0xC80, $0x38;
	[tilespmem:$0x15500] =	vst v63  }
0x38: {  	s23 =	rddreg [dreg:$0x7];
	s5 =	simm.s32 $0x9E20  }
0x39: {  	[tilespmem:s24], [sflag:$0x2] =	stream.linear.gather [hbm4b:s23+s2], $0xC80, $0x38;
	[tilespmem:$0x15500] =	vst v63  }
0x3a: {  	[tilespmem:s5+$0x10] =	vst v0  }
0x3b: {  	[tilespmem:s5+$0xFFFFFFF0] =	vst v0  }
0x3c: {  	[tilespmem:s5+$0x0] =	vst v0  }
0x3d: {  	[tilespmem:s5+$0xFFFFFFE0] =	vst v0  }
0x3e: {  	s6 =	simm.s32 $0xC5A0;
	[tilespmem:s5+$0x20] =	vst v0  }
0x3f: {  	[tilespmem:s6+$0xFFFFFFE0] =	vst v0  }
0x40: {  	[tilespmem:s6+$0x20] =	vst v0  }
0x41: {  	[tilespmem:s6+$0x0] =	vst v0  }
0x42: {  	[tilespmem:s6+$0xFFFFFFF0] =	vst v0  }
0x43: {  	s23 =	simm.s32 $0xED20;
	[tilespmem:s6+$0x10] =	vst v0  }
0x44: {  	[tilespmem:s23+$0xFFFFFFE0] =	vst v0  }
0x45: {  	[tilespmem:s23+$0x20] =	vst v0  }
0x46: {  	[tilespmem:s23+$0x0] =	vst v0  }
0x47: {  	s7 =	simm.s32 $0x114A0;
	[tilespmem:s23+$0x10] =	vst v0  }
0x48: {  	[tilespmem:s7+$0xFFFFFFE0] =	vst v0  }
0x49: {  	[tilespmem:s7+$0x20] =	vst v0  }
0x4a: {  	s8 =	simm.s32 $0x0;
	s9 =	simm.s32 $0xED70;
	s10 =	simm.s32 $0x114F0;
	[tilespmem:s7+$0x0] =	vst v0  }
.LBB2_2:
0x4b: {  	s8 =	sadd.s32 $0x50, s8;
	[tilespmem:s7+$0x10] =	vst v0;
	s5 =	sadd.s32 $0x50, s5;
	s6 =	sadd.s32 $0x50, s6  }
0x4c: {  	p0 =	slt.u32 s8, $0x26C0;
	[tilespmem:s23+$0xFFFFFFF0] =	vst v0;
	s23 =	smov.u32 s9  }
0x4d: {  	[tilespmem:s7+$0xFFFFFFF0] =	vst v0;
	s7 =	smov.u32 s10  }
0x4e: {  	[tilespmem:s5+$0x10] =	vst v0  }
0x4f: {  	[tilespmem:s5+$0xFFFFFFF0] =	vst v0  }
0x50: {  	[tilespmem:s5+$0x0] =	vst v0  }
0x51: {  	[tilespmem:s5+$0xFFFFFFE0] =	vst v0  }
0x52: {  	[tilespmem:s6+$0xFFFFFFE0] =	vst v0  }
0x53: {  	[tilespmem:s9+$0xFFFFFFE0] =	vst v0  }
0x54: {  	[tilespmem:s10+$0xFFFFFFE0] =	vst v0  }
0x55: {  	[tilespmem:s5+$0x20] =	vst v0  }
0x56: {  	[tilespmem:s6+$0x20] =	vst v0  }
0x57: {  	[tilespmem:s9+$0x20] =	vst v0  }
0x58: {  	[tilespmem:s10+$0x20] =	vst v0  }
0x59: {  	[tilespmem:s6+$0x0] =	vst v0  }
.Ltmp2:
0x5a: {  	[tilespmem:s9+$0x0] =	vst v0;
	(pc) =	sbr.rel @p0 .LBB2_2-.Ltmp2, $4  }
0x5b: {  	[tilespmem:s6+$0xFFFFFFF0] =	vst v0  }
0x5c: {  	[tilespmem:s10+$0x0] =	vst v0  }
0x5d: {  	[tilespmem:s6+$0x10] =	vst v0  }
0x5e: {  	s9 =	sadd.s32 $0x50, s9;
	s10 =	sadd.s32 $0x50, s10;
	[tilespmem:s23+$0x10] =	vst v0  }
0x5f: {  	[tilespmem:s7+$0x10] =	vst v0  }
0x60: {  	[tilespmem:s23+$0xFFFFFFF0] =	vst v0  }
0x61: {  	[tilespmem:s7+$0xFFFFFFF0] =	vst v0  }
0x62: {  	_ =	swait.ge [sflag:s25], $0x2780  }
0x63: {  	[sflag:s25] =	ssyncset.done $0x0  }
0x64: {  	[sflag:s25] =	ssyncadd.s32 $0xFFFFD880  }
0x65: {  	_ =	swait.ge [sflag:s25], $0x2780  }
0x66: {  	[sflag:s25] =	ssyncset.done $0x0  }
0x67: {  	[sflag:s25] =	ssyncadd.s32 $0xFFFFD880  }
0x68: {  	_ =	swait.ge [sflag:s25], $0x2780  }
0x69: {  	[sflag:s25] =	ssyncset.done $0x0  }
0x6a: {  	[sflag:s25] =	ssyncadd.s32 $0xFFFFD880  }
0x6b: {  	_ =	swait.ge [sflag:s25], $0x2780  }
0x6c: {  	[sflag:s25] =	ssyncset.done $0x0  }
0x6d: {  	s23 =	simm.s32 $0x0;
	[sflag:s25] =	ssyncadd.s32 $0xFFFFD880  }
.LBB2_4:
0x6e: {  	_ =	swait.ge [sflag:s4], $0xC80  }
0x6f: {  	[sflag:s4] =	ssyncset.done $0x0  }
0x70: {  	s5 =	simm.s32 $0x13C40;
	[sflag:s4] =	ssyncadd.s32 $0xFFFFF380  }
0x71: {  	v1 =	vld [tilespmem:s5+$0x30]  }
0x72: {  	v2 =	vld [tilespmem:s5+$0xFFFFFFD0]  }
0x73: {  	v3 =	vld [tilespmem:s5+$0xFFFFFFE0]  }
0x74: {  	v4 =	vld [tilespmem:s5+$0xFFFFFFF0]  }
0x75: {  	v5 =	vld [tilespmem:s5+$0x0]  }
0x76: {  	v6 =	vld [tilespmem:s5+$0x10];
	v7 =	vand.u32 $0xFFFF, v1  }
0x77: {  	v10 =	vld [tilespmem:s5+$0xFFFFFFC0];
	v8 =	vand.u32 $0xFFFF, v2  }
0x78: {  	v12 =	vld [tilespmem:s5+$0x20];
	v9 =	vand.u32 $0xFFFF, v3  }
0x79: {  	v11 =	vand.u32 $0xFFFF, v4  }
0x7a: {  	v13 =	vand.u32 $0xFFFF, v5  }
0x7b: {  	v14 =	vand.u32 $0xFFFF, v6;
	v15 =	vld.idx.msk [tilespmem:v7+s2+$0x0], $0xffff  }
0x7c: {  	v18 =	vand.u32 $0xFFFF, v10;
	v16 =	vld.idx.msk [tilespmem:v8+s2+$0x0], $0xffff  }
0x7d: {  	v17 =	vshrl.u32 v1, $0x10;
	v20 =	vand.u32 $0xFFFF, v12;
	v1 =	vld.idx.msk [tilespmem:v9+s2+$0x0], $0xffff  }
0x7e: {  	v19 =	vld.idx.msk [tilespmem:v11+s2+$0x0], $0xffff  }
0x7f: {  	v22 =	vshrl.u32 v2, $0x10;
	v21 =	vld.idx.msk [tilespmem:v13+s2+$0x0], $0xffff  }
0x80: {  	v3 =	vshrl.u32 v3, $0x10;
	v23 =	vld.idx.msk [tilespmem:v14+s2+$0x0], $0xffff  }
0x81: {  	v4 =	vshrl.u32 v4, $0x10;
	v24 =	vld.idx.msk [tilespmem:v18+s2+$0x0], $0xffff  }
0x82: {  	v10 =	vshrl.u32 v10, $0x10;
	v25 =	vld.idx.msk [tilespmem:v20+s2+$0x0], $0xffff  }
0x83: {  	v5 =	vshrl.u32 v5, $0x10;
	[tilespmem:v17+s26+$0x0] =	vst.idx.add.f32.msk $0xffff, v15  }
0x84: {  	v2 =	vshrl.u32 v12, $0x10;
	[tilespmem:v22+s26+$0x0] =	vst.idx.add.f32.msk $0xffff, v16  }
0x85: {  	[tilespmem:v3+s26+$0x0] =	vst.idx.add.f32.msk $0xffff, v1  }
0x86: {  	[tilespmem:v4+s26+$0x0] =	vst.idx.add.f32.msk $0xffff, v19  }
0x87: {  	[tilespmem:v10+s26+$0x0] =	vst.idx.add.f32.msk $0xffff, v24  }
0x88: {  	[tilespmem:v5+s26+$0x0] =	vst.idx.add.f32.msk $0xffff, v21  }
0x89: {  	[tilespmem:v2+s26+$0x0] =	vst.idx.add.f32.msk $0xffff, v25  }
0x8a: {  	v1 =	vshrl.u32 v6, $0x10;
	v15 =	vld.idx.msk [tilespmem:v7+s20+$0x0], $0xffff  }
0x8b: {  	v53 =	vld.idx.msk [tilespmem:v18+s20+$0x0], $0xffff  }
0x8c: {  	v54 =	vld.idx.msk [tilespmem:v9+s20+$0x0], $0xffff  }
0x8d: {  	v55 =	vld.idx.msk [tilespmem:v11+s20+$0x0], $0xffff  }
0x8e: {  	v56 =	vld.idx.msk [tilespmem:v13+s20+$0x0], $0xffff  }
0x8f: {  	[tilespmem:v1+s26+$0x0] =	vst.idx.add.f32.msk $0xffff, v23  }
0x90: {  	[tilespmem:v17+s28+$0x0] =	vst.idx.add.f32.msk $0xffff, v15  }
0x91: {  	v57 =	vld.idx.msk [tilespmem:v14+s20+$0x0], $0xffff  }
0x92: {  	[tilespmem:v10+s28+$0x0] =	vst.idx.add.f32.msk $0xffff, v53  }
0x93: {  	[tilespmem:v3+s28+$0x0] =	vst.idx.add.f32.msk $0xffff, v54  }
0x94: {  	[tilespmem:v4+s28+$0x0] =	vst.idx.add.f32.msk $0xffff, v55  }
0x95: {  	[tilespmem:v5+s28+$0x0] =	vst.idx.add.f32.msk $0xffff, v56  }
0x96: {  	v6 =	vld.idx.msk [tilespmem:v7+s21+$0x0], $0xffff  }
0x97: {  	v58 =	vld.idx.msk [tilespmem:v9+s21+$0x0], $0xffff  }
0x98: {  	v59 =	vld.idx.msk [tilespmem:v11+s21+$0x0], $0xffff  }
0x99: {  	v60 =	vld.idx.msk [tilespmem:v13+s21+$0x0], $0xffff  }
0x9a: {  	[tilespmem:v1+s28+$0x0] =	vst.idx.add.f32.msk $0xffff, v57  }
0x9b: {  	[tilespmem:v17+s29+$0x0] =	vst.idx.add.f32.msk $0xffff, v6  }
0x9c: {  	v61 =	vld.idx.msk [tilespmem:v14+s21+$0x0], $0xffff  }
0x9d: {  	[tilespmem:v3+s29+$0x0] =	vst.idx.add.f32.msk $0xffff, v58  }
0x9e: {  	[tilespmem:v4+s29+$0x0] =	vst.idx.add.f32.msk $0xffff, v59  }
0x9f: {  	[tilespmem:v5+s29+$0x0] =	vst.idx.add.f32.msk $0xffff, v60  }
0xa0: {  	v6 =	vld.idx.msk [tilespmem:v7+s22+$0x0], $0xffff  }
0xa1: {  	v7 =	vld.idx.msk [tilespmem:v8+s20+$0x0], $0xffff  }
0xa2: {  	v9 =	vld.idx.msk [tilespmem:v9+s22+$0x0], $0xffff  }
0xa3: {  	v11 =	vld.idx.msk [tilespmem:v11+s22+$0x0], $0xffff  }
0xa4: {  	v13 =	vld.idx.msk [tilespmem:v13+s22+$0x0], $0xffff  }
0xa5: {  	[tilespmem:v1+s29+$0x0] =	vst.idx.add.f32.msk $0xffff, v61  }
0xa6: {  	[tilespmem:v17+s30+$0x0] =	vst.idx.add.f32.msk $0xffff, v6  }
0xa7: {  	v6 =	vld.idx.msk [tilespmem:v20+s20+$0x0], $0xffff  }
0xa8: {  	[tilespmem:v22+s28+$0x0] =	vst.idx.add.f32.msk $0xffff, v7  }
0xa9: {  	[tilespmem:v3+s30+$0x0] =	vst.idx.add.f32.msk $0xffff, v9  }
0xaa: {  	[tilespmem:v4+s30+$0x0] =	vst.idx.add.f32.msk $0xffff, v11  }
0xab: {  	v7 =	vld.idx.msk [tilespmem:v8+s21+$0x0], $0xffff  }
0xac: {  	[tilespmem:v2+s28+$0x0] =	vst.idx.add.f32.msk $0xffff, v6  }
0xad: {  	v6 =	vld.idx.msk [tilespmem:v18+s21+$0x0], $0xffff  }
0xae: {  	[tilespmem:v5+s30+$0x0] =	vst.idx.add.f32.msk $0xffff, v13  }
0xaf: {  	v62 =	vld.idx.msk [tilespmem:v20+s21+$0x0], $0xffff  }
0xb0: {  	[tilespmem:v22+s29+$0x0] =	vst.idx.add.f32.msk $0xffff, v7  }
0xb1: {  	v63 =	vld.idx.msk [tilespmem:v8+s22+$0x0], $0xffff  }
0xb2: {  	[tilespmem:v10+s29+$0x0] =	vst.idx.add.f32.msk $0xffff, v6  }
0xb3: {  	v6 =	vld.idx.msk [tilespmem:v18+s22+$0x0], $0xffff  }
0xb4: {  	v8 =	vld.idx.msk [tilespmem:v14+s22+$0x0], $0xffff  }
0xb5: {  	[tilespmem:v2+s29+$0x0] =	vst.idx.add.f32.msk $0xffff, v62  }
0xb6: {  	v7 =	vld.idx.msk [tilespmem:v20+s22+$0x0], $0xffff  }
0xb7: {  	[tilespmem:v22+s30+$0x0] =	vst.idx.add.f32.msk $0xffff, v63  }
0xb8: {  	s6 =	simm.s32 $0x13CC0;
	s5 =	simm.s32 $0x0;
	[tilespmem:v10+s30+$0x0] =	vst.idx.add.f32.msk $0xffff, v6  }
.LBB2_5:
0xb9: {  	v9 =	vld [tilespmem:s6+$0x30];
	s5 =	sadd.s32 $0x80, s5  }
0xba: {  	v4 =	vld [tilespmem:s6+$0xFFFFFFD0];
	p0 =	slt.u32 s5, $0xC00  }
0xbb: {  	v5 =	vld [tilespmem:s6+$0xFFFFFFE0]  }
0xbc: {  	v6 =	vld [tilespmem:s6+$0xFFFFFFF0]  }
0xbd: {  	v10 =	vld [tilespmem:s6+$0x0]  }
0xbe: {  	v11 =	vld [tilespmem:s6+$0x10];
	v12 =	vand.u32 $0xFFFF, v9  }
0xbf: {  	v3 =	vshrl.u32 v4, $0x10;
	v13 =	vand.u32 $0xFFFF, v4;
	v14 =	vld [tilespmem:s6+$0x20]  }
0xc0: {  	v15 =	vld [tilespmem:s6+$0xFFFFFFC0];
	v4 =	vshrl.u32 v5, $0x10;
	v16 =	vand.u32 $0xFFFF, v5  }
0xc1: {  	v5 =	vshrl.u32 v6, $0x10;
	v17 =	vand.u32 $0xFFFF, v6;
	[tilespmem:v1+s30+$0x0] =	vst.idx.add.f32.msk $0xffff, v8  }
0xc2: {  	v6 =	vshrl.u32 v10, $0x10;
	v8 =	vand.u32 $0xFFFF, v10;
	[tilespmem:v2+s30+$0x0] =	vst.idx.add.f32.msk $0xffff, v7  }
0xc3: {  	v1 =	vshrl.u32 v11, $0x10;
	v7 =	vand.u32 $0xFFFF, v11;
	v10 =	vld.idx.msk [tilespmem:v12+s2+$0x0], $0xffff  }
0xc4: {  	v9 =	vshrl.u32 v9, $0x10;
	v11 =	vld.idx.msk [tilespmem:v13+s2+$0x0], $0xffff;
	v2 =	vshrl.u32 v14, $0x10;
	v14 =	vand.u32 $0xFFFF, v14  }
0xc5: {  	v18 =	vshrl.u32 v15, $0x10;
	v15 =	vand.u32 $0xFFFF, v15;
	v19 =	vld.idx.msk [tilespmem:v16+s2+$0x0], $0xffff  }
0xc6: {  	v20 =	vld.idx.msk [tilespmem:v17+s2+$0x0], $0xffff  }
0xc7: {  	v21 =	vld.idx.msk [tilespmem:v8+s2+$0x0], $0xffff  }
0xc8: {  	v22 =	vld.idx.msk [tilespmem:v7+s2+$0x0], $0xffff  }
0xc9: {  	[tilespmem:v9+s26+$0x0] =	vst.idx.add.f32.msk $0xffff, v10  }
0xca: {  	v10 =	vld.idx.msk [tilespmem:v12+s20+$0x0], $0xffff  }
0xcb: {  	v23 =	vld.idx.msk [tilespmem:v15+s2+$0x0], $0xffff  }
0xcc: {  	v24 =	vld.idx.msk [tilespmem:v14+s2+$0x0], $0xffff  }
0xcd: {  	[tilespmem:v3+s26+$0x0] =	vst.idx.add.f32.msk $0xffff, v11  }
0xce: {  	[tilespmem:v4+s26+$0x0] =	vst.idx.add.f32.msk $0xffff, v19  }
0xcf: {  	[tilespmem:v5+s26+$0x0] =	vst.idx.add.f32.msk $0xffff, v20  }
0xd0: {  	[tilespmem:v9+s28+$0x0] =	vst.idx.add.f32.msk $0xffff, v10  }
0xd1: {  	v10 =	vld.idx.msk [tilespmem:v12+s21+$0x0], $0xffff  }
0xd2: {  	[tilespmem:v18+s26+$0x0] =	vst.idx.add.f32.msk $0xffff, v23  }
0xd3: {  	[tilespmem:v6+s26+$0x0] =	vst.idx.add.f32.msk $0xffff, v21  }
0xd4: {  	[tilespmem:v1+s26+$0x0] =	vst.idx.add.f32.msk $0xffff, v22  }
0xd5: {  	[tilespmem:v2+s26+$0x0] =	vst.idx.add.f32.msk $0xffff, v24  }
0xd6: {  	v11 =	vld.idx.msk [tilespmem:v15+s20+$0x0], $0xffff  }
0xd7: {  	[tilespmem:v9+s29+$0x0] =	vst.idx.add.f32.msk $0xffff, v10  }
0xd8: {  	v10 =	vld.idx.msk [tilespmem:v12+s22+$0x0], $0xffff  }
0xd9: {  	v12 =	vld.idx.msk [tilespmem:v13+s20+$0x0], $0xffff  }
0xda: {  	v19 =	vld.idx.msk [tilespmem:v16+s20+$0x0], $0xffff  }
0xdb: {  	v20 =	vld.idx.msk [tilespmem:v17+s20+$0x0], $0xffff  }
0xdc: {  	v21 =	vld.idx.msk [tilespmem:v8+s20+$0x0], $0xffff  }
0xdd: {  	v22 =	vld.idx.msk [tilespmem:v7+s20+$0x0], $0xffff  }
0xde: {  	[tilespmem:v9+s30+$0x0] =	vst.idx.add.f32.msk $0xffff, v10  }
0xdf: {  	v9 =	vld.idx.msk [tilespmem:v14+s20+$0x0], $0xffff  }
0xe0: {  	[tilespmem:v18+s28+$0x0] =	vst.idx.add.f32.msk $0xffff, v11  }
0xe1: {  	[tilespmem:v3+s28+$0x0] =	vst.idx.add.f32.msk $0xffff, v12  }
0xe2: {  	[tilespmem:v4+s28+$0x0] =	vst.idx.add.f32.msk $0xffff, v19  }
0xe3: {  	[tilespmem:v5+s28+$0x0] =	vst.idx.add.f32.msk $0xffff, v20  }
0xe4: {  	[tilespmem:v6+s28+$0x0] =	vst.idx.add.f32.msk $0xffff, v21  }
0xe5: {  	[tilespmem:v1+s28+$0x0] =	vst.idx.add.f32.msk $0xffff, v22  }
0xe6: {  	[tilespmem:v2+s28+$0x0] =	vst.idx.add.f32.msk $0xffff, v9  }
0xe7: {  	v9 =	vld.idx.msk [tilespmem:v15+s21+$0x0], $0xffff  }
0xe8: {  	v10 =	vld.idx.msk [tilespmem:v13+s21+$0x0], $0xffff  }
0xe9: {  	v11 =	vld.idx.msk [tilespmem:v16+s21+$0x0], $0xffff  }
0xea: {  	v12 =	vld.idx.msk [tilespmem:v17+s21+$0x0], $0xffff  }
0xeb: {  	v19 =	vld.idx.msk [tilespmem:v8+s21+$0x0], $0xffff  }
0xec: {  	v20 =	vld.idx.msk [tilespmem:v7+s21+$0x0], $0xffff  }
0xed: {  	v21 =	vld.idx.msk [tilespmem:v14+s21+$0x0], $0xffff  }
0xee: {  	[tilespmem:v18+s29+$0x0] =	vst.idx.add.f32.msk $0xffff, v9  }
0xef: {  	[tilespmem:v3+s29+$0x0] =	vst.idx.add.f32.msk $0xffff, v10  }
0xf0: {  	[tilespmem:v4+s29+$0x0] =	vst.idx.add.f32.msk $0xffff, v11  }
0xf1: {  	[tilespmem:v5+s29+$0x0] =	vst.idx.add.f32.msk $0xffff, v12  }
0xf2: {  	[tilespmem:v6+s29+$0x0] =	vst.idx.add.f32.msk $0xffff, v19  }
0xf3: {  	[tilespmem:v1+s29+$0x0] =	vst.idx.add.f32.msk $0xffff, v20  }
0xf4: {  	[tilespmem:v2+s29+$0x0] =	vst.idx.add.f32.msk $0xffff, v21  }
0xf5: {  	v9 =	vld.idx.msk [tilespmem:v15+s22+$0x0], $0xffff  }
0xf6: {  	v10 =	vld.idx.msk [tilespmem:v13+s22+$0x0], $0xffff  }
0xf7: {  	v11 =	vld.idx.msk [tilespmem:v16+s22+$0x0], $0xffff  }
0xf8: {  	v12 =	vld.idx.msk [tilespmem:v17+s22+$0x0], $0xffff  }
0xf9: {  	v13 =	vld.idx.msk [tilespmem:v8+s22+$0x0], $0xffff  }
0xfa: {  	v8 =	vld.idx.msk [tilespmem:v7+s22+$0x0], $0xffff  }
0xfb: {  	v7 =	vld.idx.msk [tilespmem:v14+s22+$0x0], $0xffff  }
.Ltmp3:
0xfc: {  	[tilespmem:v18+s30+$0x0] =	vst.idx.add.f32.msk $0xffff, v9;
	(pc) =	sbr.rel @p0 .LBB2_5-.Ltmp3, $4  }
0xfd: {  	[tilespmem:v3+s30+$0x0] =	vst.idx.add.f32.msk $0xffff, v10  }
0xfe: {  	[tilespmem:v4+s30+$0x0] =	vst.idx.add.f32.msk $0xffff, v11  }
0xff: {  	[tilespmem:v5+s30+$0x0] =	vst.idx.add.f32.msk $0xffff, v12  }
0x100: {  	s6 =	sadd.s32 $0x80, s6;
	[tilespmem:v6+s30+$0x0] =	vst.idx.add.f32.msk $0xffff, v13  }
0x101: {  	p0 =	seq.s32 s23, $0x18  }
0x102: {  	s5 =	smul.u32 @!p0 $0x1900, s23;
	_ =	sdelay $0x1  }
0x103: {  	s5 =	sadd.s32 @!p0 s5, s11  }
0x104: {  	[tilespmem:v1+s30+$0x0] =	vst.idx.add.f32.msk $0xffff, v8;
	s5 =	sshrl.u32 @!p0 s5, $0x3  }
0x105: {  	[tilespmem:v2+s30+$0x0] =	vst.idx.add.f32.msk $0xffff, v7;
	s6 =	simm.s32 @!p0 $0x0;
	s7 =	simm.s32 @!p0 $0x13C00;
	s5 =	sadd.s32 @!p0 s3, s5  }
0x106: {  	[tilespmem:s7], [sflag:$0x1] =	stream.linear.gather @!p0 [hbm4b:s5+s6], $0xC80, $0x38;
	[tilespmem:$0x15500] =	vst v63  }
0x107: {  	_ =	swait.ge [sflag:s31], $0xC80  }
0x108: {  	[sflag:s31] =	ssyncset.done $0x0  }
0x109: {  	s10 =	simm.s32 $0x148C0;
	[sflag:s31] =	ssyncadd.s32 $0xFFFFF380  }
0x10a: {  	v1 =	vld [tilespmem:s10+$0x30]  }
0x10b: {  	v2 =	vld [tilespmem:s10+$0xFFFFFFD0]  }
0x10c: {  	v3 =	vld [tilespmem:s10+$0xFFFFFFE0]  }
0x10d: {  	v4 =	vld [tilespmem:s10+$0xFFFFFFF0]  }
0x10e: {  	v5 =	vld [tilespmem:s10+$0x0]  }
0x10f: {  	v6 =	vld [tilespmem:s10+$0x10];
	v7 =	vand.u32 $0xFFFF, v1  }
0x110: {  	v10 =	vld [tilespmem:s10+$0xFFFFFFC0];
	v8 =	vand.u32 $0xFFFF, v2  }
0x111: {  	v12 =	vld [tilespmem:s10+$0x20];
	v9 =	vand.u32 $0xFFFF, v3  }
0x112: {  	v11 =	vand.u32 $0xFFFF, v4  }
0x113: {  	v13 =	vand.u32 $0xFFFF, v5  }
0x114: {  	v14 =	vand.u32 $0xFFFF, v6;
	v15 =	vld.idx.msk [tilespmem:v7+s2+$0x0], $0xffff  }
0x115: {  	v18 =	vand.u32 $0xFFFF, v10;
	v16 =	vld.idx.msk [tilespmem:v8+s2+$0x0], $0xffff  }
0x116: {  	v17 =	vshrl.u32 v1, $0x10;
	v20 =	vand.u32 $0xFFFF, v12;
	v1 =	vld.idx.msk [tilespmem:v9+s2+$0x0], $0xffff  }
0x117: {  	v19 =	vld.idx.msk [tilespmem:v11+s2+$0x0], $0xffff  }
0x118: {  	v22 =	vshrl.u32 v2, $0x10;
	v21 =	vld.idx.msk [tilespmem:v13+s2+$0x0], $0xffff  }
0x119: {  	v3 =	vshrl.u32 v3, $0x10;
	v23 =	vld.idx.msk [tilespmem:v14+s2+$0x0], $0xffff  }
0x11a: {  	v4 =	vshrl.u32 v4, $0x10;
	v24 =	vld.idx.msk [tilespmem:v18+s2+$0x0], $0xffff  }
0x11b: {  	v10 =	vshrl.u32 v10, $0x10;
	v25 =	vld.idx.msk [tilespmem:v20+s2+$0x0], $0xffff  }
0x11c: {  	v5 =	vshrl.u32 v5, $0x10;
	[tilespmem:v17+s26+$0x0] =	vst.idx.add.f32.msk $0xffff, v15  }
0x11d: {  	v2 =	vshrl.u32 v12, $0x10;
	[tilespmem:v22+s26+$0x0] =	vst.idx.add.f32.msk $0xffff, v16  }
0x11e: {  	[tilespmem:v3+s26+$0x0] =	vst.idx.add.f32.msk $0xffff, v1  }
0x11f: {  	[tilespmem:v4+s26+$0x0] =	vst.idx.add.f32.msk $0xffff, v19  }
0x120: {  	[tilespmem:v10+s26+$0x0] =	vst.idx.add.f32.msk $0xffff, v24  }
0x121: {  	[tilespmem:v5+s26+$0x0] =	vst.idx.add.f32.msk $0xffff, v21  }
0x122: {  	[tilespmem:v2+s26+$0x0] =	vst.idx.add.f32.msk $0xffff, v25  }
0x123: {  	v1 =	vshrl.u32 v6, $0x10;
	v15 =	vld.idx.msk [tilespmem:v7+s20+$0x0], $0xffff  }
0x124: {  	v53 =	vld.idx.msk [tilespmem:v18+s20+$0x0], $0xffff  }
0x125: {  	v54 =	vld.idx.msk [tilespmem:v9+s20+$0x0], $0xffff  }
0x126: {  	v55 =	vld.idx.msk [tilespmem:v11+s20+$0x0], $0xffff  }
0x127: {  	v56 =	vld.idx.msk [tilespmem:v13+s20+$0x0], $0xffff  }
0x128: {  	[tilespmem:v1+s26+$0x0] =	vst.idx.add.f32.msk $0xffff, v23  }
0x129: {  	[tilespmem:v17+s28+$0x0] =	vst.idx.add.f32.msk $0xffff, v15  }
0x12a: {  	v57 =	vld.idx.msk [tilespmem:v14+s20+$0x0], $0xffff  }
0x12b: {  	[tilespmem:v10+s28+$0x0] =	vst.idx.add.f32.msk $0xffff, v53  }
0x12c: {  	[tilespmem:v3+s28+$0x0] =	vst.idx.add.f32.msk $0xffff, v54  }
0x12d: {  	[tilespmem:v4+s28+$0x0] =	vst.idx.add.f32.msk $0xffff, v55  }
0x12e: {  	[tilespmem:v5+s28+$0x0] =	vst.idx.add.f32.msk $0xffff, v56  }
0x12f: {  	v6 =	vld.idx.msk [tilespmem:v7+s21+$0x0], $0xffff  }
0x130: {  	v58 =	vld.idx.msk [tilespmem:v9+s21+$0x0], $0xffff  }
0x131: {  	v59 =	vld.idx.msk [tilespmem:v11+s21+$0x0], $0xffff  }
0x132: {  	v60 =	vld.idx.msk [tilespmem:v13+s21+$0x0], $0xffff  }
0x133: {  	[tilespmem:v1+s28+$0x0] =	vst.idx.add.f32.msk $0xffff, v57  }
0x134: {  	[tilespmem:v17+s29+$0x0] =	vst.idx.add.f32.msk $0xffff, v6  }
0x135: {  	v61 =	vld.idx.msk [tilespmem:v14+s21+$0x0], $0xffff  }
0x136: {  	[tilespmem:v3+s29+$0x0] =	vst.idx.add.f32.msk $0xffff, v58  }
0x137: {  	[tilespmem:v4+s29+$0x0] =	vst.idx.add.f32.msk $0xffff, v59  }
0x138: {  	[tilespmem:v5+s29+$0x0] =	vst.idx.add.f32.msk $0xffff, v60  }
0x139: {  	v6 =	vld.idx.msk [tilespmem:v7+s22+$0x0], $0xffff  }
0x13a: {  	v7 =	vld.idx.msk [tilespmem:v8+s20+$0x0], $0xffff  }
0x13b: {  	v9 =	vld.idx.msk [tilespmem:v9+s22+$0x0], $0xffff  }
0x13c: {  	v11 =	vld.idx.msk [tilespmem:v11+s22+$0x0], $0xffff  }
0x13d: {  	v13 =	vld.idx.msk [tilespmem:v13+s22+$0x0], $0xffff  }
0x13e: {  	[tilespmem:v1+s29+$0x0] =	vst.idx.add.f32.msk $0xffff, v61  }
0x13f: {  	[tilespmem:v17+s30+$0x0] =	vst.idx.add.f32.msk $0xffff, v6  }
0x140: {  	v6 =	vld.idx.msk [tilespmem:v20+s20+$0x0], $0xffff  }
0x141: {  	[tilespmem:v22+s28+$0x0] =	vst.idx.add.f32.msk $0xffff, v7  }
0x142: {  	[tilespmem:v3+s30+$0x0] =	vst.idx.add.f32.msk $0xffff, v9  }
0x143: {  	[tilespmem:v4+s30+$0x0] =	vst.idx.add.f32.msk $0xffff, v11  }
0x144: {  	v7 =	vld.idx.msk [tilespmem:v8+s21+$0x0], $0xffff  }
0x145: {  	[tilespmem:v2+s28+$0x0] =	vst.idx.add.f32.msk $0xffff, v6  }
0x146: {  	v6 =	vld.idx.msk [tilespmem:v18+s21+$0x0], $0xffff  }
0x147: {  	[tilespmem:v5+s30+$0x0] =	vst.idx.add.f32.msk $0xffff, v13  }
0x148: {  	v62 =	vld.idx.msk [tilespmem:v20+s21+$0x0], $0xffff  }
0x149: {  	[tilespmem:v22+s29+$0x0] =	vst.idx.add.f32.msk $0xffff, v7  }
0x14a: {  	v63 =	vld.idx.msk [tilespmem:v8+s22+$0x0], $0xffff  }
0x14b: {  	[tilespmem:v10+s29+$0x0] =	vst.idx.add.f32.msk $0xffff, v6  }
0x14c: {  	v6 =	vld.idx.msk [tilespmem:v18+s22+$0x0], $0xffff  }
0x14d: {  	v8 =	vld.idx.msk [tilespmem:v14+s22+$0x0], $0xffff  }
0x14e: {  	[tilespmem:v2+s29+$0x0] =	vst.idx.add.f32.msk $0xffff, v62  }
0x14f: {  	v7 =	vld.idx.msk [tilespmem:v20+s22+$0x0], $0xffff  }
0x150: {  	[tilespmem:v22+s30+$0x0] =	vst.idx.add.f32.msk $0xffff, v63  }
0x151: {  	s5 =	simm.s32 $0x0;
	s6 =	simm.s32 $0x14940;
	[tilespmem:v10+s30+$0x0] =	vst.idx.add.f32.msk $0xffff, v6  }
.LBB2_7:
0x152: {  	v9 =	vld [tilespmem:s6+$0x30];
	s5 =	sadd.s32 $0x80, s5  }
0x153: {  	v4 =	vld [tilespmem:s6+$0xFFFFFFD0];
	p1 =	slt.u32 s5, $0xC00  }
0x154: {  	v5 =	vld [tilespmem:s6+$0xFFFFFFE0]  }
0x155: {  	v6 =	vld [tilespmem:s6+$0xFFFFFFF0]  }
0x156: {  	v10 =	vld [tilespmem:s6+$0x0]  }
0x157: {  	v11 =	vld [tilespmem:s6+$0x10];
	v12 =	vand.u32 $0xFFFF, v9  }
0x158: {  	v3 =	vshrl.u32 v4, $0x10;
	v13 =	vand.u32 $0xFFFF, v4;
	v14 =	vld [tilespmem:s6+$0x20]  }
0x159: {  	v15 =	vld [tilespmem:s6+$0xFFFFFFC0];
	v4 =	vshrl.u32 v5, $0x10;
	v16 =	vand.u32 $0xFFFF, v5  }
0x15a: {  	v5 =	vshrl.u32 v6, $0x10;
	v17 =	vand.u32 $0xFFFF, v6;
	[tilespmem:v1+s30+$0x0] =	vst.idx.add.f32.msk $0xffff, v8  }
0x15b: {  	v6 =	vshrl.u32 v10, $0x10;
	v8 =	vand.u32 $0xFFFF, v10;
	[tilespmem:v2+s30+$0x0] =	vst.idx.add.f32.msk $0xffff, v7  }
0x15c: {  	v1 =	vshrl.u32 v11, $0x10;
	v7 =	vand.u32 $0xFFFF, v11;
	v10 =	vld.idx.msk [tilespmem:v12+s2+$0x0], $0xffff  }
0x15d: {  	v9 =	vshrl.u32 v9, $0x10;
	v11 =	vld.idx.msk [tilespmem:v13+s2+$0x0], $0xffff;
	v2 =	vshrl.u32 v14, $0x10;
	v14 =	vand.u32 $0xFFFF, v14  }
0x15e: {  	v18 =	vshrl.u32 v15, $0x10;
	v15 =	vand.u32 $0xFFFF, v15;
	v19 =	vld.idx.msk [tilespmem:v16+s2+$0x0], $0xffff  }
0x15f: {  	v20 =	vld.idx.msk [tilespmem:v17+s2+$0x0], $0xffff  }
0x160: {  	v21 =	vld.idx.msk [tilespmem:v8+s2+$0x0], $0xffff  }
0x161: {  	v22 =	vld.idx.msk [tilespmem:v7+s2+$0x0], $0xffff  }
0x162: {  	[tilespmem:v9+s26+$0x0] =	vst.idx.add.f32.msk $0xffff, v10  }
0x163: {  	v10 =	vld.idx.msk [tilespmem:v12+s20+$0x0], $0xffff  }
0x164: {  	v23 =	vld.idx.msk [tilespmem:v15+s2+$0x0], $0xffff  }
0x165: {  	v24 =	vld.idx.msk [tilespmem:v14+s2+$0x0], $0xffff  }
0x166: {  	[tilespmem:v3+s26+$0x0] =	vst.idx.add.f32.msk $0xffff, v11  }
0x167: {  	[tilespmem:v4+s26+$0x0] =	vst.idx.add.f32.msk $0xffff, v19  }
0x168: {  	[tilespmem:v5+s26+$0x0] =	vst.idx.add.f32.msk $0xffff, v20  }
0x169: {  	[tilespmem:v9+s28+$0x0] =	vst.idx.add.f32.msk $0xffff, v10  }
0x16a: {  	v10 =	vld.idx.msk [tilespmem:v12+s21+$0x0], $0xffff  }
0x16b: {  	[tilespmem:v18+s26+$0x0] =	vst.idx.add.f32.msk $0xffff, v23  }
0x16c: {  	[tilespmem:v6+s26+$0x0] =	vst.idx.add.f32.msk $0xffff, v21  }
0x16d: {  	[tilespmem:v1+s26+$0x0] =	vst.idx.add.f32.msk $0xffff, v22  }
0x16e: {  	[tilespmem:v2+s26+$0x0] =	vst.idx.add.f32.msk $0xffff, v24  }
0x16f: {  	v11 =	vld.idx.msk [tilespmem:v15+s20+$0x0], $0xffff  }
0x170: {  	[tilespmem:v9+s29+$0x0] =	vst.idx.add.f32.msk $0xffff, v10  }
0x171: {  	v10 =	vld.idx.msk [tilespmem:v12+s22+$0x0], $0xffff  }
0x172: {  	v12 =	vld.idx.msk [tilespmem:v13+s20+$0x0], $0xffff  }
0x173: {  	v19 =	vld.idx.msk [tilespmem:v16+s20+$0x0], $0xffff  }
0x174: {  	v20 =	vld.idx.msk [tilespmem:v17+s20+$0x0], $0xffff  }
0x175: {  	v21 =	vld.idx.msk [tilespmem:v8+s20+$0x0], $0xffff  }
0x176: {  	v22 =	vld.idx.msk [tilespmem:v7+s20+$0x0], $0xffff  }
0x177: {  	[tilespmem:v9+s30+$0x0] =	vst.idx.add.f32.msk $0xffff, v10  }
0x178: {  	v9 =	vld.idx.msk [tilespmem:v14+s20+$0x0], $0xffff  }
0x179: {  	[tilespmem:v18+s28+$0x0] =	vst.idx.add.f32.msk $0xffff, v11  }
0x17a: {  	[tilespmem:v3+s28+$0x0] =	vst.idx.add.f32.msk $0xffff, v12  }
0x17b: {  	[tilespmem:v4+s28+$0x0] =	vst.idx.add.f32.msk $0xffff, v19  }
0x17c: {  	[tilespmem:v5+s28+$0x0] =	vst.idx.add.f32.msk $0xffff, v20  }
0x17d: {  	[tilespmem:v6+s28+$0x0] =	vst.idx.add.f32.msk $0xffff, v21  }
0x17e: {  	[tilespmem:v1+s28+$0x0] =	vst.idx.add.f32.msk $0xffff, v22  }
0x17f: {  	[tilespmem:v2+s28+$0x0] =	vst.idx.add.f32.msk $0xffff, v9  }
0x180: {  	v9 =	vld.idx.msk [tilespmem:v15+s21+$0x0], $0xffff  }
0x181: {  	v10 =	vld.idx.msk [tilespmem:v13+s21+$0x0], $0xffff  }
0x182: {  	v11 =	vld.idx.msk [tilespmem:v16+s21+$0x0], $0xffff  }
0x183: {  	v12 =	vld.idx.msk [tilespmem:v17+s21+$0x0], $0xffff  }
0x184: {  	v19 =	vld.idx.msk [tilespmem:v8+s21+$0x0], $0xffff  }
0x185: {  	v20 =	vld.idx.msk [tilespmem:v7+s21+$0x0], $0xffff  }
0x186: {  	v21 =	vld.idx.msk [tilespmem:v14+s21+$0x0], $0xffff  }
0x187: {  	[tilespmem:v18+s29+$0x0] =	vst.idx.add.f32.msk $0xffff, v9  }
0x188: {  	[tilespmem:v3+s29+$0x0] =	vst.idx.add.f32.msk $0xffff, v10  }
0x189: {  	[tilespmem:v4+s29+$0x0] =	vst.idx.add.f32.msk $0xffff, v11  }
0x18a: {  	[tilespmem:v5+s29+$0x0] =	vst.idx.add.f32.msk $0xffff, v12  }
0x18b: {  	[tilespmem:v6+s29+$0x0] =	vst.idx.add.f32.msk $0xffff, v19  }
0x18c: {  	[tilespmem:v1+s29+$0x0] =	vst.idx.add.f32.msk $0xffff, v20  }
0x18d: {  	[tilespmem:v2+s29+$0x0] =	vst.idx.add.f32.msk $0xffff, v21  }
0x18e: {  	v9 =	vld.idx.msk [tilespmem:v15+s22+$0x0], $0xffff  }
0x18f: {  	v10 =	vld.idx.msk [tilespmem:v13+s22+$0x0], $0xffff  }
0x190: {  	v11 =	vld.idx.msk [tilespmem:v16+s22+$0x0], $0xffff  }
0x191: {  	v12 =	vld.idx.msk [tilespmem:v17+s22+$0x0], $0xffff  }
0x192: {  	v13 =	vld.idx.msk [tilespmem:v8+s22+$0x0], $0xffff  }
0x193: {  	v8 =	vld.idx.msk [tilespmem:v7+s22+$0x0], $0xffff  }
0x194: {  	v7 =	vld.idx.msk [tilespmem:v14+s22+$0x0], $0xffff  }
.Ltmp4:
0x195: {  	[tilespmem:v18+s30+$0x0] =	vst.idx.add.f32.msk $0xffff, v9;
	(pc) =	sbr.rel @p1 .LBB2_7-.Ltmp4, $4  }
0x196: {  	[tilespmem:v3+s30+$0x0] =	vst.idx.add.f32.msk $0xffff, v10  }
0x197: {  	[tilespmem:v4+s30+$0x0] =	vst.idx.add.f32.msk $0xffff, v11  }
0x198: {  	[tilespmem:v5+s30+$0x0] =	vst.idx.add.f32.msk $0xffff, v12  }
0x199: {  	s6 =	sadd.s32 $0x80, s6;
	[tilespmem:v6+s30+$0x0] =	vst.idx.add.f32.msk $0xffff, v13  }
0x19a: {  	_ = 	snop  }
.Ltmp5:
0x19b: {  	_ = 	snop;
	(pc) =	sbr.rel @p0 .LBB2_10-.Ltmp5, $3  }
0x19c: {  	_ =	sdelay $0x1  }
0x19d: {  	[tilespmem:v1+s30+$0x0] =	vst.idx.add.f32.msk $0xffff, v8  }
0x19e: {  	[tilespmem:v2+s30+$0x0] =	vst.idx.add.f32.msk $0xffff, v7  }
0x19f: {  	s5 =	smul.u32 $0x1900, s23  }
.Ltmp6:
0x1a0: {  	_ = 	snop;
	(pc) =	sbr.rel .LBB2_4-.Ltmp6, $4  }
0x1a1: {  	s5 =	sadd.s32 s5, s12  }
0x1a2: {  	s5 =	sshrl.u32 s5, $0x3  }
0x1a3: {  	s23 =	sadd.s32 $0x1, s23;
	s5 =	sadd.s32 s3, s5  }
0x1a4: {  	[tilespmem:s24], [sflag:$0x2] =	stream.linear.gather [hbm4b:s5+s2], $0xC80, $0x38;
	[tilespmem:$0x15500] =	vst v63  }
.LBB2_11:
0x1a5: {  	_ =	sfence.sel $0x180000  }
0x1a6: {  	[bflag:$0x0] =	sbarrier.arrive $0xFFFF  }
0x1a7: {  	_ =	strace $0x90000050  }
0x1a8: {  	s0 =	stileid.u32;
	[bflag:$0x2] =	sbarrier.arrive $0xFFFF  }
0x1a9: {  	p0 =	sne.s32 s0, $0x0;
	s0 =	rddreg [dreg:$0x1]  }
0x1aa: {  	s0 =	sadd.s32 @!p0 $0x100000, s0  }
0x1ab: {  	[sflag:s0] =	ssyncadd.tile.s32 @!p0 $0x1;
	_ =	shalt  }
.Lfunc_end2:
_tile_overlayer_lowered:
.L_overlay_start_2:
0x1ac: {  	(tag) =	ssettag $0x2  }
0x1ad: {  	s0 =	rddreg [dreg:$0x0];
	s2 =	stileid.u32  }
0x1ae: {  	s1 =	rddreg [dreg:$0x1];
	p0 =	sne.s32 s2, $0x0  }
0x1af: {  	s3 =	rddreg [dreg:$0x2];
	[bflag:$0x3] =	sbarrier.arrive $0xFFFF;
	s2 =	simm.s32 @!p0 $0x1C04  }
0x1b0: {  	[timem:s3], [sflag:s2] =	dma.local @!p0 [hbm:s0], s1  }
0x1b1: {  	s0 =	simm.s32 @!p0 $0x4  }
0x1b2: {  	_ =	swait.ge @!p0 [sflag:s0], s1  }
0x1b3: {  	s1 =	ssub.s32 @!p0 $0x0, s1;
	[sflag:s0] =	ssyncset.done @!p0 $0x0  }
0x1b4: {  	[sflag:s0] =	ssyncadd.s32 @!p0 s1  }
0x1b5: {  	[bflag:$0x3] =	sbarrier.arrive $0xFFFF  }
0x1b6: {  	_ =	shalt  }

</sc_bundles>
